<compile_context>
chip_gen: v7x
topology: tpu7x:2x2x1
jax: 0.10.2.dev20260603
libtpu: 0.0.44.dev20260713+nightly
codegen_flags: <defaults>
</compile_context>

<pallas_src>
import functools

import jax
import jax.numpy as jnp
from jax import lax
from jax.experimental import pallas as pl
from jax.experimental.pallas import tpu as pltpu
from jax.experimental.pallas import tpu_sc as plsc

BLK = 256
HI = jax.lax.Precision.HIGHEST


def _router_body(x_ref, rw_ref, rb_ref,
                 pos1_ref, pos2_ref, cw1_ref, cw2_ref, be_ref, bv_ref):
    N = x_ref.shape[0]
    E = rw_ref.shape[0]
    xb = x_ref[...]
    logits = jax.lax.dot_general(
        xb, rw_ref[...], (((1,), (1,)), ((), ())),
        preferred_element_type=jnp.float32)
    lb = logits + rb_ref[...]
    ex = jnp.exp(logits - jnp.max(logits, axis=-1, keepdims=True))
    scores = ex / jnp.sum(ex, axis=-1, keepdims=True)
    i1 = jnp.argmax(lb, axis=-1, keepdims=True)
    eiota = jax.lax.broadcasted_iota(jnp.int32, logits.shape, 1)
    masked = jnp.where(eiota == i1, -jnp.inf, lb)
    i2 = jnp.argmax(masked, axis=-1, keepdims=True)
    m1 = eiota == i1
    m2 = eiota == i2
    s1 = jnp.sum(jnp.where(m1, scores, 0.0), axis=-1, keepdims=True)
    s2 = jnp.sum(jnp.where(m2, scores, 0.0), axis=-1, keepdims=True)
    denom = s1 + s2
    cw1_ref[...] = s1 / denom
    cw2_ref[...] = s2 / denom

    oh1 = m1.astype(jnp.float32)
    oh2 = m2.astype(jnp.float32)

    c1tot = jnp.sum(oh1, axis=0, keepdims=True)
    counts = c1tot + jnp.sum(oh2, axis=0, keepdims=True)
    pcount = jnp.ceil(counts / BLK) * BLK
    re = jax.lax.broadcasted_iota(jnp.int32, (E, E), 0)
    ce = jax.lax.broadcasted_iota(jnp.int32, (E, E), 1)
    u8 = (re < ce).astype(jnp.float32)
    pstart = jnp.dot(pcount, u8, precision=HI)

    CH = 256
    r = jax.lax.broadcasted_iota(jnp.int32, (CH, CH), 0)
    c = jax.lax.broadcasted_iota(jnp.int32, (CH, CH), 1)
    lstrict = (r > c).astype(jnp.bfloat16)
    off1 = jnp.zeros((1, E), jnp.float32)
    off2 = c1tot
    for i in range(N // CH):
        ch1 = oh1[i * CH:(i + 1) * CH]
        ch2 = oh2[i * CH:(i + 1) * CH]
        p1 = jnp.dot(lstrict, ch1.astype(jnp.bfloat16),
                     preferred_element_type=jnp.float32) + (off1 + pstart)
        p2 = jnp.dot(lstrict, ch2.astype(jnp.bfloat16),
                     preferred_element_type=jnp.float32) + (off2 + pstart)
        pos1_ref[pl.ds(i * CH, CH), :] = jnp.sum(
            ch1 * p1, axis=-1, keepdims=True).astype(jnp.int32)
        pos2_ref[pl.ds(i * CH, CH), :] = jnp.sum(
            ch2 * p2, axis=-1, keepdims=True).astype(jnp.int32)
        off1 = off1 + jnp.sum(ch1, axis=0, keepdims=True)
        off2 = off2 + jnp.sum(ch2, axis=0, keepdims=True)

    pend = pstart + pcount
    biota = jax.lax.broadcasted_iota(
        jnp.int32, (1, 128), 1).astype(jnp.float32) * BLK
    be = jnp.zeros((1, 128), jnp.float32)
    for e in range(E):
        be = be + (biota >= pend[0, e]).astype(jnp.float32)
    be_ref[...] = jnp.minimum(be, E - 1).astype(jnp.int32)
    bv_ref[...] = (biota < pend[0, E - 1]).astype(jnp.int32)


def _shared_body(x_ref, sg_ref, su_ref, sd_ref, r1_ref, r2_ref,
                 cw1_ref, cw2_ref, out_ref):
    xb = x_ref[...]
    gs = jax.lax.dot_general(xb, sg_ref[...], (((1,), (1,)), ((), ())),
                             preferred_element_type=jnp.float32)
    us = jax.lax.dot_general(xb, su_ref[...], (((1,), (1,)), ((), ())),
                             preferred_element_type=jnp.float32)
    hs = (gs * jax.lax.logistic(gs) * us).astype(jnp.bfloat16)
    out_ref[...] = (cw1_ref[...] * r1_ref[...]
                    + cw2_ref[...] * r2_ref[...]
                    + jax.lax.dot_general(
                        hs, sd_ref[...], (((1,), (0,)), ((), ())),
                        preferred_element_type=jnp.float32))


def _grouped_body(be_ref, bv_ref, xs_ref, g_ref, u_ref, d_ref, out_ref):
    b = pl.program_id(0)

    @pl.when(bv_ref[b] == 1)
    def _():
        xb = xs_ref[...].astype(jnp.bfloat16)
        g = jax.lax.dot_general(xb, g_ref[0], (((1,), (1,)), ((), ())),
                                preferred_element_type=jnp.float32)
        u = jax.lax.dot_general(xb, u_ref[0], (((1,), (1,)), ((), ())),
                                preferred_element_type=jnp.float32)
        h = (g * jax.lax.logistic(g) * u).astype(jnp.bfloat16)
        out_ref[...] = jax.lax.dot_general(
            h, d_ref[0], (((1,), (0,)), ((), ())),
            preferred_element_type=jnp.float32)


def _sc_scatter_body(x_hbm, pos1_hbm, pos2_hbm, xs_hbm,
                     idx1a_v, idx1b_v, idx2a_v, idx2b_v,
                     rowsa_v, rowsb_v, sema, semb):
    nc = 2
    wid = lax.axis_index("s") * nc + lax.axis_index("c")
    idx1 = (idx1a_v, idx1b_v)
    idx2 = (idx2a_v, idx2b_v)
    rows = (rowsa_v, rowsb_v)
    sems = (sema, semb)
    pend = [None] * 4
    for c in range(4):
        sl = c % 2
        if c >= 2:
            pend[c - 2][0].wait()
            pend[c - 2][1].wait()
        base = wid * 128 + c * 32
        pltpu.sync_copy(pos1_hbm.at[pl.ds(base, 32)], idx1[sl])
        pltpu.sync_copy(pos2_hbm.at[pl.ds(base, 32)], idx2[sl])
        pltpu.sync_copy(x_hbm.at[pl.ds(base, 32)], rows[sl])
        pend[c] = (
            pltpu.async_copy(rows[sl], xs_hbm.at[idx1[sl]], sems[sl]),
            pltpu.async_copy(rows[sl], xs_hbm.at[idx2[sl]], sems[sl]),
        )
    for c in (2, 3):
        pend[c][0].wait()
        pend[c][1].wait()


def _sc_gather_body(eo_hbm, pos1_hbm, pos2_hbm, r1_hbm, r2_hbm,
                    idxa_v, idxb_v, rowsa_v, rowsb_v,
                    semga, semgb, semwa, semwb):
    nc = 2
    wid = lax.axis_index("s") * nc + lax.axis_index("c")
    idxs = (idxa_v, idxb_v)
    rows = (rowsa_v, rowsb_v)
    semg = (semga, semgb)
    semw = (semwa, semwb)
    units = [(ch, k) for ch in range(4) for k in range(2)]
    gd = [None] * 8
    wd = [None] * 8
    for u, (ch, k) in enumerate(units):
        sl = u % 2
        if u >= 2:
            wd[u - 2].wait()
        base = wid * 128 + ch * 32
        pos_hbm = pos1_hbm if k == 0 else pos2_hbm
        pltpu.sync_copy(pos_hbm.at[pl.ds(base, 32)], idxs[sl])
        gd[u] = pltpu.async_copy(eo_hbm.at[idxs[sl]], rows[sl], semg[sl])
        if u >= 1:
            pu = u - 1
            psl = pu % 2
            pch, pk = units[pu]
            pbase = wid * 128 + pch * 32
            pr_hbm = r1_hbm if pk == 0 else r2_hbm
            gd[pu].wait()
            wd[pu] = pltpu.async_copy(rows[psl], pr_hbm.at[pl.ds(pbase, 32)],
                                      semw[psl])
    gd[7].wait()
    wd[7] = pltpu.async_copy(rows[7 % 2], r2_hbm.at[pl.ds(wid * 128 + 96, 32)],
                             semw[7 % 2])
    wd[6].wait()
    wd[7].wait()


@jax.jit
def kernel(x, router_w, router_bias, gate_w, up_w, down_w,
           shared_gate_w, shared_up_w, shared_down_w):
    Bs, Ts, D = x.shape
    N = Bs * Ts
    E, H, _ = gate_w.shape
    NS, SH, _ = shared_gate_w.shape
    NB = N * 2 // BLK + E - 1
    NB = ((NB + 7) // 8) * 8
    P = NB * BLK
    flat = x.reshape(N, D)

    bf = jnp.bfloat16
    flat_bf = flat.astype(bf)
    rw = router_w.astype(bf)
    gw = gate_w.astype(bf)
    uw = up_w.astype(bf)
    dw = jnp.swapaxes(down_w, 1, 2).astype(bf)
    sg = shared_gate_w.reshape(NS * SH, D).astype(bf)
    su = shared_up_w.reshape(NS * SH, D).astype(bf)
    sd = jnp.swapaxes(shared_down_w, 1, 2).reshape(NS * SH, D).astype(bf)

    pos1, pos2, cw1, cw2, be2, bv2 = pl.pallas_call(
        _router_body,
        grid=(1,),
        in_specs=[
            pl.BlockSpec((N, D), lambda i: (0, 0)),
            pl.BlockSpec((E, D), lambda i: (0, 0)),
            pl.BlockSpec((E,), lambda i: (0,)),
        ],
        out_specs=[
            pl.BlockSpec((N, 1), lambda i: (0, 0)),
            pl.BlockSpec((N, 1), lambda i: (0, 0)),
            pl.BlockSpec((N, 1), lambda i: (0, 0)),
            pl.BlockSpec((N, 1), lambda i: (0, 0)),
            pl.BlockSpec((1, 128), lambda i: (0, 0)),
            pl.BlockSpec((1, 128), lambda i: (0, 0)),
        ],
        out_shape=[
            jax.ShapeDtypeStruct((N, 1), jnp.int32),
            jax.ShapeDtypeStruct((N, 1), jnp.int32),
            jax.ShapeDtypeStruct((N, 1), jnp.float32),
            jax.ShapeDtypeStruct((N, 1), jnp.float32),
            jax.ShapeDtypeStruct((1, 128), jnp.int32),
            jax.ShapeDtypeStruct((1, 128), jnp.int32),
        ],
    )(flat_bf, rw, router_bias)
    pos1f = pos1.reshape(N)
    pos2f = pos2.reshape(N)
    be = be2.reshape(128)[:NB]
    bv = bv2.reshape(128)[:NB]

    mesh = plsc.VectorSubcoreMesh(core_axis_name="c", subcore_axis_name="s")
    flat_f32 = flat.astype(jnp.float32)
    xs = pl.kernel(
        _sc_scatter_body,
        out_type=jax.ShapeDtypeStruct((P, D), jnp.float32),
        mesh=mesh,
        scratch_types=[
            pltpu.VMEM((32,), jnp.int32),
            pltpu.VMEM((32,), jnp.int32),
            pltpu.VMEM((32,), jnp.int32),
            pltpu.VMEM((32,), jnp.int32),
            pltpu.VMEM((32, D), jnp.float32),
            pltpu.VMEM((32, D), jnp.float32),
            pltpu.SemaphoreType.DMA,
            pltpu.SemaphoreType.DMA,
        ],
    )(flat_f32, pos1f, pos2f)

    eo2 = pl.pallas_call(
        _grouped_body,
        grid_spec=pltpu.PrefetchScalarGridSpec(
            num_scalar_prefetch=2,
            grid=(NB,),
            in_specs=[
                pl.BlockSpec((BLK, D), lambda b, be_r, bv_r: (b, 0)),
                pl.BlockSpec((1, H, D), lambda b, be_r, bv_r: (be_r[b], 0, 0)),
                pl.BlockSpec((1, H, D), lambda b, be_r, bv_r: (be_r[b], 0, 0)),
                pl.BlockSpec((1, H, D), lambda b, be_r, bv_r: (be_r[b], 0, 0)),
            ],
            out_specs=pl.BlockSpec((BLK, D), lambda b, be_r, bv_r: (b, 0)),
        ),
        out_shape=jax.ShapeDtypeStruct((P, D), jnp.float32),
    )(be, bv, xs, gw, uw, dw)

    r1, r2 = pl.kernel(
        _sc_gather_body,
        out_type=(
            jax.ShapeDtypeStruct((N, D), jnp.float32),
            jax.ShapeDtypeStruct((N, D), jnp.float32),
        ),
        mesh=mesh,
        scratch_types=[
            pltpu.VMEM((32,), jnp.int32),
            pltpu.VMEM((32,), jnp.int32),
            pltpu.VMEM((32, D), jnp.float32),
            pltpu.VMEM((32, D), jnp.float32),
            pltpu.SemaphoreType.DMA,
            pltpu.SemaphoreType.DMA,
            pltpu.SemaphoreType.DMA,
            pltpu.SemaphoreType.DMA,
        ],
    )(eo2, pos1f, pos2f)

    TB = 512
    out = pl.pallas_call(
        _shared_body,
        grid=(N // TB,),
        in_specs=[
            pl.BlockSpec((TB, D), lambda i: (i, 0)),
            pl.BlockSpec((NS * SH, D), lambda i: (0, 0)),
            pl.BlockSpec((NS * SH, D), lambda i: (0, 0)),
            pl.BlockSpec((NS * SH, D), lambda i: (0, 0)),
            pl.BlockSpec((TB, D), lambda i: (i, 0)),
            pl.BlockSpec((TB, D), lambda i: (i, 0)),
            pl.BlockSpec((TB, 1), lambda i: (i, 0)),
            pl.BlockSpec((TB, 1), lambda i: (i, 0)),
        ],
        out_specs=pl.BlockSpec((TB, D), lambda i: (i, 0)),
        out_shape=jax.ShapeDtypeStruct((N, D), jnp.float32),
    )(flat_bf, sg, su, sd, r1, r2, cw1, cw2)

    return out.reshape(Bs, Ts, D)

# --- scband reference (transcript-rebuilt; emitter-appended) ---
"""Pipeline reference for scband-mo-effn-41936060678259 (READ-ONLY COPY).

The authoritative reference and input builder live on the scoring server;
editing this copy changes nothing except your own understanding.
"""

import jax, jax.numpy as jnp
import numpy as np

DIM = 1024
E = 8
TOPK = 2
EXPERT_DIM = 512
N_SHARED = 2
SHARED_DIM = EXPERT_DIM * TOPK
B, T = 2, 2048


def setup_inputs(seed: int = 0) -> dict:
    key = jax.random.key(seed)
    ks = jax.random.split(key, 10)
    x = jax.random.normal(ks[0], (B, T, DIM), dtype=jnp.float32)
    router_w = jax.random.normal(ks[1], (E, DIM), dtype=jnp.float32) * 0.02
    router_bias = jnp.zeros((E,), dtype=jnp.float32)
    gate_w = jax.random.normal(ks[2], (E, EXPERT_DIM, DIM), dtype=jnp.float32) * 0.02
    up_w = jax.random.normal(ks[3], (E, EXPERT_DIM, DIM), dtype=jnp.float32) * 0.02
    down_w = jax.random.normal(ks[4], (E, DIM, EXPERT_DIM), dtype=jnp.float32) * 0.02
    shared_gate_w = jax.random.normal(ks[5], (N_SHARED, SHARED_DIM, DIM), dtype=jnp.float32) * 0.02
    shared_up_w = jax.random.normal(ks[6], (N_SHARED, SHARED_DIM, DIM), dtype=jnp.float32) * 0.02
    shared_down_w = jax.random.normal(ks[7], (N_SHARED, DIM, SHARED_DIM), dtype=jnp.float32) * 0.02
    return {"x": x, "router_w": router_w, "router_bias": router_bias,
            "gate_w": gate_w, "up_w": up_w, "down_w": down_w,
            "shared_gate_w": shared_gate_w, "shared_up_w": shared_up_w,
            "shared_down_w": shared_down_w}


def reference(x, router_w, router_bias, gate_w, up_w, down_w,
              shared_gate_w, shared_up_w, shared_down_w):
    Bs, Ts, D = x.shape
    flat = x.reshape(Bs * Ts, D)
    # router
    logits = flat @ router_w.T
    scores = jax.nn.softmax(logits, axis=-1)
    _, topk_idx = jax.lax.top_k(logits + router_bias[None, :], TOPK)
    topk_scores = jnp.take_along_axis(scores, topk_idx, axis=-1)
    topk_scores = topk_scores / jnp.sum(topk_scores, axis=-1, keepdims=True)
    # per-token combine weight over experts (equivalent to torch masked loop:
    # out[mask] += token_scores[mask] * expert_eid(flat[mask]))
    onehot = jax.nn.one_hot(topk_idx, E, dtype=flat.dtype)  # [N, K, E]
    combine = jnp.einsum('nk,nke->ne', topk_scores, onehot)  # [N, E]
    # routed experts (SwiGLU), computed densely then combined with routing weights
    g = jnp.einsum('nd,ehd->neh', flat, gate_w)
    u = jnp.einsum('nd,ehd->neh', flat, up_w)
    h = jax.nn.silu(g) * u
    eo = jnp.einsum('neh,edh->ned', h, down_w)
    out = jnp.einsum('ne,ned->nd', combine, eo)
    # shared experts, always active
    for s in range(N_SHARED):
        hs = jax.nn.silu(flat @ shared_gate_w[s].T) * (flat @ shared_up_w[s].T)
        out = out + hs @ shared_down_w[s].T
    return out.reshape(Bs, Ts, D)

if __name__ == "__main__":
    import jax
    _d = setup_inputs()
    print(jax.jit(kernel)(*tuple(_d.values())))

</pallas_src>

<mosaic_0001>
#map = affine_map<(d0, d1) -> (0, 0)>
#map1 = affine_map<(d0, d1) -> (0)>
module attributes {stable_mosaic.version = 14 : i64} {
  func.func @_sc_scatter_body(%arg0: i32, %arg1: i32, %arg2: memref<4096x1024xf32, #tpu.memory_space<hbm>>, %arg3: memref<4096xi32, #tpu.memory_space<hbm>>, %arg4: memref<4096xi32, #tpu.memory_space<hbm>>, %arg5: memref<10240x1024xf32, #tpu.memory_space<hbm>>, %arg6: memref<32xi32, #tpu.memory_space<vmem>>, %arg7: memref<32xi32, #tpu.memory_space<vmem>>, %arg8: memref<32xi32, #tpu.memory_space<vmem>>, %arg9: memref<32xi32, #tpu.memory_space<vmem>>, %arg10: memref<32x1024xf32, #tpu.memory_space<vmem>>, %arg11: memref<32x1024xf32, #tpu.memory_space<vmem>>, %arg12: memref<!tpu.dma_semaphore, #tpu.memory_space<semaphore_mem>>, %arg13: memref<!tpu.dma_semaphore, #tpu.memory_space<semaphore_mem>>) attributes {dimension_semantics = [#tpu.dimension_semantics<core_parallel>, #tpu.dimension_semantics<subcore_parallel>], iteration_bounds = array<i64: 2, 16>, scalar_prefetch = 0 : i64, scratch_operands = 8 : i64, tpu.core_type = #tpu.core_type<sc_vector_subcore>, window_params = [{transform_indices = #map}, {transform_indices = #map1}, {transform_indices = #map1}, {transform_indices = #map}]} {
    %mul3A = arith.constant 2 : i32
    %mul3A_0 = arith.muli %arg1, %mul3A : i32
    %add3A = arith.addi %mul3A_0, %arg0 : i32
    %mul3A_1 = arith.constant 128 : i32
    %mul3A_2 = arith.muli %add3A, %mul3A_1 : i32
    %add3A_3 = arith.constant 0 : i32
    %add3A_4 = arith.addi %mul3A_2, %add3A_3 : i32
    "tpu.region"() ({
      %run_scoped3A = tpu.sem_alloc : memref<!tpu.dma_semaphore, #tpu.memory_space<semaphore_mem>>
      %dma_start3A_63 = tpu.memref_slice %arg3[%add3A_4] : memref<4096xi32, #tpu.memory_space<hbm>> -> memref<32xi32, #tpu.memory_space<hbm>>
      %dma_start3A_64 = tpu.memref_slice %arg3[%add3A_4] : memref<4096xi32, #tpu.memory_space<hbm>> -> memref<32xi32, #tpu.memory_space<hbm>>
      tpu.enqueue_dma source(%dma_start3A_64 : memref<32xi32, #tpu.memory_space<hbm>>) target(%arg6 : memref<32xi32, #tpu.memory_space<vmem>>) target_semaphore(%run_scoped3A : memref<!tpu.dma_semaphore, #tpu.memory_space<semaphore_mem>>)
      %dma_wait3A_65 = tpu.memref_slice %arg3[%add3A_4] : memref<4096xi32, #tpu.memory_space<hbm>> -> memref<32xi32, #tpu.memory_space<hbm>>
      %dma_wait3A_66 = tpu.memref_slice %arg3[%add3A_4] : memref<4096xi32, #tpu.memory_space<hbm>> -> memref<32xi32, #tpu.memory_space<hbm>>
      tpu.wait_dma2 semaphore(%run_scoped3A : memref<!tpu.dma_semaphore, #tpu.memory_space<semaphore_mem>>) src(%dma_wait3A_66 : memref<32xi32, #tpu.memory_space<hbm>>) dst(%arg6 : memref<32xi32, #tpu.memory_space<vmem>>)
      tpu.yield
    }) : () -> ()
    "tpu.region"() ({
      %run_scoped3A = tpu.sem_alloc : memref<!tpu.dma_semaphore, #tpu.memory_space<semaphore_mem>>
      %dma_start3A_63 = tpu.memref_slice %arg4[%add3A_4] : memref<4096xi32, #tpu.memory_space<hbm>> -> memref<32xi32, #tpu.memory_space<hbm>>
      %dma_start3A_64 = tpu.memref_slice %arg4[%add3A_4] : memref<4096xi32, #tpu.memory_space<hbm>> -> memref<32xi32, #tpu.memory_space<hbm>>
      tpu.enqueue_dma source(%dma_start3A_64 : memref<32xi32, #tpu.memory_space<hbm>>) target(%arg8 : memref<32xi32, #tpu.memory_space<vmem>>) target_semaphore(%run_scoped3A : memref<!tpu.dma_semaphore, #tpu.memory_space<semaphore_mem>>)
      %dma_wait3A_65 = tpu.memref_slice %arg4[%add3A_4] : memref<4096xi32, #tpu.memory_space<hbm>> -> memref<32xi32, #tpu.memory_space<hbm>>
      %dma_wait3A_66 = tpu.memref_slice %arg4[%add3A_4] : memref<4096xi32, #tpu.memory_space<hbm>> -> memref<32xi32, #tpu.memory_space<hbm>>
      tpu.wait_dma2 semaphore(%run_scoped3A : memref<!tpu.dma_semaphore, #tpu.memory_space<semaphore_mem>>) src(%dma_wait3A_66 : memref<32xi32, #tpu.memory_space<hbm>>) dst(%arg8 : memref<32xi32, #tpu.memory_space<vmem>>)
      tpu.yield
    }) : () -> ()
    "tpu.region"() ({
      %run_scoped3A = tpu.sem_alloc : memref<!tpu.dma_semaphore, #tpu.memory_space<semaphore_mem>>
      %dma_start3A_63 = arith.constant 0 : i32
      %dma_start3A_64 = tpu.memref_slice %arg2[%add3A_4, %dma_start3A_63] : memref<4096x1024xf32, #tpu.memory_space<hbm>> -> memref<32x1024xf32, #tpu.memory_space<hbm>>
      %dma_start3A_65 = arith.constant 0 : i32
      %dma_start3A_66 = tpu.memref_slice %arg2[%add3A_4, %dma_start3A_65] : memref<4096x1024xf32, #tpu.memory_space<hbm>> -> memref<32x1024xf32, #tpu.memory_space<hbm>>
      tpu.enqueue_dma source(%dma_start3A_66 : memref<32x1024xf32, #tpu.memory_space<hbm>>) target(%arg10 : memref<32x1024xf32, #tpu.memory_space<vmem>>) target_semaphore(%run_scoped3A : memref<!tpu.dma_semaphore, #tpu.memory_space<semaphore_mem>>)
      %dma_wait3A_67 = arith.constant 0 : i32
      %dma_wait3A_68 = tpu.memref_slice %arg2[%add3A_4, %dma_wait3A_67] : memref<4096x1024xf32, #tpu.memory_space<hbm>> -> memref<32x1024xf32, #tpu.memory_space<hbm>>
      %dma_wait3A_69 = arith.constant 0 : i32
      %dma_wait3A_70 = tpu.memref_slice %arg2[%add3A_4, %dma_wait3A_69] : memref<4096x1024xf32, #tpu.memory_space<hbm>> -> memref<32x1024xf32, #tpu.memory_space<hbm>>
      tpu.wait_dma2 semaphore(%run_scoped3A : memref<!tpu.dma_semaphore, #tpu.memory_space<semaphore_mem>>) src(%dma_wait3A_70 : memref<32x1024xf32, #tpu.memory_space<hbm>>) dst(%arg10 : memref<32x1024xf32, #tpu.memory_space<vmem>>)
      tpu.yield
    }) : () -> ()
    %dma_start3A = arith.constant 0 : i32
    %dma_start3A_5 = arith.constant 0 : i32
    %dma_start3A_6 = tpu.memref_slice %arg5[%dma_start3A, %dma_start3A_5] : memref<10240x1024xf32, #tpu.memory_space<hbm>> -> memref<10240x1024xf32, #tpu.memory_space<hbm>>
    tpu.enqueue_indirect_dma source(%arg10 : memref<32x1024xf32, #tpu.memory_space<vmem>>) target(%dma_start3A_6 : memref<10240x1024xf32, #tpu.memory_space<hbm>>) offsets(%arg6 : memref<32xi32, #tpu.memory_space<vmem>>) semaphore(%arg12 : memref<!tpu.dma_semaphore, #tpu.memory_space<semaphore_mem>>)
    %dma_start3A_7 = arith.constant 0 : i32
    %dma_start3A_8 = arith.constant 0 : i32
    %dma_start3A_9 = tpu.memref_slice %arg5[%dma_start3A_7, %dma_start3A_8] : memref<10240x1024xf32, #tpu.memory_space<hbm>> -> memref<10240x1024xf32, #tpu.memory_space<hbm>>
    tpu.enqueue_indirect_dma source(%arg10 : memref<32x1024xf32, #tpu.memory_space<vmem>>) target(%dma_start3A_9 : memref<10240x1024xf32, #tpu.memory_space<hbm>>) offsets(%arg8 : memref<32xi32, #tpu.memory_space<vmem>>) semaphore(%arg12 : memref<!tpu.dma_semaphore, #tpu.memory_space<semaphore_mem>>)
    %mul3A_10 = arith.constant 128 : i32
    %mul3A_11 = arith.muli %add3A, %mul3A_10 : i32
    %add3A_12 = arith.constant 32 : i32
    %add3A_13 = arith.addi %mul3A_11, %add3A_12 : i32
    "tpu.region"() ({
      %run_scoped3A = tpu.sem_alloc : memref<!tpu.dma_semaphore, #tpu.memory_space<semaphore_mem>>
      %dma_start3A_63 = tpu.memref_slice %arg3[%add3A_13] : memref<4096xi32, #tpu.memory_space<hbm>> -> memref<32xi32, #tpu.memory_space<hbm>>
      %dma_start3A_64 = tpu.memref_slice %arg3[%add3A_13] : memref<4096xi32, #tpu.memory_space<hbm>> -> memref<32xi32, #tpu.memory_space<hbm>>
      tpu.enqueue_dma source(%dma_start3A_64 : memref<32xi32, #tpu.memory_space<hbm>>) target(%arg7 : memref<32xi32, #tpu.memory_space<vmem>>) target_semaphore(%run_scoped3A : memref<!tpu.dma_semaphore, #tpu.memory_space<semaphore_mem>>)
      %dma_wait3A_65 = tpu.memref_slice %arg3[%add3A_13] : memref<4096xi32, #tpu.memory_space<hbm>> -> memref<32xi32, #tpu.memory_space<hbm>>
      %dma_wait3A_66 = tpu.memref_slice %arg3[%add3A_13] : memref<4096xi32, #tpu.memory_space<hbm>> -> memref<32xi32, #tpu.memory_space<hbm>>
      tpu.wait_dma2 semaphore(%run_scoped3A : memref<!tpu.dma_semaphore, #tpu.memory_space<semaphore_mem>>) src(%dma_wait3A_66 : memref<32xi32, #tpu.memory_space<hbm>>) dst(%arg7 : memref<32xi32, #tpu.memory_space<vmem>>)
      tpu.yield
    }) : () -> ()
    "tpu.region"() ({
      %run_scoped3A = tpu.sem_alloc : memref<!tpu.dma_semaphore, #tpu.memory_space<semaphore_mem>>
      %dma_start3A_63 = tpu.memref_slice %arg4[%add3A_13] : memref<4096xi32, #tpu.memory_space<hbm>> -> memref<32xi32, #tpu.memory_space<hbm>>
      %dma_start3A_64 = tpu.memref_slice %arg4[%add3A_13] : memref<4096xi32, #tpu.memory_space<hbm>> -> memref<32xi32, #tpu.memory_space<hbm>>
      tpu.enqueue_dma source(%dma_start3A_64 : memref<32xi32, #tpu.memory_space<hbm>>) target(%arg9 : memref<32xi32, #tpu.memory_space<vmem>>) target_semaphore(%run_scoped3A : memref<!tpu.dma_semaphore, #tpu.memory_space<semaphore_mem>>)
      %dma_wait3A_65 = tpu.memref_slice %arg4[%add3A_13] : memref<4096xi32, #tpu.memory_space<hbm>> -> memref<32xi32, #tpu.memory_space<hbm>>
      %dma_wait3A_66 = tpu.memref_slice %arg4[%add3A_13] : memref<4096xi32, #tpu.memory_space<hbm>> -> memref<32xi32, #tpu.memory_space<hbm>>
      tpu.wait_dma2 semaphore(%run_scoped3A : memref<!tpu.dma_semaphore, #tpu.memory_space<semaphore_mem>>) src(%dma_wait3A_66 : memref<32xi32, #tpu.memory_space<hbm>>) dst(%arg9 : memref<32xi32, #tpu.memory_space<vmem>>)
      tpu.yield
    }) : () -> ()
    "tpu.region"() ({
      %run_scoped3A = tpu.sem_alloc : memref<!tpu.dma_semaphore, #tpu.memory_space<semaphore_mem>>
      %dma_start3A_63 = arith.constant 0 : i32
      %dma_start3A_64 = tpu.memref_slice %arg2[%add3A_13, %dma_start3A_63] : memref<4096x1024xf32, #tpu.memory_space<hbm>> -> memref<32x1024xf32, #tpu.memory_space<hbm>>
      %dma_start3A_65 = arith.constant 0 : i32
      %dma_start3A_66 = tpu.memref_slice %arg2[%add3A_13, %dma_start3A_65] : memref<4096x1024xf32, #tpu.memory_space<hbm>> -> memref<32x1024xf32, #tpu.memory_space<hbm>>
      tpu.enqueue_dma source(%dma_start3A_66 : memref<32x1024xf32, #tpu.memory_space<hbm>>) target(%arg11 : memref<32x1024xf32, #tpu.memory_space<vmem>>) target_semaphore(%run_scoped3A : memref<!tpu.dma_semaphore, #tpu.memory_space<semaphore_mem>>)
      %dma_wait3A_67 = arith.constant 0 : i32
      %dma_wait3A_68 = tpu.memref_slice %arg2[%add3A_13, %dma_wait3A_67] : memref<4096x1024xf32, #tpu.memory_space<hbm>> -> memref<32x1024xf32, #tpu.memory_space<hbm>>
      %dma_wait3A_69 = arith.constant 0 : i32
      %dma_wait3A_70 = tpu.memref_slice %arg2[%add3A_13, %dma_wait3A_69] : memref<4096x1024xf32, #tpu.memory_space<hbm>> -> memref<32x1024xf32, #tpu.memory_space<hbm>>
      tpu.wait_dma2 semaphore(%run_scoped3A : memref<!tpu.dma_semaphore, #tpu.memory_space<semaphore_mem>>) src(%dma_wait3A_70 : memref<32x1024xf32, #tpu.memory_space<hbm>>) dst(%arg11 : memref<32x1024xf32, #tpu.memory_space<vmem>>)
      tpu.yield
    }) : () -> ()
    %dma_start3A_14 = arith.constant 0 : i32
    %dma_start3A_15 = arith.constant 0 : i32
    %dma_start3A_16 = tpu.memref_slice %arg5[%dma_start3A_14, %dma_start3A_15] : memref<10240x1024xf32, #tpu.memory_space<hbm>> -> memref<10240x1024xf32, #tpu.memory_space<hbm>>
    tpu.enqueue_indirect_dma source(%arg11 : memref<32x1024xf32, #tpu.memory_space<vmem>>) target(%dma_start3A_16 : memref<10240x1024xf32, #tpu.memory_space<hbm>>) offsets(%arg7 : memref<32xi32, #tpu.memory_space<vmem>>) semaphore(%arg13 : memref<!tpu.dma_semaphore, #tpu.memory_space<semaphore_mem>>)
    %dma_start3A_17 = arith.constant 0 : i32
    %dma_start3A_18 = arith.constant 0 : i32
    %dma_start3A_19 = tpu.memref_slice %arg5[%dma_start3A_17, %dma_start3A_18] : memref<10240x1024xf32, #tpu.memory_space<hbm>> -> memref<10240x1024xf32, #tpu.memory_space<hbm>>
    tpu.enqueue_indirect_dma source(%arg11 : memref<32x1024xf32, #tpu.memory_space<vmem>>) target(%dma_start3A_19 : memref<10240x1024xf32, #tpu.memory_space<hbm>>) offsets(%arg9 : memref<32xi32, #tpu.memory_space<vmem>>) semaphore(%arg13 : memref<!tpu.dma_semaphore, #tpu.memory_space<semaphore_mem>>)
    %dma_wait3A = arith.constant 0 : i32
    %dma_wait3A_20 = arith.constant 0 : i32
    %dma_wait3A_21 = tpu.memref_slice %arg5[%dma_wait3A, %dma_wait3A_20] : memref<10240x1024xf32, #tpu.memory_space<hbm>> -> memref<10240x1024xf32, #tpu.memory_space<hbm>>
    tpu.wait_indirect_dma semaphore(%arg12 : memref<!tpu.dma_semaphore, #tpu.memory_space<semaphore_mem>>) src(%arg10 : memref<32x1024xf32, #tpu.memory_space<vmem>>) dst(%dma_wait3A_21 : memref<10240x1024xf32, #tpu.memory_space<hbm>>)
    %dma_wait3A_22 = arith.constant 0 : i32
    %dma_wait3A_23 = arith.constant 0 : i32
    %dma_wait3A_24 = tpu.memref_slice %arg5[%dma_wait3A_22, %dma_wait3A_23] : memref<10240x1024xf32, #tpu.memory_space<hbm>> -> memref<10240x1024xf32, #tpu.memory_space<hbm>>
    tpu.wait_indirect_dma semaphore(%arg12 : memref<!tpu.dma_semaphore, #tpu.memory_space<semaphore_mem>>) src(%arg10 : memref<32x1024xf32, #tpu.memory_space<vmem>>) dst(%dma_wait3A_24 : memref<10240x1024xf32, #tpu.memory_space<hbm>>)
    %mul3A_25 = arith.constant 128 : i32
    %mul3A_26 = arith.muli %add3A, %mul3A_25 : i32
    %add3A_27 = arith.constant 64 : i32
    %add3A_28 = arith.addi %mul3A_26, %add3A_27 : i32
    "tpu.region"() ({
      %run_scoped3A = tpu.sem_alloc : memref<!tpu.dma_semaphore, #tpu.memory_space<semaphore_mem>>
      %dma_start3A_63 = tpu.memref_slice %arg3[%add3A_28] : memref<4096xi32, #tpu.memory_space<hbm>> -> memref<32xi32, #tpu.memory_space<hbm>>
      %dma_start3A_64 = tpu.memref_slice %arg3[%add3A_28] : memref<4096xi32, #tpu.memory_space<hbm>> -> memref<32xi32, #tpu.memory_space<hbm>>
      tpu.enqueue_dma source(%dma_start3A_64 : memref<32xi32, #tpu.memory_space<hbm>>) target(%arg6 : memref<32xi32, #tpu.memory_space<vmem>>) target_semaphore(%run_scoped3A : memref<!tpu.dma_semaphore, #tpu.memory_space<semaphore_mem>>)
      %dma_wait3A_65 = tpu.memref_slice %arg3[%add3A_28] : memref<4096xi32, #tpu.memory_space<hbm>> -> memref<32xi32, #tpu.memory_space<hbm>>
      %dma_wait3A_66 = tpu.memref_slice %arg3[%add3A_28] : memref<4096xi32, #tpu.memory_space<hbm>> -> memref<32xi32, #tpu.memory_space<hbm>>
      tpu.wait_dma2 semaphore(%run_scoped3A : memref<!tpu.dma_semaphore, #tpu.memory_space<semaphore_mem>>) src(%dma_wait3A_66 : memref<32xi32, #tpu.memory_space<hbm>>) dst(%arg6 : memref<32xi32, #tpu.memory_space<vmem>>)
      tpu.yield
    }) : () -> ()
    "tpu.region"() ({
      %run_scoped3A = tpu.sem_alloc : memref<!tpu.dma_semaphore, #tpu.memory_space<semaphore_mem>>
      %dma_start3A_63 = tpu.memref_slice %arg4[%add3A_28] : memref<4096xi32, #tpu.memory_space<hbm>> -> memref<32xi32, #tpu.memory_space<hbm>>
      %dma_start3A_64 = tpu.memref_slice %arg4[%add3A_28] : memref<4096xi32, #tpu.memory_space<hbm>> -> memref<32xi32, #tpu.memory_space<hbm>>
      tpu.enqueue_dma source(%dma_start3A_64 : memref<32xi32, #tpu.memory_space<hbm>>) target(%arg8 : memref<32xi32, #tpu.memory_space<vmem>>) target_semaphore(%run_scoped3A : memref<!tpu.dma_semaphore, #tpu.memory_space<semaphore_mem>>)
      %dma_wait3A_65 = tpu.memref_slice %arg4[%add3A_28] : memref<4096xi32, #tpu.memory_space<hbm>> -> memref<32xi32, #tpu.memory_space<hbm>>
      %dma_wait3A_66 = tpu.memref_slice %arg4[%add3A_28] : memref<4096xi32, #tpu.memory_space<hbm>> -> memref<32xi32, #tpu.memory_space<hbm>>
      tpu.wait_dma2 semaphore(%run_scoped3A : memref<!tpu.dma_semaphore, #tpu.memory_space<semaphore_mem>>) src(%dma_wait3A_66 : memref<32xi32, #tpu.memory_space<hbm>>) dst(%arg8 : memref<32xi32, #tpu.memory_space<vmem>>)
      tpu.yield
    }) : () -> ()
    "tpu.region"() ({
      %run_scoped3A = tpu.sem_alloc : memref<!tpu.dma_semaphore, #tpu.memory_space<semaphore_mem>>
      %dma_start3A_63 = arith.constant 0 : i32
      %dma_start3A_64 = tpu.memref_slice %arg2[%add3A_28, %dma_start3A_63] : memref<4096x1024xf32, #tpu.memory_space<hbm>> -> memref<32x1024xf32, #tpu.memory_space<hbm>>
      %dma_start3A_65 = arith.constant 0 : i32
      %dma_start3A_66 = tpu.memref_slice %arg2[%add3A_28, %dma_start3A_65] : memref<4096x1024xf32, #tpu.memory_space<hbm>> -> memref<32x1024xf32, #tpu.memory_space<hbm>>
      tpu.enqueue_dma source(%dma_start3A_66 : memref<32x1024xf32, #tpu.memory_space<hbm>>) target(%arg10 : memref<32x1024xf32, #tpu.memory_space<vmem>>) target_semaphore(%run_scoped3A : memref<!tpu.dma_semaphore, #tpu.memory_space<semaphore_mem>>)
      %dma_wait3A_67 = arith.constant 0 : i32
      %dma_wait3A_68 = tpu.memref_slice %arg2[%add3A_28, %dma_wait3A_67] : memref<4096x1024xf32, #tpu.memory_space<hbm>> -> memref<32x1024xf32, #tpu.memory_space<hbm>>
      %dma_wait3A_69 = arith.constant 0 : i32
      %dma_wait3A_70 = tpu.memref_slice %arg2[%add3A_28, %dma_wait3A_69] : memref<4096x1024xf32, #tpu.memory_space<hbm>> -> memref<32x1024xf32, #tpu.memory_space<hbm>>
      tpu.wait_dma2 semaphore(%run_scoped3A : memref<!tpu.dma_semaphore, #tpu.memory_space<semaphore_mem>>) src(%dma_wait3A_70 : memref<32x1024xf32, #tpu.memory_space<hbm>>) dst(%arg10 : memref<32x1024xf32, #tpu.memory_space<vmem>>)
      tpu.yield
    }) : () -> ()
    %dma_start3A_29 = arith.constant 0 : i32
    %dma_start3A_30 = arith.constant 0 : i32
    %dma_start3A_31 = tpu.memref_slice %arg5[%dma_start3A_29, %dma_start3A_30] : memref<10240x1024xf32, #tpu.memory_space<hbm>> -> memref<10240x1024xf32, #tpu.memory_space<hbm>>
    tpu.enqueue_indirect_dma source(%arg10 : memref<32x1024xf32, #tpu.memory_space<vmem>>) target(%dma_start3A_31 : memref<10240x1024xf32, #tpu.memory_space<hbm>>) offsets(%arg6 : memref<32xi32, #tpu.memory_space<vmem>>) semaphore(%arg12 : memref<!tpu.dma_semaphore, #tpu.memory_space<semaphore_mem>>)
    %dma_start3A_32 = arith.constant 0 : i32
    %dma_start3A_33 = arith.constant 0 : i32
    %dma_start3A_34 = tpu.memref_slice %arg5[%dma_start3A_32, %dma_start3A_33] : memref<10240x1024xf32, #tpu.memory_space<hbm>> -> memref<10240x1024xf32, #tpu.memory_space<hbm>>
    tpu.enqueue_indirect_dma source(%arg10 : memref<32x1024xf32, #tpu.memory_space<vmem>>) target(%dma_start3A_34 : memref<10240x1024xf32, #tpu.memory_space<hbm>>) offsets(%arg8 : memref<32xi32, #tpu.memory_space<vmem>>) semaphore(%arg12 : memref<!tpu.dma_semaphore, #tpu.memory_space<semaphore_mem>>)
    %dma_wait3A_35 = arith.constant 0 : i32
    %dma_wait3A_36 = arith.constant 0 : i32
    %dma_wait3A_37 = tpu.memref_slice %arg5[%dma_wait3A_35, %dma_wait3A_36] : memref<10240x1024xf32, #tpu.memory_space<hbm>> -> memref<10240x1024xf32, #tpu.memory_space<hbm>>
    tpu.wait_indirect_dma semaphore(%arg13 : memref<!tpu.dma_semaphore, #tpu.memory_space<semaphore_mem>>) src(%arg11 : memref<32x1024xf32, #tpu.memory_space<vmem>>) dst(%dma_wait3A_37 : memref<10240x1024xf32, #tpu.memory_space<hbm>>)
    %dma_wait3A_38 = arith.constant 0 : i32
    %dma_wait3A_39 = arith.constant 0 : i32
    %dma_wait3A_40 = tpu.memref_slice %arg5[%dma_wait3A_38, %dma_wait3A_39] : memref<10240x1024xf32, #tpu.memory_space<hbm>> -> memref<10240x1024xf32, #tpu.memory_space<hbm>>
    tpu.wait_indirect_dma semaphore(%arg13 : memref<!tpu.dma_semaphore, #tpu.memory_space<semaphore_mem>>) src(%arg11 : memref<32x1024xf32, #tpu.memory_space<vmem>>) dst(%dma_wait3A_40 : memref<10240x1024xf32, #tpu.memory_space<hbm>>)
    %mul3A_41 = arith.constant 128 : i32
    %mul3A_42 = arith.muli %add3A, %mul3A_41 : i32
    %add3A_43 = arith.constant 96 : i32
    %add3A_44 = arith.addi %mul3A_42, %add3A_43 : i32
    "tpu.region"() ({
      %run_scoped3A = tpu.sem_alloc : memref<!tpu.dma_semaphore, #tpu.memory_space<semaphore_mem>>
      %dma_start3A_63 = tpu.memref_slice %arg3[%add3A_44] : memref<4096xi32, #tpu.memory_space<hbm>> -> memref<32xi32, #tpu.memory_space<hbm>>
      %dma_start3A_64 = tpu.memref_slice %arg3[%add3A_44] : memref<4096xi32, #tpu.memory_space<hbm>> -> memref<32xi32, #tpu.memory_space<hbm>>
      tpu.enqueue_dma source(%dma_start3A_64 : memref<32xi32, #tpu.memory_space<hbm>>) target(%arg7 : memref<32xi32, #tpu.memory_space<vmem>>) target_semaphore(%run_scoped3A : memref<!tpu.dma_semaphore, #tpu.memory_space<semaphore_mem>>)
      %dma_wait3A_65 = tpu.memref_slice %arg3[%add3A_44] : memref<4096xi32, #tpu.memory_space<hbm>> -> memref<32xi32, #tpu.memory_space<hbm>>
      %dma_wait3A_66 = tpu.memref_slice %arg3[%add3A_44] : memref<4096xi32, #tpu.memory_space<hbm>> -> memref<32xi32, #tpu.memory_space<hbm>>
      tpu.wait_dma2 semaphore(%run_scoped3A : memref<!tpu.dma_semaphore, #tpu.memory_space<semaphore_mem>>) src(%dma_wait3A_66 : memref<32xi32, #tpu.memory_space<hbm>>) dst(%arg7 : memref<32xi32, #tpu.memory_space<vmem>>)
      tpu.yield
    }) : () -> ()
    "tpu.region"() ({
      %run_scoped3A = tpu.sem_alloc : memref<!tpu.dma_semaphore, #tpu.memory_space<semaphore_mem>>
      %dma_start3A_63 = tpu.memref_slice %arg4[%add3A_44] : memref<4096xi32, #tpu.memory_space<hbm>> -> memref<32xi32, #tpu.memory_space<hbm>>
      %dma_start3A_64 = tpu.memref_slice %arg4[%add3A_44] : memref<4096xi32, #tpu.memory_space<hbm>> -> memref<32xi32, #tpu.memory_space<hbm>>
      tpu.enqueue_dma source(%dma_start3A_64 : memref<32xi32, #tpu.memory_space<hbm>>) target(%arg9 : memref<32xi32, #tpu.memory_space<vmem>>) target_semaphore(%run_scoped3A : memref<!tpu.dma_semaphore, #tpu.memory_space<semaphore_mem>>)
      %dma_wait3A_65 = tpu.memref_slice %arg4[%add3A_44] : memref<4096xi32, #tpu.memory_space<hbm>> -> memref<32xi32, #tpu.memory_space<hbm>>
      %dma_wait3A_66 = tpu.memref_slice %arg4[%add3A_44] : memref<4096xi32, #tpu.memory_space<hbm>> -> memref<32xi32, #tpu.memory_space<hbm>>
      tpu.wait_dma2 semaphore(%run_scoped3A : memref<!tpu.dma_semaphore, #tpu.memory_space<semaphore_mem>>) src(%dma_wait3A_66 : memref<32xi32, #tpu.memory_space<hbm>>) dst(%arg9 : memref<32xi32, #tpu.memory_space<vmem>>)
      tpu.yield
    }) : () -> ()
    "tpu.region"() ({
      %run_scoped3A = tpu.sem_alloc : memref<!tpu.dma_semaphore, #tpu.memory_space<semaphore_mem>>
      %dma_start3A_63 = arith.constant 0 : i32
      %dma_start3A_64 = tpu.memref_slice %arg2[%add3A_44, %dma_start3A_63] : memref<4096x1024xf32, #tpu.memory_space<hbm>> -> memref<32x1024xf32, #tpu.memory_space<hbm>>
      %dma_start3A_65 = arith.constant 0 : i32
      %dma_start3A_66 = tpu.memref_slice %arg2[%add3A_44, %dma_start3A_65] : memref<4096x1024xf32, #tpu.memory_space<hbm>> -> memref<32x1024xf32, #tpu.memory_space<hbm>>
      tpu.enqueue_dma source(%dma_start3A_66 : memref<32x1024xf32, #tpu.memory_space<hbm>>) target(%arg11 : memref<32x1024xf32, #tpu.memory_space<vmem>>) target_semaphore(%run_scoped3A : memref<!tpu.dma_semaphore, #tpu.memory_space<semaphore_mem>>)
      %dma_wait3A_67 = arith.constant 0 : i32
      %dma_wait3A_68 = tpu.memref_slice %arg2[%add3A_44, %dma_wait3A_67] : memref<4096x1024xf32, #tpu.memory_space<hbm>> -> memref<32x1024xf32, #tpu.memory_space<hbm>>
      %dma_wait3A_69 = arith.constant 0 : i32
      %dma_wait3A_70 = tpu.memref_slice %arg2[%add3A_44, %dma_wait3A_69] : memref<4096x1024xf32, #tpu.memory_space<hbm>> -> memref<32x1024xf32, #tpu.memory_space<hbm>>
      tpu.wait_dma2 semaphore(%run_scoped3A : memref<!tpu.dma_semaphore, #tpu.memory_space<semaphore_mem>>) src(%dma_wait3A_70 : memref<32x1024xf32, #tpu.memory_space<hbm>>) dst(%arg11 : memref<32x1024xf32, #tpu.memory_space<vmem>>)
      tpu.yield
    }) : () -> ()
    %dma_start3A_45 = arith.constant 0 : i32
    %dma_start3A_46 = arith.constant 0 : i32
    %dma_start3A_47 = tpu.memref_slice %arg5[%dma_start3A_45, %dma_start3A_46] : memref<10240x1024xf32, #tpu.memory_space<hbm>> -> memref<10240x1024xf32, #tpu.memory_space<hbm>>
    tpu.enqueue_indirect_dma source(%arg11 : memref<32x1024xf32, #tpu.memory_space<vmem>>) target(%dma_start3A_47 : memref<10240x1024xf32, #tpu.memory_space<hbm>>) offsets(%arg7 : memref<32xi32, #tpu.memory_space<vmem>>) semaphore(%arg13 : memref<!tpu.dma_semaphore, #tpu.memory_space<semaphore_mem>>)
    %dma_start3A_48 = arith.constant 0 : i32
    %dma_start3A_49 = arith.constant 0 : i32
    %dma_start3A_50 = tpu.memref_slice %arg5[%dma_start3A_48, %dma_start3A_49] : memref<10240x1024xf32, #tpu.memory_space<hbm>> -> memref<10240x1024xf32, #tpu.memory_space<hbm>>
    tpu.enqueue_indirect_dma source(%arg11 : memref<32x1024xf32, #tpu.memory_space<vmem>>) target(%dma_start3A_50 : memref<10240x1024xf32, #tpu.memory_space<hbm>>) offsets(%arg9 : memref<32xi32, #tpu.memory_space<vmem>>) semaphore(%arg13 : memref<!tpu.dma_semaphore, #tpu.memory_space<semaphore_mem>>)
    %dma_wait3A_51 = arith.constant 0 : i32
    %dma_wait3A_52 = arith.constant 0 : i32
    %dma_wait3A_53 = tpu.memref_slice %arg5[%dma_wait3A_51, %dma_wait3A_52] : memref<10240x1024xf32, #tpu.memory_space<hbm>> -> memref<10240x1024xf32, #tpu.memory_space<hbm>>
    tpu.wait_indirect_dma semaphore(%arg12 : memref<!tpu.dma_semaphore, #tpu.memory_space<semaphore_mem>>) src(%arg10 : memref<32x1024xf32, #tpu.memory_space<vmem>>) dst(%dma_wait3A_53 : memref<10240x1024xf32, #tpu.memory_space<hbm>>)
    %dma_wait3A_54 = arith.constant 0 : i32
    %dma_wait3A_55 = arith.constant 0 : i32
    %dma_wait3A_56 = tpu.memref_slice %arg5[%dma_wait3A_54, %dma_wait3A_55] : memref<10240x1024xf32, #tpu.memory_space<hbm>> -> memref<10240x1024xf32, #tpu.memory_space<hbm>>
    tpu.wait_indirect_dma semaphore(%arg12 : memref<!tpu.dma_semaphore, #tpu.memory_space<semaphore_mem>>) src(%arg10 : memref<32x1024xf32, #tpu.memory_space<vmem>>) dst(%dma_wait3A_56 : memref<10240x1024xf32, #tpu.memory_space<hbm>>)
    %dma_wait3A_57 = arith.constant 0 : i32
    %dma_wait3A_58 = arith.constant 0 : i32
    %dma_wait3A_59 = tpu.memref_slice %arg5[%dma_wait3A_57, %dma_wait3A_58] : memref<10240x1024xf32, #tpu.memory_space<hbm>> -> memref<10240x1024xf32, #tpu.memory_space<hbm>>
    tpu.wait_indirect_dma semaphore(%arg13 : memref<!tpu.dma_semaphore, #tpu.memory_space<semaphore_mem>>) src(%arg11 : memref<32x1024xf32, #tpu.memory_space<vmem>>) dst(%dma_wait3A_59 : memref<10240x1024xf32, #tpu.memory_space<hbm>>)
    %dma_wait3A_60 = arith.constant 0 : i32
    %dma_wait3A_61 = arith.constant 0 : i32
    %dma_wait3A_62 = tpu.memref_slice %arg5[%dma_wait3A_60, %dma_wait3A_61] : memref<10240x1024xf32, #tpu.memory_space<hbm>> -> memref<10240x1024xf32, #tpu.memory_space<hbm>>
    tpu.wait_indirect_dma semaphore(%arg13 : memref<!tpu.dma_semaphore, #tpu.memory_space<semaphore_mem>>) src(%arg11 : memref<32x1024xf32, #tpu.memory_space<vmem>>) dst(%dma_wait3A_62 : memref<10240x1024xf32, #tpu.memory_space<hbm>>)
    return
  }
}

#map = affine_map<(d0, d1) -> (0, 0)>
#map1 = affine_map<(d0, d1) -> (0)>
module attributes {stable_mosaic.version = 14 : i64} {
  func.func @_sc_gather_body(%arg0: i32, %arg1: i32, %arg2: memref<10240x1024xf32, #tpu.memory_space<hbm>>, %arg3: memref<4096xi32, #tpu.memory_space<hbm>>, %arg4: memref<4096xi32, #tpu.memory_space<hbm>>, %arg5: memref<4096x1024xf32, #tpu.memory_space<hbm>>, %arg6: memref<4096x1024xf32, #tpu.memory_space<hbm>>, %arg7: memref<32xi32, #tpu.memory_space<vmem>>, %arg8: memref<32xi32, #tpu.memory_space<vmem>>, %arg9: memref<32x1024xf32, #tpu.memory_space<vmem>>, %arg10: memref<32x1024xf32, #tpu.memory_space<vmem>>, %arg11: memref<!tpu.dma_semaphore, #tpu.memory_space<semaphore_mem>>, %arg12: memref<!tpu.dma_semaphore, #tpu.memory_space<semaphore_mem>>, %arg13: memref<!tpu.dma_semaphore, #tpu.memory_space<semaphore_mem>>, %arg14: memref<!tpu.dma_semaphore, #tpu.memory_space<semaphore_mem>>) attributes {dimension_semantics = [#tpu.dimension_semantics<core_parallel>, #tpu.dimension_semantics<subcore_parallel>], iteration_bounds = array<i64: 2, 16>, scalar_prefetch = 0 : i64, scratch_operands = 8 : i64, tpu.core_type = #tpu.core_type<sc_vector_subcore>, window_params = [{transform_indices = #map}, {transform_indices = #map1}, {transform_indices = #map1}, {transform_indices = #map}, {transform_indices = #map}]} {
    %mul3A = arith.constant 2 : i32
    %mul3A_0 = arith.muli %arg1, %mul3A : i32
    %add3A = arith.addi %mul3A_0, %arg0 : i32
    %mul3A_1 = arith.constant 128 : i32
    %mul3A_2 = arith.muli %add3A, %mul3A_1 : i32
    %add3A_3 = arith.constant 0 : i32
    %add3A_4 = arith.addi %mul3A_2, %add3A_3 : i32
    "tpu.region"() ({
      %run_scoped3A = tpu.sem_alloc : memref<!tpu.dma_semaphore, #tpu.memory_space<semaphore_mem>>
      %dma_start3A_175 = tpu.memref_slice %arg3[%add3A_4] : memref<4096xi32, #tpu.memory_space<hbm>> -> memref<32xi32, #tpu.memory_space<hbm>>
      %dma_start3A_176 = tpu.memref_slice %arg3[%add3A_4] : memref<4096xi32, #tpu.memory_space<hbm>> -> memref<32xi32, #tpu.memory_space<hbm>>
      tpu.enqueue_dma source(%dma_start3A_176 : memref<32xi32, #tpu.memory_space<hbm>>) target(%arg7 : memref<32xi32, #tpu.memory_space<vmem>>) target_semaphore(%run_scoped3A : memref<!tpu.dma_semaphore, #tpu.memory_space<semaphore_mem>>)
      %dma_wait3A_177 = tpu.memref_slice %arg3[%add3A_4] : memref<4096xi32, #tpu.memory_space<hbm>> -> memref<32xi32, #tpu.memory_space<hbm>>
      %dma_wait3A_178 = tpu.memref_slice %arg3[%add3A_4] : memref<4096xi32, #tpu.memory_space<hbm>> -> memref<32xi32, #tpu.memory_space<hbm>>
      tpu.wait_dma2 semaphore(%run_scoped3A : memref<!tpu.dma_semaphore, #tpu.memory_space<semaphore_mem>>) src(%dma_wait3A_178 : memref<32xi32, #tpu.memory_space<hbm>>) dst(%arg7 : memref<32xi32, #tpu.memory_space<vmem>>)
      tpu.yield
    }) : () -> ()
    %dma_start3A = arith.constant 0 : i32
    %dma_start3A_5 = arith.constant 0 : i32
    %dma_start3A_6 = tpu.memref_slice %arg2[%dma_start3A, %dma_start3A_5] : memref<10240x1024xf32, #tpu.memory_space<hbm>> -> memref<10240x1024xf32, #tpu.memory_space<hbm>>
    tpu.enqueue_indirect_dma source(%dma_start3A_6 : memref<10240x1024xf32, #tpu.memory_space<hbm>>) target(%arg9 : memref<32x1024xf32, #tpu.memory_space<vmem>>) offsets(%arg7 : memref<32xi32, #tpu.memory_space<vmem>>) semaphore(%arg11 : memref<!tpu.dma_semaphore, #tpu.memory_space<semaphore_mem>>)
    %mul3A_7 = arith.constant 128 : i32
    %mul3A_8 = arith.muli %add3A, %mul3A_7 : i32
    %add3A_9 = arith.constant 0 : i32
    %add3A_10 = arith.addi %mul3A_8, %add3A_9 : i32
    "tpu.region"() ({
      %run_scoped3A = tpu.sem_alloc : memref<!tpu.dma_semaphore, #tpu.memory_space<semaphore_mem>>
      %dma_start3A_175 = tpu.memref_slice %arg4[%add3A_10] : memref<4096xi32, #tpu.memory_space<hbm>> -> memref<32xi32, #tpu.memory_space<hbm>>
      %dma_start3A_176 = tpu.memref_slice %arg4[%add3A_10] : memref<4096xi32, #tpu.memory_space<hbm>> -> memref<32xi32, #tpu.memory_space<hbm>>
      tpu.enqueue_dma source(%dma_start3A_176 : memref<32xi32, #tpu.memory_space<hbm>>) target(%arg8 : memref<32xi32, #tpu.memory_space<vmem>>) target_semaphore(%run_scoped3A : memref<!tpu.dma_semaphore, #tpu.memory_space<semaphore_mem>>)
      %dma_wait3A_177 = tpu.memref_slice %arg4[%add3A_10] : memref<4096xi32, #tpu.memory_space<hbm>> -> memref<32xi32, #tpu.memory_space<hbm>>
      %dma_wait3A_178 = tpu.memref_slice %arg4[%add3A_10] : memref<4096xi32, #tpu.memory_space<hbm>> -> memref<32xi32, #tpu.memory_space<hbm>>
      tpu.wait_dma2 semaphore(%run_scoped3A : memref<!tpu.dma_semaphore, #tpu.memory_space<semaphore_mem>>) src(%dma_wait3A_178 : memref<32xi32, #tpu.memory_space<hbm>>) dst(%arg8 : memref<32xi32, #tpu.memory_space<vmem>>)
      tpu.yield
    }) : () -> ()
    %dma_start3A_11 = arith.constant 0 : i32
    %dma_start3A_12 = arith.constant 0 : i32
    %dma_start3A_13 = tpu.memref_slice %arg2[%dma_start3A_11, %dma_start3A_12] : memref<10240x1024xf32, #tpu.memory_space<hbm>> -> memref<10240x1024xf32, #tpu.memory_space<hbm>>
    tpu.enqueue_indirect_dma source(%dma_start3A_13 : memref<10240x1024xf32, #tpu.memory_space<hbm>>) target(%arg10 : memref<32x1024xf32, #tpu.memory_space<vmem>>) offsets(%arg8 : memref<32xi32, #tpu.memory_space<vmem>>) semaphore(%arg12 : memref<!tpu.dma_semaphore, #tpu.memory_space<semaphore_mem>>)
    %mul3A_14 = arith.constant 128 : i32
    %mul3A_15 = arith.muli %add3A, %mul3A_14 : i32
    %add3A_16 = arith.constant 0 : i32
    %add3A_17 = arith.addi %mul3A_15, %add3A_16 : i32
    %dma_wait3A = arith.constant 0 : i32
    %dma_wait3A_18 = arith.constant 0 : i32
    %dma_wait3A_19 = tpu.memref_slice %arg2[%dma_wait3A, %dma_wait3A_18] : memref<10240x1024xf32, #tpu.memory_space<hbm>> -> memref<10240x1024xf32, #tpu.memory_space<hbm>>
    tpu.wait_indirect_dma semaphore(%arg11 : memref<!tpu.dma_semaphore, #tpu.memory_space<semaphore_mem>>) src(%dma_wait3A_19 : memref<10240x1024xf32, #tpu.memory_space<hbm>>) dst(%arg9 : memref<32x1024xf32, #tpu.memory_space<vmem>>)
    %dma_start3A_20 = arith.constant 0 : i32
    %dma_start3A_21 = tpu.memref_slice %arg5[%add3A_17, %dma_start3A_20] : memref<4096x1024xf32, #tpu.memory_space<hbm>> -> memref<32x1024xf32, #tpu.memory_space<hbm>>
    %dma_start3A_22 = arith.constant 0 : i32
    %dma_start3A_23 = tpu.memref_slice %arg5[%add3A_17, %dma_start3A_22] : memref<4096x1024xf32, #tpu.memory_space<hbm>> -> memref<32x1024xf32, #tpu.memory_space<hbm>>
    tpu.enqueue_dma source(%arg9 : memref<32x1024xf32, #tpu.memory_space<vmem>>) target(%dma_start3A_23 : memref<32x1024xf32, #tpu.memory_space<hbm>>) target_semaphore(%arg13 : memref<!tpu.dma_semaphore, #tpu.memory_space<semaphore_mem>>)
    %dma_wait3A_24 = arith.constant 0 : i32
    %dma_wait3A_25 = tpu.memref_slice %arg5[%add3A_17, %dma_wait3A_24] : memref<4096x1024xf32, #tpu.memory_space<hbm>> -> memref<32x1024xf32, #tpu.memory_space<hbm>>
    %dma_wait3A_26 = arith.constant 0 : i32
    %dma_wait3A_27 = tpu.memref_slice %arg5[%add3A_17, %dma_wait3A_26] : memref<4096x1024xf32, #tpu.memory_space<hbm>> -> memref<32x1024xf32, #tpu.memory_space<hbm>>
    tpu.wait_dma2 semaphore(%arg13 : memref<!tpu.dma_semaphore, #tpu.memory_space<semaphore_mem>>) src(%arg9 : memref<32x1024xf32, #tpu.memory_space<vmem>>) dst(%dma_wait3A_27 : memref<32x1024xf32, #tpu.memory_space<hbm>>)
    %mul3A_28 = arith.constant 128 : i32
    %mul3A_29 = arith.muli %add3A, %mul3A_28 : i32
    %add3A_30 = arith.constant 32 : i32
    %add3A_31 = arith.addi %mul3A_29, %add3A_30 : i32
    "tpu.region"() ({
      %run_scoped3A = tpu.sem_alloc : memref<!tpu.dma_semaphore, #tpu.memory_space<semaphore_mem>>
      %dma_start3A_175 = tpu.memref_slice %arg3[%add3A_31] : memref<4096xi32, #tpu.memory_space<hbm>> -> memref<32xi32, #tpu.memory_space<hbm>>
      %dma_start3A_176 = tpu.memref_slice %arg3[%add3A_31] : memref<4096xi32, #tpu.memory_space<hbm>> -> memref<32xi32, #tpu.memory_space<hbm>>
      tpu.enqueue_dma source(%dma_start3A_176 : memref<32xi32, #tpu.memory_space<hbm>>) target(%arg7 : memref<32xi32, #tpu.memory_space<vmem>>) target_semaphore(%run_scoped3A : memref<!tpu.dma_semaphore, #tpu.memory_space<semaphore_mem>>)
      %dma_wait3A_177 = tpu.memref_slice %arg3[%add3A_31] : memref<4096xi32, #tpu.memory_space<hbm>> -> memref<32xi32, #tpu.memory_space<hbm>>
      %dma_wait3A_178 = tpu.memref_slice %arg3[%add3A_31] : memref<4096xi32, #tpu.memory_space<hbm>> -> memref<32xi32, #tpu.memory_space<hbm>>
      tpu.wait_dma2 semaphore(%run_scoped3A : memref<!tpu.dma_semaphore, #tpu.memory_space<semaphore_mem>>) src(%dma_wait3A_178 : memref<32xi32, #tpu.memory_space<hbm>>) dst(%arg7 : memref<32xi32, #tpu.memory_space<vmem>>)
      tpu.yield
    }) : () -> ()
    %dma_start3A_32 = arith.constant 0 : i32
    %dma_start3A_33 = arith.constant 0 : i32
    %dma_start3A_34 = tpu.memref_slice %arg2[%dma_start3A_32, %dma_start3A_33] : memref<10240x1024xf32, #tpu.memory_space<hbm>> -> memref<10240x1024xf32, #tpu.memory_space<hbm>>
    tpu.enqueue_indirect_dma source(%dma_start3A_34 : memref<10240x1024xf32, #tpu.memory_space<hbm>>) target(%arg9 : memref<32x1024xf32, #tpu.memory_space<vmem>>) offsets(%arg7 : memref<32xi32, #tpu.memory_space<vmem>>) semaphore(%arg11 : memref<!tpu.dma_semaphore, #tpu.memory_space<semaphore_mem>>)
    %mul3A_35 = arith.constant 128 : i32
    %mul3A_36 = arith.muli %add3A, %mul3A_35 : i32
    %add3A_37 = arith.constant 0 : i32
    %add3A_38 = arith.addi %mul3A_36, %add3A_37 : i32
    %dma_wait3A_39 = arith.constant 0 : i32
    %dma_wait3A_40 = arith.constant 0 : i32
    %dma_wait3A_41 = tpu.memref_slice %arg2[%dma_wait3A_39, %dma_wait3A_40] : memref<10240x1024xf32, #tpu.memory_space<hbm>> -> memref<10240x1024xf32, #tpu.memory_space<hbm>>
    tpu.wait_indirect_dma semaphore(%arg12 : memref<!tpu.dma_semaphore, #tpu.memory_space<semaphore_mem>>) src(%dma_wait3A_41 : memref<10240x1024xf32, #tpu.memory_space<hbm>>) dst(%arg10 : memref<32x1024xf32, #tpu.memory_space<vmem>>)
    %dma_start3A_42 = arith.constant 0 : i32
    %dma_start3A_43 = tpu.memref_slice %arg6[%add3A_38, %dma_start3A_42] : memref<4096x1024xf32, #tpu.memory_space<hbm>> -> memref<32x1024xf32, #tpu.memory_space<hbm>>
    %dma_start3A_44 = arith.constant 0 : i32
    %dma_start3A_45 = tpu.memref_slice %arg6[%add3A_38, %dma_start3A_44] : memref<4096x1024xf32, #tpu.memory_space<hbm>> -> memref<32x1024xf32, #tpu.memory_space<hbm>>
    tpu.enqueue_dma source(%arg10 : memref<32x1024xf32, #tpu.memory_space<vmem>>) target(%dma_start3A_45 : memref<32x1024xf32, #tpu.memory_space<hbm>>) target_semaphore(%arg14 : memref<!tpu.dma_semaphore, #tpu.memory_space<semaphore_mem>>)
    %dma_wait3A_46 = arith.constant 0 : i32
    %dma_wait3A_47 = tpu.memref_slice %arg6[%add3A_38, %dma_wait3A_46] : memref<4096x1024xf32, #tpu.memory_space<hbm>> -> memref<32x1024xf32, #tpu.memory_space<hbm>>
    %dma_wait3A_48 = arith.constant 0 : i32
    %dma_wait3A_49 = tpu.memref_slice %arg6[%add3A_38, %dma_wait3A_48] : memref<4096x1024xf32, #tpu.memory_space<hbm>> -> memref<32x1024xf32, #tpu.memory_space<hbm>>
    tpu.wait_dma2 semaphore(%arg14 : memref<!tpu.dma_semaphore, #tpu.memory_space<semaphore_mem>>) src(%arg10 : memref<32x1024xf32, #tpu.memory_space<vmem>>) dst(%dma_wait3A_49 : memref<32x1024xf32, #tpu.memory_space<hbm>>)
    %mul3A_50 = arith.constant 128 : i32
    %mul3A_51 = arith.muli %add3A, %mul3A_50 : i32
    %add3A_52 = arith.constant 32 : i32
    %add3A_53 = arith.addi %mul3A_51, %add3A_52 : i32
    "tpu.region"() ({
      %run_scoped3A = tpu.sem_alloc : memref<!tpu.dma_semaphore, #tpu.memory_space<semaphore_mem>>
      %dma_start3A_175 = tpu.memref_slice %arg4[%add3A_53] : memref<4096xi32, #tpu.memory_space<hbm>> -> memref<32xi32, #tpu.memory_space<hbm>>
      %dma_start3A_176 = tpu.memref_slice %arg4[%add3A_53] : memref<4096xi32, #tpu.memory_space<hbm>> -> memref<32xi32, #tpu.memory_space<hbm>>
      tpu.enqueue_dma source(%dma_start3A_176 : memref<32xi32, #tpu.memory_space<hbm>>) target(%arg8 : memref<32xi32, #tpu.memory_space<vmem>>) target_semaphore(%run_scoped3A : memref<!tpu.dma_semaphore, #tpu.memory_space<semaphore_mem>>)
      %dma_wait3A_177 = tpu.memref_slice %arg4[%add3A_53] : memref<4096xi32, #tpu.memory_space<hbm>> -> memref<32xi32, #tpu.memory_space<hbm>>
      %dma_wait3A_178 = tpu.memref_slice %arg4[%add3A_53] : memref<4096xi32, #tpu.memory_space<hbm>> -> memref<32xi32, #tpu.memory_space<hbm>>
      tpu.wait_dma2 semaphore(%run_scoped3A : memref<!tpu.dma_semaphore, #tpu.memory_space<semaphore_mem>>) src(%dma_wait3A_178 : memref<32xi32, #tpu.memory_space<hbm>>) dst(%arg8 : memref<32xi32, #tpu.memory_space<vmem>>)
      tpu.yield
    }) : () -> ()
    %dma_start3A_54 = arith.constant 0 : i32
    %dma_start3A_55 = arith.constant 0 : i32
    %dma_start3A_56 = tpu.memref_slice %arg2[%dma_start3A_54, %dma_start3A_55] : memref<10240x1024xf32, #tpu.memory_space<hbm>> -> memref<10240x1024xf32, #tpu.memory_space<hbm>>
    tpu.enqueue_indirect_dma source(%dma_start3A_56 : memref<10240x1024xf32, #tpu.memory_space<hbm>>) target(%arg10 : memref<32x1024xf32, #tpu.memory_space<vmem>>) offsets(%arg8 : memref<32xi32, #tpu.memory_space<vmem>>) semaphore(%arg12 : memref<!tpu.dma_semaphore, #tpu.memory_space<semaphore_mem>>)
    %mul3A_57 = arith.constant 128 : i32
    %mul3A_58 = arith.muli %add3A, %mul3A_57 : i32
    %add3A_59 = arith.constant 32 : i32
    %add3A_60 = arith.addi %mul3A_58, %add3A_59 : i32
    %dma_wait3A_61 = arith.constant 0 : i32
    %dma_wait3A_62 = arith.constant 0 : i32
    %dma_wait3A_63 = tpu.memref_slice %arg2[%dma_wait3A_61, %dma_wait3A_62] : memref<10240x1024xf32, #tpu.memory_space<hbm>> -> memref<10240x1024xf32, #tpu.memory_space<hbm>>
    tpu.wait_indirect_dma semaphore(%arg11 : memref<!tpu.dma_semaphore, #tpu.memory_space<semaphore_mem>>) src(%dma_wait3A_63 : memref<10240x1024xf32, #tpu.memory_space<hbm>>) dst(%arg9 : memref<32x1024xf32, #tpu.memory_space<vmem>>)
    %dma_start3A_64 = arith.constant 0 : i32
    %dma_start3A_65 = tpu.memref_slice %arg5[%add3A_60, %dma_start3A_64] : memref<4096x1024xf32, #tpu.memory_space<hbm>> -> memref<32x1024xf32, #tpu.memory_space<hbm>>
    %dma_start3A_66 = arith.constant 0 : i32
    %dma_start3A_67 = tpu.memref_slice %arg5[%add3A_60, %dma_start3A_66] : memref<4096x1024xf32, #tpu.memory_space<hbm>> -> memref<32x1024xf32, #tpu.memory_space<hbm>>
    tpu.enqueue_dma source(%arg9 : memref<32x1024xf32, #tpu.memory_space<vmem>>) target(%dma_start3A_67 : memref<32x1024xf32, #tpu.memory_space<hbm>>) target_semaphore(%arg13 : memref<!tpu.dma_semaphore, #tpu.memory_space<semaphore_mem>>)
    %dma_wait3A_68 = arith.constant 0 : i32
    %dma_wait3A_69 = tpu.memref_slice %arg5[%add3A_60, %dma_wait3A_68] : memref<4096x1024xf32, #tpu.memory_space<hbm>> -> memref<32x1024xf32, #tpu.memory_space<hbm>>
    %dma_wait3A_70 = arith.constant 0 : i32
    %dma_wait3A_71 = tpu.memref_slice %arg5[%add3A_60, %dma_wait3A_70] : memref<4096x1024xf32, #tpu.memory_space<hbm>> -> memref<32x1024xf32, #tpu.memory_space<hbm>>
    tpu.wait_dma2 semaphore(%arg13 : memref<!tpu.dma_semaphore, #tpu.memory_space<semaphore_mem>>) src(%arg9 : memref<32x1024xf32, #tpu.memory_space<vmem>>) dst(%dma_wait3A_71 : memref<32x1024xf32, #tpu.memory_space<hbm>>)
    %mul3A_72 = arith.constant 128 : i32
    %mul3A_73 = arith.muli %add3A, %mul3A_72 : i32
    %add3A_74 = arith.constant 64 : i32
    %add3A_75 = arith.addi %mul3A_73, %add3A_74 : i32
    "tpu.region"() ({
      %run_scoped3A = tpu.sem_alloc : memref<!tpu.dma_semaphore, #tpu.memory_space<semaphore_mem>>
      %dma_start3A_175 = tpu.memref_slice %arg3[%add3A_75] : memref<4096xi32, #tpu.memory_space<hbm>> -> memref<32xi32, #tpu.memory_space<hbm>>
      %dma_start3A_176 = tpu.memref_slice %arg3[%add3A_75] : memref<4096xi32, #tpu.memory_space<hbm>> -> memref<32xi32, #tpu.memory_space<hbm>>
      tpu.enqueue_dma source(%dma_start3A_176 : memref<32xi32, #tpu.memory_space<hbm>>) target(%arg7 : memref<32xi32, #tpu.memory_space<vmem>>) target_semaphore(%run_scoped3A : memref<!tpu.dma_semaphore, #tpu.memory_space<semaphore_mem>>)
      %dma_wait3A_177 = tpu.memref_slice %arg3[%add3A_75] : memref<4096xi32, #tpu.memory_space<hbm>> -> memref<32xi32, #tpu.memory_space<hbm>>
      %dma_wait3A_178 = tpu.memref_slice %arg3[%add3A_75] : memref<4096xi32, #tpu.memory_space<hbm>> -> memref<32xi32, #tpu.memory_space<hbm>>
      tpu.wait_dma2 semaphore(%run_scoped3A : memref<!tpu.dma_semaphore, #tpu.memory_space<semaphore_mem>>) src(%dma_wait3A_178 : memref<32xi32, #tpu.memory_space<hbm>>) dst(%arg7 : memref<32xi32, #tpu.memory_space<vmem>>)
      tpu.yield
    }) : () -> ()
    %dma_start3A_76 = arith.constant 0 : i32
    %dma_start3A_77 = arith.constant 0 : i32
    %dma_start3A_78 = tpu.memref_slice %arg2[%dma_start3A_76, %dma_start3A_77] : memref<10240x1024xf32, #tpu.memory_space<hbm>> -> memref<10240x1024xf32, #tpu.memory_space<hbm>>
    tpu.enqueue_indirect_dma source(%dma_start3A_78 : memref<10240x1024xf32, #tpu.memory_space<hbm>>) target(%arg9 : memref<32x1024xf32, #tpu.memory_space<vmem>>) offsets(%arg7 : memref<32xi32, #tpu.memory_space<vmem>>) semaphore(%arg11 : memref<!tpu.dma_semaphore, #tpu.memory_space<semaphore_mem>>)
    %mul3A_79 = arith.constant 128 : i32
    %mul3A_80 = arith.muli %add3A, %mul3A_79 : i32
    %add3A_81 = arith.constant 32 : i32
    %add3A_82 = arith.addi %mul3A_80, %add3A_81 : i32
    %dma_wait3A_83 = arith.constant 0 : i32
    %dma_wait3A_84 = arith.constant 0 : i32
    %dma_wait3A_85 = tpu.memref_slice %arg2[%dma_wait3A_83, %dma_wait3A_84] : memref<10240x1024xf32, #tpu.memory_space<hbm>> -> memref<10240x1024xf32, #tpu.memory_space<hbm>>
    tpu.wait_indirect_dma semaphore(%arg12 : memref<!tpu.dma_semaphore, #tpu.memory_space<semaphore_mem>>) src(%dma_wait3A_85 : memref<10240x1024xf32, #tpu.memory_space<hbm>>) dst(%arg10 : memref<32x1024xf32, #tpu.memory_space<vmem>>)
    %dma_start3A_86 = arith.constant 0 : i32
    %dma_start3A_87 = tpu.memref_slice %arg6[%add3A_82, %dma_start3A_86] : memref<4096x1024xf32, #tpu.memory_space<hbm>> -> memref<32x1024xf32, #tpu.memory_space<hbm>>
    %dma_start3A_88 = arith.constant 0 : i32
    %dma_start3A_89 = tpu.memref_slice %arg6[%add3A_82, %dma_start3A_88] : memref<4096x1024xf32, #tpu.memory_space<hbm>> -> memref<32x1024xf32, #tpu.memory_space<hbm>>
    tpu.enqueue_dma source(%arg10 : memref<32x1024xf32, #tpu.memory_space<vmem>>) target(%dma_start3A_89 : memref<32x1024xf32, #tpu.memory_space<hbm>>) target_semaphore(%arg14 : memref<!tpu.dma_semaphore, #tpu.memory_space<semaphore_mem>>)
    %dma_wait3A_90 = arith.constant 0 : i32
    %dma_wait3A_91 = tpu.memref_slice %arg6[%add3A_82, %dma_wait3A_90] : memref<4096x1024xf32, #tpu.memory_space<hbm>> -> memref<32x1024xf32, #tpu.memory_space<hbm>>
    %dma_wait3A_92 = arith.constant 0 : i32
    %dma_wait3A_93 = tpu.memref_slice %arg6[%add3A_82, %dma_wait3A_92] : memref<4096x1024xf32, #tpu.memory_space<hbm>> -> memref<32x1024xf32, #tpu.memory_space<hbm>>
    tpu.wait_dma2 semaphore(%arg14 : memref<!tpu.dma_semaphore, #tpu.memory_space<semaphore_mem>>) src(%arg10 : memref<32x1024xf32, #tpu.memory_space<vmem>>) dst(%dma_wait3A_93 : memref<32x1024xf32, #tpu.memory_space<hbm>>)
    %mul3A_94 = arith.constant 128 : i32
    %mul3A_95 = arith.muli %add3A, %mul3A_94 : i32
    %add3A_96 = arith.constant 64 : i32
    %add3A_97 = arith.addi %mul3A_95, %add3A_96 : i32
    "tpu.region"() ({
      %run_scoped3A = tpu.sem_alloc : memref<!tpu.dma_semaphore, #tpu.memory_space<semaphore_mem>>
      %dma_start3A_175 = tpu.memref_slice %arg4[%add3A_97] : memref<4096xi32, #tpu.memory_space<hbm>> -> memref<32xi32, #tpu.memory_space<hbm>>
      %dma_start3A_176 = tpu.memref_slice %arg4[%add3A_97] : memref<4096xi32, #tpu.memory_space<hbm>> -> memref<32xi32, #tpu.memory_space<hbm>>
      tpu.enqueue_dma source(%dma_start3A_176 : memref<32xi32, #tpu.memory_space<hbm>>) target(%arg8 : memref<32xi32, #tpu.memory_space<vmem>>) target_semaphore(%run_scoped3A : memref<!tpu.dma_semaphore, #tpu.memory_space<semaphore_mem>>)
      %dma_wait3A_177 = tpu.memref_slice %arg4[%add3A_97] : memref<4096xi32, #tpu.memory_space<hbm>> -> memref<32xi32, #tpu.memory_space<hbm>>
      %dma_wait3A_178 = tpu.memref_slice %arg4[%add3A_97] : memref<4096xi32, #tpu.memory_space<hbm>> -> memref<32xi32, #tpu.memory_space<hbm>>
      tpu.wait_dma2 semaphore(%run_scoped3A : memref<!tpu.dma_semaphore, #tpu.memory_space<semaphore_mem>>) src(%dma_wait3A_178 : memref<32xi32, #tpu.memory_space<hbm>>) dst(%arg8 : memref<32xi32, #tpu.memory_space<vmem>>)
      tpu.yield
    }) : () -> ()
    %dma_start3A_98 = arith.constant 0 : i32
    %dma_start3A_99 = arith.constant 0 : i32
    %dma_start3A_100 = tpu.memref_slice %arg2[%dma_start3A_98, %dma_start3A_99] : memref<10240x1024xf32, #tpu.memory_space<hbm>> -> memref<10240x1024xf32, #tpu.memory_space<hbm>>
    tpu.enqueue_indirect_dma source(%dma_start3A_100 : memref<10240x1024xf32, #tpu.memory_space<hbm>>) target(%arg10 : memref<32x1024xf32, #tpu.memory_space<vmem>>) offsets(%arg8 : memref<32xi32, #tpu.memory_space<vmem>>) semaphore(%arg12 : memref<!tpu.dma_semaphore, #tpu.memory_space<semaphore_mem>>)
    %mul3A_101 = arith.constant 128 : i32
    %mul3A_102 = arith.muli %add3A, %mul3A_101 : i32
    %add3A_103 = arith.constant 64 : i32
    %add3A_104 = arith.addi %mul3A_102, %add3A_103 : i32
    %dma_wait3A_105 = arith.constant 0 : i32
    %dma_wait3A_106 = arith.constant 0 : i32
    %dma_wait3A_107 = tpu.memref_slice %arg2[%dma_wait3A_105, %dma_wait3A_106] : memref<10240x1024xf32, #tpu.memory_space<hbm>> -> memref<10240x1024xf32, #tpu.memory_space<hbm>>
    tpu.wait_indirect_dma semaphore(%arg11 : memref<!tpu.dma_semaphore, #tpu.memory_space<semaphore_mem>>) src(%dma_wait3A_107 : memref<10240x1024xf32, #tpu.memory_space<hbm>>) dst(%arg9 : memref<32x1024xf32, #tpu.memory_space<vmem>>)
    %dma_start3A_108 = arith.constant 0 : i32
    %dma_start3A_109 = tpu.memref_slice %arg5[%add3A_104, %dma_start3A_108] : memref<4096x1024xf32, #tpu.memory_space<hbm>> -> memref<32x1024xf32, #tpu.memory_space<hbm>>
    %dma_start3A_110 = arith.constant 0 : i32
    %dma_start3A_111 = tpu.memref_slice %arg5[%add3A_104, %dma_start3A_110] : memref<4096x1024xf32, #tpu.memory_space<hbm>> -> memref<32x1024xf32, #tpu.memory_space<hbm>>
    tpu.enqueue_dma source(%arg9 : memref<32x1024xf32, #tpu.memory_space<vmem>>) target(%dma_start3A_111 : memref<32x1024xf32, #tpu.memory_space<hbm>>) target_semaphore(%arg13 : memref<!tpu.dma_semaphore, #tpu.memory_space<semaphore_mem>>)
    %dma_wait3A_112 = arith.constant 0 : i32
    %dma_wait3A_113 = tpu.memref_slice %arg5[%add3A_104, %dma_wait3A_112] : memref<4096x1024xf32, #tpu.memory_space<hbm>> -> memref<32x1024xf32, #tpu.memory_space<hbm>>
    %dma_wait3A_114 = arith.constant 0 : i32
    %dma_wait3A_115 = tpu.memref_slice %arg5[%add3A_104, %dma_wait3A_114] : memref<4096x1024xf32, #tpu.memory_space<hbm>> -> memref<32x1024xf32, #tpu.memory_space<hbm>>
    tpu.wait_dma2 semaphore(%arg13 : memref<!tpu.dma_semaphore, #tpu.memory_space<semaphore_mem>>) src(%arg9 : memref<32x1024xf32, #tpu.memory_space<vmem>>) dst(%dma_wait3A_115 : memref<32x1024xf32, #tpu.memory_space<hbm>>)
    %mul3A_116 = arith.constant 128 : i32
    %mul3A_117 = arith.muli %add3A, %mul3A_116 : i32
    %add3A_118 = arith.constant 96 : i32
    %add3A_119 = arith.addi %mul3A_117, %add3A_118 : i32
    "tpu.region"() ({
      %run_scoped3A = tpu.sem_alloc : memref<!tpu.dma_semaphore, #tpu.memory_space<semaphore_mem>>
      %dma_start3A_175 = tpu.memref_slice %arg3[%add3A_119] : memref<4096xi32, #tpu.memory_space<hbm>> -> memref<32xi32, #tpu.memory_space<hbm>>
      %dma_start3A_176 = tpu.memref_slice %arg3[%add3A_119] : memref<4096xi32, #tpu.memory_space<hbm>> -> memref<32xi32, #tpu.memory_space<hbm>>
      tpu.enqueue_dma source(%dma_start3A_176 : memref<32xi32, #tpu.memory_space<hbm>>) target(%arg7 : memref<32xi32, #tpu.memory_space<vmem>>) target_semaphore(%run_scoped3A : memref<!tpu.dma_semaphore, #tpu.memory_space<semaphore_mem>>)
      %dma_wait3A_177 = tpu.memref_slice %arg3[%add3A_119] : memref<4096xi32, #tpu.memory_space<hbm>> -> memref<32xi32, #tpu.memory_space<hbm>>
      %dma_wait3A_178 = tpu.memref_slice %arg3[%add3A_119] : memref<4096xi32, #tpu.memory_space<hbm>> -> memref<32xi32, #tpu.memory_space<hbm>>
      tpu.wait_dma2 semaphore(%run_scoped3A : memref<!tpu.dma_semaphore, #tpu.memory_space<semaphore_mem>>) src(%dma_wait3A_178 : memref<32xi32, #tpu.memory_space<hbm>>) dst(%arg7 : memref<32xi32, #tpu.memory_space<vmem>>)
      tpu.yield
    }) : () -> ()
    %dma_start3A_120 = arith.constant 0 : i32
    %dma_start3A_121 = arith.constant 0 : i32
    %dma_start3A_122 = tpu.memref_slice %arg2[%dma_start3A_120, %dma_start3A_121] : memref<10240x1024xf32, #tpu.memory_space<hbm>> -> memref<10240x1024xf32, #tpu.memory_space<hbm>>
    tpu.enqueue_indirect_dma source(%dma_start3A_122 : memref<10240x1024xf32, #tpu.memory_space<hbm>>) target(%arg9 : memref<32x1024xf32, #tpu.memory_space<vmem>>) offsets(%arg7 : memref<32xi32, #tpu.memory_space<vmem>>) semaphore(%arg11 : memref<!tpu.dma_semaphore, #tpu.memory_space<semaphore_mem>>)
    %mul3A_123 = arith.constant 128 : i32
    %mul3A_124 = arith.muli %add3A, %mul3A_123 : i32
    %add3A_125 = arith.constant 64 : i32
    %add3A_126 = arith.addi %mul3A_124, %add3A_125 : i32
    %dma_wait3A_127 = arith.constant 0 : i32
    %dma_wait3A_128 = arith.constant 0 : i32
    %dma_wait3A_129 = tpu.memref_slice %arg2[%dma_wait3A_127, %dma_wait3A_128] : memref<10240x1024xf32, #tpu.memory_space<hbm>> -> memref<10240x1024xf32, #tpu.memory_space<hbm>>
    tpu.wait_indirect_dma semaphore(%arg12 : memref<!tpu.dma_semaphore, #tpu.memory_space<semaphore_mem>>) src(%dma_wait3A_129 : memref<10240x1024xf32, #tpu.memory_space<hbm>>) dst(%arg10 : memref<32x1024xf32, #tpu.memory_space<vmem>>)
    %dma_start3A_130 = arith.constant 0 : i32
    %dma_start3A_131 = tpu.memref_slice %arg6[%add3A_126, %dma_start3A_130] : memref<4096x1024xf32, #tpu.memory_space<hbm>> -> memref<32x1024xf32, #tpu.memory_space<hbm>>
    %dma_start3A_132 = arith.constant 0 : i32
    %dma_start3A_133 = tpu.memref_slice %arg6[%add3A_126, %dma_start3A_132] : memref<4096x1024xf32, #tpu.memory_space<hbm>> -> memref<32x1024xf32, #tpu.memory_space<hbm>>
    tpu.enqueue_dma source(%arg10 : memref<32x1024xf32, #tpu.memory_space<vmem>>) target(%dma_start3A_133 : memref<32x1024xf32, #tpu.memory_space<hbm>>) target_semaphore(%arg14 : memref<!tpu.dma_semaphore, #tpu.memory_space<semaphore_mem>>)
    %dma_wait3A_134 = arith.constant 0 : i32
    %dma_wait3A_135 = tpu.memref_slice %arg6[%add3A_126, %dma_wait3A_134] : memref<4096x1024xf32, #tpu.memory_space<hbm>> -> memref<32x1024xf32, #tpu.memory_space<hbm>>
    %dma_wait3A_136 = arith.constant 0 : i32
    %dma_wait3A_137 = tpu.memref_slice %arg6[%add3A_126, %dma_wait3A_136] : memref<4096x1024xf32, #tpu.memory_space<hbm>> -> memref<32x1024xf32, #tpu.memory_space<hbm>>
    tpu.wait_dma2 semaphore(%arg14 : memref<!tpu.dma_semaphore, #tpu.memory_space<semaphore_mem>>) src(%arg10 : memref<32x1024xf32, #tpu.memory_space<vmem>>) dst(%dma_wait3A_137 : memref<32x1024xf32, #tpu.memory_space<hbm>>)
    %mul3A_138 = arith.constant 128 : i32
    %mul3A_139 = arith.muli %add3A, %mul3A_138 : i32
    %add3A_140 = arith.constant 96 : i32
    %add3A_141 = arith.addi %mul3A_139, %add3A_140 : i32
    "tpu.region"() ({
      %run_scoped3A = tpu.sem_alloc : memref<!tpu.dma_semaphore, #tpu.memory_space<semaphore_mem>>
      %dma_start3A_175 = tpu.memref_slice %arg4[%add3A_141] : memref<4096xi32, #tpu.memory_space<hbm>> -> memref<32xi32, #tpu.memory_space<hbm>>
      %dma_start3A_176 = tpu.memref_slice %arg4[%add3A_141] : memref<4096xi32, #tpu.memory_space<hbm>> -> memref<32xi32, #tpu.memory_space<hbm>>
      tpu.enqueue_dma source(%dma_start3A_176 : memref<32xi32, #tpu.memory_space<hbm>>) target(%arg8 : memref<32xi32, #tpu.memory_space<vmem>>) target_semaphore(%run_scoped3A : memref<!tpu.dma_semaphore, #tpu.memory_space<semaphore_mem>>)
      %dma_wait3A_177 = tpu.memref_slice %arg4[%add3A_141] : memref<4096xi32, #tpu.memory_space<hbm>> -> memref<32xi32, #tpu.memory_space<hbm>>
      %dma_wait3A_178 = tpu.memref_slice %arg4[%add3A_141] : memref<4096xi32, #tpu.memory_space<hbm>> -> memref<32xi32, #tpu.memory_space<hbm>>
      tpu.wait_dma2 semaphore(%run_scoped3A : memref<!tpu.dma_semaphore, #tpu.memory_space<semaphore_mem>>) src(%dma_wait3A_178 : memref<32xi32, #tpu.memory_space<hbm>>) dst(%arg8 : memref<32xi32, #tpu.memory_space<vmem>>)
      tpu.yield
    }) : () -> ()
    %dma_start3A_142 = arith.constant 0 : i32
    %dma_start3A_143 = arith.constant 0 : i32
    %dma_start3A_144 = tpu.memref_slice %arg2[%dma_start3A_142, %dma_start3A_143] : memref<10240x1024xf32, #tpu.memory_space<hbm>> -> memref<10240x1024xf32, #tpu.memory_space<hbm>>
    tpu.enqueue_indirect_dma source(%dma_start3A_144 : memref<10240x1024xf32, #tpu.memory_space<hbm>>) target(%arg10 : memref<32x1024xf32, #tpu.memory_space<vmem>>) offsets(%arg8 : memref<32xi32, #tpu.memory_space<vmem>>) semaphore(%arg12 : memref<!tpu.dma_semaphore, #tpu.memory_space<semaphore_mem>>)
    %mul3A_145 = arith.constant 128 : i32
    %mul3A_146 = arith.muli %add3A, %mul3A_145 : i32
    %add3A_147 = arith.constant 96 : i32
    %add3A_148 = arith.addi %mul3A_146, %add3A_147 : i32
    %dma_wait3A_149 = arith.constant 0 : i32
    %dma_wait3A_150 = arith.constant 0 : i32
    %dma_wait3A_151 = tpu.memref_slice %arg2[%dma_wait3A_149, %dma_wait3A_150] : memref<10240x1024xf32, #tpu.memory_space<hbm>> -> memref<10240x1024xf32, #tpu.memory_space<hbm>>
    tpu.wait_indirect_dma semaphore(%arg11 : memref<!tpu.dma_semaphore, #tpu.memory_space<semaphore_mem>>) src(%dma_wait3A_151 : memref<10240x1024xf32, #tpu.memory_space<hbm>>) dst(%arg9 : memref<32x1024xf32, #tpu.memory_space<vmem>>)
    %dma_start3A_152 = arith.constant 0 : i32
    %dma_start3A_153 = tpu.memref_slice %arg5[%add3A_148, %dma_start3A_152] : memref<4096x1024xf32, #tpu.memory_space<hbm>> -> memref<32x1024xf32, #tpu.memory_space<hbm>>
    %dma_start3A_154 = arith.constant 0 : i32
    %dma_start3A_155 = tpu.memref_slice %arg5[%add3A_148, %dma_start3A_154] : memref<4096x1024xf32, #tpu.memory_space<hbm>> -> memref<32x1024xf32, #tpu.memory_space<hbm>>
    tpu.enqueue_dma source(%arg9 : memref<32x1024xf32, #tpu.memory_space<vmem>>) target(%dma_start3A_155 : memref<32x1024xf32, #tpu.memory_space<hbm>>) target_semaphore(%arg13 : memref<!tpu.dma_semaphore, #tpu.memory_space<semaphore_mem>>)
    %dma_wait3A_156 = arith.constant 0 : i32
    %dma_wait3A_157 = arith.constant 0 : i32
    %dma_wait3A_158 = tpu.memref_slice %arg2[%dma_wait3A_156, %dma_wait3A_157] : memref<10240x1024xf32, #tpu.memory_space<hbm>> -> memref<10240x1024xf32, #tpu.memory_space<hbm>>
    tpu.wait_indirect_dma semaphore(%arg12 : memref<!tpu.dma_semaphore, #tpu.memory_space<semaphore_mem>>) src(%dma_wait3A_158 : memref<10240x1024xf32, #tpu.memory_space<hbm>>) dst(%arg10 : memref<32x1024xf32, #tpu.memory_space<vmem>>)
    %mul3A_159 = arith.constant 128 : i32
    %mul3A_160 = arith.muli %add3A, %mul3A_159 : i32
    %add3A_161 = arith.constant 96 : i32
    %add3A_162 = arith.addi %mul3A_160, %add3A_161 : i32
    %dma_start3A_163 = arith.constant 0 : i32
    %dma_start3A_164 = tpu.memref_slice %arg6[%add3A_162, %dma_start3A_163] : memref<4096x1024xf32, #tpu.memory_space<hbm>> -> memref<32x1024xf32, #tpu.memory_space<hbm>>
    %dma_start3A_165 = arith.constant 0 : i32
    %dma_start3A_166 = tpu.memref_slice %arg6[%add3A_162, %dma_start3A_165] : memref<4096x1024xf32, #tpu.memory_space<hbm>> -> memref<32x1024xf32, #tpu.memory_space<hbm>>
    tpu.enqueue_dma source(%arg10 : memref<32x1024xf32, #tpu.memory_space<vmem>>) target(%dma_start3A_166 : memref<32x1024xf32, #tpu.memory_space<hbm>>) target_semaphore(%arg14 : memref<!tpu.dma_semaphore, #tpu.memory_space<semaphore_mem>>)
    %dma_wait3A_167 = arith.constant 0 : i32
    %dma_wait3A_168 = tpu.memref_slice %arg5[%add3A_148, %dma_wait3A_167] : memref<4096x1024xf32, #tpu.memory_space<hbm>> -> memref<32x1024xf32, #tpu.memory_space<hbm>>
    %dma_wait3A_169 = arith.constant 0 : i32
    %dma_wait3A_170 = tpu.memref_slice %arg5[%add3A_148, %dma_wait3A_169] : memref<4096x1024xf32, #tpu.memory_space<hbm>> -> memref<32x1024xf32, #tpu.memory_space<hbm>>
    tpu.wait_dma2 semaphore(%arg13 : memref<!tpu.dma_semaphore, #tpu.memory_space<semaphore_mem>>) src(%arg9 : memref<32x1024xf32, #tpu.memory_space<vmem>>) dst(%dma_wait3A_170 : memref<32x1024xf32, #tpu.memory_space<hbm>>)
    %dma_wait3A_171 = arith.constant 0 : i32
    %dma_wait3A_172 = tpu.memref_slice %arg6[%add3A_162, %dma_wait3A_171] : memref<4096x1024xf32, #tpu.memory_space<hbm>> -> memref<32x1024xf32, #tpu.memory_space<hbm>>
    %dma_wait3A_173 = arith.constant 0 : i32
    %dma_wait3A_174 = tpu.memref_slice %arg6[%add3A_162, %dma_wait3A_173] : memref<4096x1024xf32, #tpu.memory_space<hbm>> -> memref<32x1024xf32, #tpu.memory_space<hbm>>
    tpu.wait_dma2 semaphore(%arg14 : memref<!tpu.dma_semaphore, #tpu.memory_space<semaphore_mem>>) src(%arg10 : memref<32x1024xf32, #tpu.memory_space<vmem>>) dst(%dma_wait3A_174 : memref<32x1024xf32, #tpu.memory_space<hbm>>)
    return
  }
}

module attributes {stable_mosaic.version = 14 : i64} {
  func.func @_router_body(%arg0: i32, %arg1: memref<4096x1024xbf16, #tpu.memory_space<vmem>>, %arg2: memref<8x1024xbf16, #tpu.memory_space<vmem>>, %arg3: memref<8xf32, #tpu.memory_space<vmem>>, %arg4: memref<4096x1xi32, #tpu.memory_space<vmem>>, %arg5: memref<4096x1xi32, #tpu.memory_space<vmem>>, %arg6: memref<4096x1xf32, #tpu.memory_space<vmem>>, %arg7: memref<4096x1xf32, #tpu.memory_space<vmem>>, %arg8: memref<1x128xi32, #tpu.memory_space<vmem>>, %arg9: memref<1x128xi32, #tpu.memory_space<vmem>>) attributes {dimension_semantics = [#tpu.dimension_semantics<arbitrary>], iteration_bounds = array<i64: 1>, scalar_prefetch = 0 : i64, scratch_operands = 0 : i64, tpu.core_type = #tpu.core_type<tc>, window_params = [{pipeline_mode = #tpu.pipeline_mode<synchronous>, transform_indices = @transform_0, window_bounds = array<i64: 4096, 1024>}, {pipeline_mode = #tpu.pipeline_mode<synchronous>, transform_indices = @transform_1, window_bounds = array<i64: 8, 1024>}, {pipeline_mode = #tpu.pipeline_mode<synchronous>, transform_indices = @transform_2, window_bounds = array<i64: 8>}, {pipeline_mode = #tpu.pipeline_mode<synchronous>, transform_indices = @transform_3, window_bounds = array<i64: 4096, 1>}, {pipeline_mode = #tpu.pipeline_mode<synchronous>, transform_indices = @transform_4, window_bounds = array<i64: 4096, 1>}, {pipeline_mode = #tpu.pipeline_mode<synchronous>, transform_indices = @transform_5, window_bounds = array<i64: 4096, 1>}, {pipeline_mode = #tpu.pipeline_mode<synchronous>, transform_indices = @transform_6, window_bounds = array<i64: 4096, 1>}, {pipeline_mode = #tpu.pipeline_mode<synchronous>, transform_indices = @transform_7, window_bounds = array<i64: 1, 128>}, {pipeline_mode = #tpu.pipeline_mode<synchronous>, transform_indices = @transform_8, window_bounds = array<i64: 1, 128>}]} {
    %get3A = arith.constant 0 : index
    %get3A_0 = arith.constant 0 : index
    %get3A_1 = vector.load %arg1[%get3A, %get3A_0] : memref<4096x1024xbf16, #tpu.memory_space<vmem>>, vector<4096x1024xbf16>
    %get3A_2 = arith.constant 0 : index
    %get3A_3 = arith.constant 0 : index
    %get3A_4 = vector.load %arg2[%get3A_2, %get3A_3] : memref<8x1024xbf16, #tpu.memory_space<vmem>>, vector<8x1024xbf16>
    %dot_general3A = arith.constant dense<0.000000e+00> : vector<4096x8xf32>
    %dot_general3A_5 = tpu.matmul %get3A_1, %get3A_4, %dot_general3A {dimension_numbers = #tpu.dot_dimension_numbers<[1], [1], [0], [0], [0, 0, 1, 0], [], []>, transpose_lhs_hint = false} : vector<4096x1024xbf16>, vector<8x1024xbf16>, vector<4096x8xf32> -> vector<4096x8xf32>
    %get3A_6 = arith.constant 0 : index
    %get3A_7 = vector.load %arg3[%get3A_6] : memref<8xf32, #tpu.memory_space<vmem>>, vector<8xf32>
    %broadcast_in_dim3A = vector.shape_cast %get3A_7 : vector<8xf32> to vector<1x8xf32>
    %add3A = vector.broadcast %broadcast_in_dim3A : vector<1x8xf32> to vector<4096x8xf32>
    %add3A_8 = arith.addf %dot_general3A_5, %add3A : vector<4096x8xf32>
    %reduce_max3A = arith.constant dense<0xFF800000> : vector<4096xf32>
    %reduce_max3A_9 = vector.multi_reduction <maximumf>, %dot_general3A_5, %reduce_max3A [1] : vector<4096x8xf32> to vector<4096xf32>
    %broadcast_in_dim3A_10 = vector.shape_cast %reduce_max3A_9 : vector<4096xf32> to vector<4096x1xf32>
    %sub3A = vector.broadcast %broadcast_in_dim3A_10 : vector<4096x1xf32> to vector<4096x8xf32>
    %sub3A_11 = arith.subf %dot_general3A_5, %sub3A : vector<4096x8xf32>
    %exp3A = math.exp %sub3A_11 : vector<4096x8xf32>
    %reduce_sum3A = arith.constant dense<0.000000e+00> : vector<4096xf32>
    %reduce_sum3A_12 = vector.multi_reduction <add>, %exp3A, %reduce_sum3A [1] : vector<4096x8xf32> to vector<4096xf32>
    %broadcast_in_dim3A_13 = vector.shape_cast %reduce_sum3A_12 : vector<4096xf32> to vector<4096x1xf32>
    %div3A = vector.broadcast %broadcast_in_dim3A_13 : vector<4096x1xf32> to vector<4096x8xf32>
    %div3A_14 = arith.divf %exp3A, %div3A : vector<4096x8xf32>
    %argmax3A = tpu.reduce_index %add3A_8 {axis = 1 : i32, kind = #tpu.reduction_kind<arg_max>} : vector<4096x8xf32> -> vector<4096xi32>
    %broadcast_in_dim3A_15 = vector.shape_cast %argmax3A : vector<4096xi32> to vector<4096x1xi32>
    %iota3A = tpu.iota {dimensions = array<i32: 1>} : vector<4096x8xi32>
    %eq3A = vector.broadcast %broadcast_in_dim3A_15 : vector<4096x1xi32> to vector<4096x8xi32>
    %eq3A_16 = arith.cmpi eq, %iota3A, %eq3A : vector<4096x8xi32>
    %jit3A = arith.constant 0xFF800000 : f32
    %broadcast_in_dim3A_17 = vector.broadcast %jit3A : f32 to vector<4096x8xf32>
    %select_n3A = arith.select %eq3A_16, %broadcast_in_dim3A_17, %add3A_8 : vector<4096x8xi1>, vector<4096x8xf32>
    %argmax3A_18 = tpu.reduce_index %select_n3A {axis = 1 : i32, kind = #tpu.reduction_kind<arg_max>} : vector<4096x8xf32> -> vector<4096xi32>
    %broadcast_in_dim3A_19 = vector.shape_cast %argmax3A_18 : vector<4096xi32> to vector<4096x1xi32>
    %eq3A_20 = vector.broadcast %broadcast_in_dim3A_15 : vector<4096x1xi32> to vector<4096x8xi32>
    %eq3A_21 = arith.cmpi eq, %iota3A, %eq3A_20 : vector<4096x8xi32>
    %eq3A_22 = vector.broadcast %broadcast_in_dim3A_19 : vector<4096x1xi32> to vector<4096x8xi32>
    %eq3A_23 = arith.cmpi eq, %iota3A, %eq3A_22 : vector<4096x8xi32>
    %jit3A_24 = arith.constant 0.000000e+00 : f32
    %broadcast_in_dim3A_25 = vector.broadcast %jit3A_24 : f32 to vector<4096x8xf32>
    %select_n3A_26 = arith.select %eq3A_21, %div3A_14, %broadcast_in_dim3A_25 : vector<4096x8xi1>, vector<4096x8xf32>
    %reduce_sum3A_27 = arith.constant dense<0.000000e+00> : vector<4096xf32>
    %reduce_sum3A_28 = vector.multi_reduction <add>, %select_n3A_26, %reduce_sum3A_27 [1] : vector<4096x8xf32> to vector<4096xf32>
    %broadcast_in_dim3A_29 = vector.shape_cast %reduce_sum3A_28 : vector<4096xf32> to vector<4096x1xf32>
    %jit3A_30 = arith.constant 0.000000e+00 : f32
    %broadcast_in_dim3A_31 = vector.broadcast %jit3A_30 : f32 to vector<4096x8xf32>
    %select_n3A_32 = arith.select %eq3A_23, %div3A_14, %broadcast_in_dim3A_31 : vector<4096x8xi1>, vector<4096x8xf32>
    %reduce_sum3A_33 = arith.constant dense<0.000000e+00> : vector<4096xf32>
    %reduce_sum3A_34 = vector.multi_reduction <add>, %select_n3A_32, %reduce_sum3A_33 [1] : vector<4096x8xf32> to vector<4096xf32>
    %broadcast_in_dim3A_35 = vector.shape_cast %reduce_sum3A_34 : vector<4096xf32> to vector<4096x1xf32>
    %add3A_36 = arith.addf %broadcast_in_dim3A_29, %broadcast_in_dim3A_35 : vector<4096x1xf32>
    %div3A_37 = arith.divf %broadcast_in_dim3A_29, %add3A_36 : vector<4096x1xf32>
    %swap3A = arith.constant 0 : index
    %swap3A_38 = arith.constant 0 : index
    %swap3A_39 = vector.load %arg6[%swap3A, %swap3A_38] : memref<4096x1xf32, #tpu.memory_space<vmem>>, vector<4096x1xf32>
    tpu.vector_store %arg6[%swap3A, %swap3A_38], %div3A_37 {strides = array<i32>} : memref<4096x1xf32, #tpu.memory_space<vmem>>, vector<4096x1xf32>,
    %div3A_40 = arith.divf %broadcast_in_dim3A_35, %add3A_36 : vector<4096x1xf32>
    %swap3A_41 = arith.constant 0 : index
    %swap3A_42 = arith.constant 0 : index
    %swap3A_43 = vector.load %arg7[%swap3A_41, %swap3A_42] : memref<4096x1xf32, #tpu.memory_space<vmem>>, vector<4096x1xf32>
    tpu.vector_store %arg7[%swap3A_41, %swap3A_42], %div3A_40 {strides = array<i32>} : memref<4096x1xf32, #tpu.memory_space<vmem>>, vector<4096x1xf32>,
    %convert_element_type3A = arith.extui %eq3A_21 : vector<4096x8xi1> to vector<4096x8xi32>
    %convert_element_type3A_44 = arith.sitofp %convert_element_type3A : vector<4096x8xi32> to vector<4096x8xf32>
    %convert_element_type3A_45 = arith.extui %eq3A_23 : vector<4096x8xi1> to vector<4096x8xi32>
    %convert_element_type3A_46 = arith.sitofp %convert_element_type3A_45 : vector<4096x8xi32> to vector<4096x8xf32>
    %reduce_sum3A_47 = arith.constant dense<0.000000e+00> : vector<8xf32>
    %reduce_sum3A_48 = vector.multi_reduction <add>, %convert_element_type3A_44, %reduce_sum3A_47 [0] : vector<4096x8xf32> to vector<8xf32>
    %broadcast_in_dim3A_49 = vector.shape_cast %reduce_sum3A_48 : vector<8xf32> to vector<1x8xf32>
    %reduce_sum3A_50 = arith.constant dense<0.000000e+00> : vector<8xf32>
    %reduce_sum3A_51 = vector.multi_reduction <add>, %convert_element_type3A_46, %reduce_sum3A_50 [0] : vector<4096x8xf32> to vector<8xf32>
    %broadcast_in_dim3A_52 = vector.shape_cast %reduce_sum3A_51 : vector<8xf32> to vector<1x8xf32>
    %add3A_53 = arith.addf %broadcast_in_dim3A_49, %broadcast_in_dim3A_52 : vector<1x8xf32>
    %div3A_54 = arith.constant 2.560000e+02 : f32
    %div3A_55 = vector.broadcast %div3A_54 : f32 to vector<1x8xf32>
    %div3A_56 = arith.divf %add3A_53, %div3A_55 : vector<1x8xf32>
    %ceil3A = math.ceil %div3A_56 : vector<1x8xf32>
    %mul3A = arith.constant 2.560000e+02 : f32
    %mul3A_57 = vector.broadcast %mul3A : f32 to vector<1x8xf32>
    %mul3A_58 = arith.mulf %ceil3A, %mul3A_57 : vector<1x8xf32>
    %iota3A_59 = tpu.iota {dimensions = array<i32: 0>} : vector<8x8xi32>
    %iota3A_60 = tpu.iota {dimensions = array<i32: 1>} : vector<8x8xi32>
    %lt3A = arith.cmpi slt, %iota3A_59, %iota3A_60 : vector<8x8xi32>
    %convert_element_type3A_61 = arith.extui %lt3A : vector<8x8xi1> to vector<8x8xi32>
    %convert_element_type3A_62 = arith.sitofp %convert_element_type3A_61 : vector<8x8xi32> to vector<8x8xf32>
    %dot_general3A_63 = arith.constant dense<0.000000e+00> : vector<1x8xf32>
    %dot_general3A_64 = tpu.matmul %mul3A_58, %convert_element_type3A_62, %dot_general3A_63 {dimension_numbers = #tpu.dot_dimension_numbers<[1], [0], [0], [1], [0, 0, 1, 1], [], []>, precision = #tpu.contract_precision<fp32>, transpose_lhs_hint = false} : vector<1x8xf32>, vector<8x8xf32>, vector<1x8xf32> -> vector<1x8xf32>
    %iota3A_65 = tpu.iota {dimensions = array<i32: 0>} : vector<256x256xi32>
    %iota3A_66 = tpu.iota {dimensions = array<i32: 1>} : vector<256x256xi32>
    %gt3A = arith.cmpi sgt, %iota3A_65, %iota3A_66 : vector<256x256xi32>
    %convert_element_type3A_67 = arith.extui %gt3A : vector<256x256xi1> to vector<256x256xi32>
    %convert_element_type3A_68 = arith.sitofp %convert_element_type3A_67 : vector<256x256xi32> to vector<256x256xf32>
    %convert_element_type3A_69 = arith.truncf %convert_element_type3A_68 : vector<256x256xf32> to vector<256x256xbf16>
    %broadcast_in_dim3A_70 = arith.constant 0.000000e+00 : f32
    %broadcast_in_dim3A_71 = vector.broadcast %broadcast_in_dim3A_70 : f32 to vector<1x8xf32>
    %slice3A = vector.extract_strided_slice %convert_element_type3A_44 {offsets = [0, 0], sizes = [256, 8], strides = [1, 1]} : vector<4096x8xf32> to vector<256x8xf32>
    %slice3A_72 = vector.extract_strided_slice %convert_element_type3A_46 {offsets = [0, 0], sizes = [256, 8], strides = [1, 1]} : vector<4096x8xf32> to vector<256x8xf32>
    %convert_element_type3A_73 = arith.truncf %slice3A : vector<256x8xf32> to vector<256x8xbf16>
    %dot_general3A_74 = arith.constant dense<0.000000e+00> : vector<256x8xf32>
    %dot_general3A_75 = tpu.matmul %convert_element_type3A_69, %convert_element_type3A_73, %dot_general3A_74 {dimension_numbers = #tpu.dot_dimension_numbers<[1], [0], [0], [1], [0, 0, 1, 1], [], []>, transpose_lhs_hint = false} : vector<256x256xbf16>, vector<256x8xbf16>, vector<256x8xf32> -> vector<256x8xf32>
    %add3A_76 = arith.addf %broadcast_in_dim3A_71, %dot_general3A_64 : vector<1x8xf32>
    %add3A_77 = vector.broadcast %add3A_76 : vector<1x8xf32> to vector<256x8xf32>
    %add3A_78 = arith.addf %dot_general3A_75, %add3A_77 : vector<256x8xf32>
    %convert_element_type3A_79 = arith.truncf %slice3A_72 : vector<256x8xf32> to vector<256x8xbf16>
    %dot_general3A_80 = arith.constant dense<0.000000e+00> : vector<256x8xf32>
    %dot_general3A_81 = tpu.matmul %convert_element_type3A_69, %convert_element_type3A_79, %dot_general3A_80 {dimension_numbers = #tpu.dot_dimension_numbers<[1], [0], [0], [1], [0, 0, 1, 1], [], []>, transpose_lhs_hint = false} : vector<256x256xbf16>, vector<256x8xbf16>, vector<256x8xf32> -> vector<256x8xf32>
    %add3A_82 = arith.addf %broadcast_in_dim3A_49, %dot_general3A_64 : vector<1x8xf32>
    %add3A_83 = vector.broadcast %add3A_82 : vector<1x8xf32> to vector<256x8xf32>
    %add3A_84 = arith.addf %dot_general3A_81, %add3A_83 : vector<256x8xf32>
    %mul3A_85 = arith.mulf %slice3A, %add3A_78 : vector<256x8xf32>
    %reduce_sum3A_86 = arith.constant dense<0.000000e+00> : vector<256xf32>
    %reduce_sum3A_87 = vector.multi_reduction <add>, %mul3A_85, %reduce_sum3A_86 [1] : vector<256x8xf32> to vector<256xf32>
    %broadcast_in_dim3A_88 = vector.shape_cast %reduce_sum3A_87 : vector<256xf32> to vector<256x1xf32>
    %convert_element_type3A_89 = arith.fptosi %broadcast_in_dim3A_88 : vector<256x1xf32> to vector<256x1xi32>
    %swap3A_90 = arith.constant 0 : index
    %swap3A_91 = arith.constant 0 : index
    %swap3A_92 = vector.load %arg4[%swap3A_90, %swap3A_91] : memref<4096x1xi32, #tpu.memory_space<vmem>>, vector<256x1xi32>
    tpu.vector_store %arg4[%swap3A_90, %swap3A_91], %convert_element_type3A_89 {strides = array<i32>} : memref<4096x1xi32, #tpu.memory_space<vmem>>, vector<256x1xi32>,
    %mul3A_93 = arith.mulf %slice3A_72, %add3A_84 : vector<256x8xf32>
    %reduce_sum3A_94 = arith.constant dense<0.000000e+00> : vector<256xf32>
    %reduce_sum3A_95 = vector.multi_reduction <add>, %mul3A_93, %reduce_sum3A_94 [1] : vector<256x8xf32> to vector<256xf32>
    %broadcast_in_dim3A_96 = vector.shape_cast %reduce_sum3A_95 : vector<256xf32> to vector<256x1xf32>
    %convert_element_type3A_97 = arith.fptosi %broadcast_in_dim3A_96 : vector<256x1xf32> to vector<256x1xi32>
    %swap3A_98 = arith.constant 0 : index
    %swap3A_99 = arith.constant 0 : index
    %swap3A_100 = vector.load %arg5[%swap3A_98, %swap3A_99] : memref<4096x1xi32, #tpu.memory_space<vmem>>, vector<256x1xi32>
    tpu.vector_store %arg5[%swap3A_98, %swap3A_99], %convert_element_type3A_97 {strides = array<i32>} : memref<4096x1xi32, #tpu.memory_space<vmem>>, vector<256x1xi32>,
    %reduce_sum3A_101 = arith.constant dense<0.000000e+00> : vector<8xf32>
    %reduce_sum3A_102 = vector.multi_reduction <add>, %slice3A, %reduce_sum3A_101 [0] : vector<256x8xf32> to vector<8xf32>
    %broadcast_in_dim3A_103 = vector.shape_cast %reduce_sum3A_102 : vector<8xf32> to vector<1x8xf32>
    %add3A_104 = arith.addf %broadcast_in_dim3A_71, %broadcast_in_dim3A_103 : vector<1x8xf32>
    %reduce_sum3A_105 = arith.constant dense<0.000000e+00> : vector<8xf32>
    %reduce_sum3A_106 = vector.multi_reduction <add>, %slice3A_72, %reduce_sum3A_105 [0] : vector<256x8xf32> to vector<8xf32>
    %broadcast_in_dim3A_107 = vector.shape_cast %reduce_sum3A_106 : vector<8xf32> to vector<1x8xf32>
    %add3A_108 = arith.addf %broadcast_in_dim3A_49, %broadcast_in_dim3A_107 : vector<1x8xf32>
    %slice3A_109 = vector.extract_strided_slice %convert_element_type3A_44 {offsets = [256, 0], sizes = [256, 8], strides = [1, 1]} : vector<4096x8xf32> to vector<256x8xf32>
    %slice3A_110 = vector.extract_strided_slice %convert_element_type3A_46 {offsets = [256, 0], sizes = [256, 8], strides = [1, 1]} : vector<4096x8xf32> to vector<256x8xf32>
    %convert_element_type3A_111 = arith.truncf %slice3A_109 : vector<256x8xf32> to vector<256x8xbf16>
    %dot_general3A_112 = arith.constant dense<0.000000e+00> : vector<256x8xf32>
    %dot_general3A_113 = tpu.matmul %convert_element_type3A_69, %convert_element_type3A_111, %dot_general3A_112 {dimension_numbers = #tpu.dot_dimension_numbers<[1], [0], [0], [1], [0, 0, 1, 1], [], []>, transpose_lhs_hint = false} : vector<256x256xbf16>, vector<256x8xbf16>, vector<256x8xf32> -> vector<256x8xf32>
    %add3A_114 = arith.addf %add3A_104, %dot_general3A_64 : vector<1x8xf32>
    %add3A_115 = vector.broadcast %add3A_114 : vector<1x8xf32> to vector<256x8xf32>
    %add3A_116 = arith.addf %dot_general3A_113, %add3A_115 : vector<256x8xf32>
    %convert_element_type3A_117 = arith.truncf %slice3A_110 : vector<256x8xf32> to vector<256x8xbf16>
    %dot_general3A_118 = arith.constant dense<0.000000e+00> : vector<256x8xf32>
    %dot_general3A_119 = tpu.matmul %convert_element_type3A_69, %convert_element_type3A_117, %dot_general3A_118 {dimension_numbers = #tpu.dot_dimension_numbers<[1], [0], [0], [1], [0, 0, 1, 1], [], []>, transpose_lhs_hint = false} : vector<256x256xbf16>, vector<256x8xbf16>, vector<256x8xf32> -> vector<256x8xf32>
    %add3A_120 = arith.addf %add3A_108, %dot_general3A_64 : vector<1x8xf32>
    %add3A_121 = vector.broadcast %add3A_120 : vector<1x8xf32> to vector<256x8xf32>
    %add3A_122 = arith.addf %dot_general3A_119, %add3A_121 : vector<256x8xf32>
    %mul3A_123 = arith.mulf %slice3A_109, %add3A_116 : vector<256x8xf32>
    %reduce_sum3A_124 = arith.constant dense<0.000000e+00> : vector<256xf32>
    %reduce_sum3A_125 = vector.multi_reduction <add>, %mul3A_123, %reduce_sum3A_124 [1] : vector<256x8xf32> to vector<256xf32>
    %broadcast_in_dim3A_126 = vector.shape_cast %reduce_sum3A_125 : vector<256xf32> to vector<256x1xf32>
    %convert_element_type3A_127 = arith.fptosi %broadcast_in_dim3A_126 : vector<256x1xf32> to vector<256x1xi32>
    %swap3A_128 = arith.constant 256 : index
    %swap3A_129 = arith.constant 0 : index
    %swap3A_130 = vector.load %arg4[%swap3A_128, %swap3A_129] : memref<4096x1xi32, #tpu.memory_space<vmem>>, vector<256x1xi32>
    tpu.vector_store %arg4[%swap3A_128, %swap3A_129], %convert_element_type3A_127 {strides = array<i32>} : memref<4096x1xi32, #tpu.memory_space<vmem>>, vector<256x1xi32>,
    %mul3A_131 = arith.mulf %slice3A_110, %add3A_122 : vector<256x8xf32>
    %reduce_sum3A_132 = arith.constant dense<0.000000e+00> : vector<256xf32>
    %reduce_sum3A_133 = vector.multi_reduction <add>, %mul3A_131, %reduce_sum3A_132 [1] : vector<256x8xf32> to vector<256xf32>
    %broadcast_in_dim3A_134 = vector.shape_cast %reduce_sum3A_133 : vector<256xf32> to vector<256x1xf32>
    %convert_element_type3A_135 = arith.fptosi %broadcast_in_dim3A_134 : vector<256x1xf32> to vector<256x1xi32>
    %swap3A_136 = arith.constant 256 : index
    %swap3A_137 = arith.constant 0 : index
    %swap3A_138 = vector.load %arg5[%swap3A_136, %swap3A_137] : memref<4096x1xi32, #tpu.memory_space<vmem>>, vector<256x1xi32>
    tpu.vector_store %arg5[%swap3A_136, %swap3A_137], %convert_element_type3A_135 {strides = array<i32>} : memref<4096x1xi32, #tpu.memory_space<vmem>>, vector<256x1xi32>,
    %reduce_sum3A_139 = arith.constant dense<0.000000e+00> : vector<8xf32>
    %reduce_sum3A_140 = vector.multi_reduction <add>, %slice3A_109, %reduce_sum3A_139 [0] : vector<256x8xf32> to vector<8xf32>
    %broadcast_in_dim3A_141 = vector.shape_cast %reduce_sum3A_140 : vector<8xf32> to vector<1x8xf32>
    %add3A_142 = arith.addf %add3A_104, %broadcast_in_dim3A_141 : vector<1x8xf32>
    %reduce_sum3A_143 = arith.constant dense<0.000000e+00> : vector<8xf32>
    %reduce_sum3A_144 = vector.multi_reduction <add>, %slice3A_110, %reduce_sum3A_143 [0] : vector<256x8xf32> to vector<8xf32>
    %broadcast_in_dim3A_145 = vector.shape_cast %reduce_sum3A_144 : vector<8xf32> to vector<1x8xf32>
    %add3A_146 = arith.addf %add3A_108, %broadcast_in_dim3A_145 : vector<1x8xf32>
    %slice3A_147 = vector.extract_strided_slice %convert_element_type3A_44 {offsets = [512, 0], sizes = [256, 8], strides = [1, 1]} : vector<4096x8xf32> to vector<256x8xf32>
    %slice3A_148 = vector.extract_strided_slice %convert_element_type3A_46 {offsets = [512, 0], sizes = [256, 8], strides = [1, 1]} : vector<4096x8xf32> to vector<256x8xf32>
    %convert_element_type3A_149 = arith.truncf %slice3A_147 : vector<256x8xf32> to vector<256x8xbf16>
    %dot_general3A_150 = arith.constant dense<0.000000e+00> : vector<256x8xf32>
    %dot_general3A_151 = tpu.matmul %convert_element_type3A_69, %convert_element_type3A_149, %dot_general3A_150 {dimension_numbers = #tpu.dot_dimension_numbers<[1], [0], [0], [1], [0, 0, 1, 1], [], []>, transpose_lhs_hint = false} : vector<256x256xbf16>, vector<256x8xbf16>, vector<256x8xf32> -> vector<256x8xf32>
    %add3A_152 = arith.addf %add3A_142, %dot_general3A_64 : vector<1x8xf32>
    %add3A_153 = vector.broadcast %add3A_152 : vector<1x8xf32> to vector<256x8xf32>
    %add3A_154 = arith.addf %dot_general3A_151, %add3A_153 : vector<256x8xf32>
    %convert_element_type3A_155 = arith.truncf %slice3A_148 : vector<256x8xf32> to vector<256x8xbf16>
    %dot_general3A_156 = arith.constant dense<0.000000e+00> : vector<256x8xf32>
    %dot_general3A_157 = tpu.matmul %convert_element_type3A_69, %convert_element_type3A_155, %dot_general3A_156 {dimension_numbers = #tpu.dot_dimension_numbers<[1], [0], [0], [1], [0, 0, 1, 1], [], []>, transpose_lhs_hint = false} : vector<256x256xbf16>, vector<256x8xbf16>, vector<256x8xf32> -> vector<256x8xf32>
    %add3A_158 = arith.addf %add3A_146, %dot_general3A_64 : vector<1x8xf32>
    %add3A_159 = vector.broadcast %add3A_158 : vector<1x8xf32> to vector<256x8xf32>
    %add3A_160 = arith.addf %dot_general3A_157, %add3A_159 : vector<256x8xf32>
    %mul3A_161 = arith.mulf %slice3A_147, %add3A_154 : vector<256x8xf32>
    %reduce_sum3A_162 = arith.constant dense<0.000000e+00> : vector<256xf32>
    %reduce_sum3A_163 = vector.multi_reduction <add>, %mul3A_161, %reduce_sum3A_162 [1] : vector<256x8xf32> to vector<256xf32>
    %broadcast_in_dim3A_164 = vector.shape_cast %reduce_sum3A_163 : vector<256xf32> to vector<256x1xf32>
    %convert_element_type3A_165 = arith.fptosi %broadcast_in_dim3A_164 : vector<256x1xf32> to vector<256x1xi32>
    %swap3A_166 = arith.constant 512 : index
    %swap3A_167 = arith.constant 0 : index
    %swap3A_168 = vector.load %arg4[%swap3A_166, %swap3A_167] : memref<4096x1xi32, #tpu.memory_space<vmem>>, vector<256x1xi32>
    tpu.vector_store %arg4[%swap3A_166, %swap3A_167], %convert_element_type3A_165 {strides = array<i32>} : memref<4096x1xi32, #tpu.memory_space<vmem>>, vector<256x1xi32>,
    %mul3A_169 = arith.mulf %slice3A_148, %add3A_160 : vector<256x8xf32>
    %reduce_sum3A_170 = arith.constant dense<0.000000e+00> : vector<256xf32>
    %reduce_sum3A_171 = vector.multi_reduction <add>, %mul3A_169, %reduce_sum3A_170 [1] : vector<256x8xf32> to vector<256xf32>
    %broadcast_in_dim3A_172 = vector.shape_cast %reduce_sum3A_171 : vector<256xf32> to vector<256x1xf32>
    %convert_element_type3A_173 = arith.fptosi %broadcast_in_dim3A_172 : vector<256x1xf32> to vector<256x1xi32>
    %swap3A_174 = arith.constant 512 : index
    %swap3A_175 = arith.constant 0 : index
    %swap3A_176 = vector.load %arg5[%swap3A_174, %swap3A_175] : memref<4096x1xi32, #tpu.memory_space<vmem>>, vector<256x1xi32>
    tpu.vector_store %arg5[%swap3A_174, %swap3A_175], %convert_element_type3A_173 {strides = array<i32>} : memref<4096x1xi32, #tpu.memory_space<vmem>>, vector<256x1xi32>,
    %reduce_sum3A_177 = arith.constant dense<0.000000e+00> : vector<8xf32>
    %reduce_sum3A_178 = vector.multi_reduction <add>, %slice3A_147, %reduce_sum3A_177 [0] : vector<256x8xf32> to vector<8xf32>
    %broadcast_in_dim3A_179 = vector.shape_cast %reduce_sum3A_178 : vector<8xf32> to vector<1x8xf32>
    %add3A_180 = arith.addf %add3A_142, %broadcast_in_dim3A_179 : vector<1x8xf32>
    %reduce_sum3A_181 = arith.constant dense<0.000000e+00> : vector<8xf32>
    %reduce_sum3A_182 = vector.multi_reduction <add>, %slice3A_148, %reduce_sum3A_181 [0] : vector<256x8xf32> to vector<8xf32>
    %broadcast_in_dim3A_183 = vector.shape_cast %reduce_sum3A_182 : vector<8xf32> to vector<1x8xf32>
    %add3A_184 = arith.addf %add3A_146, %broadcast_in_dim3A_183 : vector<1x8xf32>
    %slice3A_185 = vector.extract_strided_slice %convert_element_type3A_44 {offsets = [768, 0], sizes = [256, 8], strides = [1, 1]} : vector<4096x8xf32> to vector<256x8xf32>
    %slice3A_186 = vector.extract_strided_slice %convert_element_type3A_46 {offsets = [768, 0], sizes = [256, 8], strides = [1, 1]} : vector<4096x8xf32> to vector<256x8xf32>
    %convert_element_type3A_187 = arith.truncf %slice3A_185 : vector<256x8xf32> to vector<256x8xbf16>
    %dot_general3A_188 = arith.constant dense<0.000000e+00> : vector<256x8xf32>
    %dot_general3A_189 = tpu.matmul %convert_element_type3A_69, %convert_element_type3A_187, %dot_general3A_188 {dimension_numbers = #tpu.dot_dimension_numbers<[1], [0], [0], [1], [0, 0, 1, 1], [], []>, transpose_lhs_hint = false} : vector<256x256xbf16>, vector<256x8xbf16>, vector<256x8xf32> -> vector<256x8xf32>
    %add3A_190 = arith.addf %add3A_180, %dot_general3A_64 : vector<1x8xf32>
    %add3A_191 = vector.broadcast %add3A_190 : vector<1x8xf32> to vector<256x8xf32>
    %add3A_192 = arith.addf %dot_general3A_189, %add3A_191 : vector<256x8xf32>
    %convert_element_type3A_193 = arith.truncf %slice3A_186 : vector<256x8xf32> to vector<256x8xbf16>
    %dot_general3A_194 = arith.constant dense<0.000000e+00> : vector<256x8xf32>
    %dot_general3A_195 = tpu.matmul %convert_element_type3A_69, %convert_element_type3A_193, %dot_general3A_194 {dimension_numbers = #tpu.dot_dimension_numbers<[1], [0], [0], [1], [0, 0, 1, 1], [], []>, transpose_lhs_hint = false} : vector<256x256xbf16>, vector<256x8xbf16>, vector<256x8xf32> -> vector<256x8xf32>
    %add3A_196 = arith.addf %add3A_184, %dot_general3A_64 : vector<1x8xf32>
    %add3A_197 = vector.broadcast %add3A_196 : vector<1x8xf32> to vector<256x8xf32>
    %add3A_198 = arith.addf %dot_general3A_195, %add3A_197 : vector<256x8xf32>
    %mul3A_199 = arith.mulf %slice3A_185, %add3A_192 : vector<256x8xf32>
    %reduce_sum3A_200 = arith.constant dense<0.000000e+00> : vector<256xf32>
    %reduce_sum3A_201 = vector.multi_reduction <add>, %mul3A_199, %reduce_sum3A_200 [1] : vector<256x8xf32> to vector<256xf32>
    %broadcast_in_dim3A_202 = vector.shape_cast %reduce_sum3A_201 : vector<256xf32> to vector<256x1xf32>
    %convert_element_type3A_203 = arith.fptosi %broadcast_in_dim3A_202 : vector<256x1xf32> to vector<256x1xi32>
    %swap3A_204 = arith.constant 768 : index
    %swap3A_205 = arith.constant 0 : index
    %swap3A_206 = vector.load %arg4[%swap3A_204, %swap3A_205] : memref<4096x1xi32, #tpu.memory_space<vmem>>, vector<256x1xi32>
    tpu.vector_store %arg4[%swap3A_204, %swap3A_205], %convert_element_type3A_203 {strides = array<i32>} : memref<4096x1xi32, #tpu.memory_space<vmem>>, vector<256x1xi32>,
    %mul3A_207 = arith.mulf %slice3A_186, %add3A_198 : vector<256x8xf32>
    %reduce_sum3A_208 = arith.constant dense<0.000000e+00> : vector<256xf32>
    %reduce_sum3A_209 = vector.multi_reduction <add>, %mul3A_207, %reduce_sum3A_208 [1] : vector<256x8xf32> to vector<256xf32>
    %broadcast_in_dim3A_210 = vector.shape_cast %reduce_sum3A_209 : vector<256xf32> to vector<256x1xf32>
    %convert_element_type3A_211 = arith.fptosi %broadcast_in_dim3A_210 : vector<256x1xf32> to vector<256x1xi32>
    %swap3A_212 = arith.constant 768 : index
    %swap3A_213 = arith.constant 0 : index
    %swap3A_214 = vector.load %arg5[%swap3A_212, %swap3A_213] : memref<4096x1xi32, #tpu.memory_space<vmem>>, vector<256x1xi32>
    tpu.vector_store %arg5[%swap3A_212, %swap3A_213], %convert_element_type3A_211 {strides = array<i32>} : memref<4096x1xi32, #tpu.memory_space<vmem>>, vector<256x1xi32>,
    %reduce_sum3A_215 = arith.constant dense<0.000000e+00> : vector<8xf32>
    %reduce_sum3A_216 = vector.multi_reduction <add>, %slice3A_185, %reduce_sum3A_215 [0] : vector<256x8xf32> to vector<8xf32>
    %broadcast_in_dim3A_217 = vector.shape_cast %reduce_sum3A_216 : vector<8xf32> to vector<1x8xf32>
    %add3A_218 = arith.addf %add3A_180, %broadcast_in_dim3A_217 : vector<1x8xf32>
    %reduce_sum3A_219 = arith.constant dense<0.000000e+00> : vector<8xf32>
    %reduce_sum3A_220 = vector.multi_reduction <add>, %slice3A_186, %reduce_sum3A_219 [0] : vector<256x8xf32> to vector<8xf32>
    %broadcast_in_dim3A_221 = vector.shape_cast %reduce_sum3A_220 : vector<8xf32> to vector<1x8xf32>
    %add3A_222 = arith.addf %add3A_184, %broadcast_in_dim3A_221 : vector<1x8xf32>
    %slice3A_223 = vector.extract_strided_slice %convert_element_type3A_44 {offsets = [1024, 0], sizes = [256, 8], strides = [1, 1]} : vector<4096x8xf32> to vector<256x8xf32>
    %slice3A_224 = vector.extract_strided_slice %convert_element_type3A_46 {offsets = [1024, 0], sizes = [256, 8], strides = [1, 1]} : vector<4096x8xf32> to vector<256x8xf32>
    %convert_element_type3A_225 = arith.truncf %slice3A_223 : vector<256x8xf32> to vector<256x8xbf16>
    %dot_general3A_226 = arith.constant dense<0.000000e+00> : vector<256x8xf32>
    %dot_general3A_227 = tpu.matmul %convert_element_type3A_69, %convert_element_type3A_225, %dot_general3A_226 {dimension_numbers = #tpu.dot_dimension_numbers<[1], [0], [0], [1], [0, 0, 1, 1], [], []>, transpose_lhs_hint = false} : vector<256x256xbf16>, vector<256x8xbf16>, vector<256x8xf32> -> vector<256x8xf32>
    %add3A_228 = arith.addf %add3A_218, %dot_general3A_64 : vector<1x8xf32>
    %add3A_229 = vector.broadcast %add3A_228 : vector<1x8xf32> to vector<256x8xf32>
    %add3A_230 = arith.addf %dot_general3A_227, %add3A_229 : vector<256x8xf32>
    %convert_element_type3A_231 = arith.truncf %slice3A_224 : vector<256x8xf32> to vector<256x8xbf16>
    %dot_general3A_232 = arith.constant dense<0.000000e+00> : vector<256x8xf32>
    %dot_general3A_233 = tpu.matmul %convert_element_type3A_69, %convert_element_type3A_231, %dot_general3A_232 {dimension_numbers = #tpu.dot_dimension_numbers<[1], [0], [0], [1], [0, 0, 1, 1], [], []>, transpose_lhs_hint = false} : vector<256x256xbf16>, vector<256x8xbf16>, vector<256x8xf32> -> vector<256x8xf32>
    %add3A_234 = arith.addf %add3A_222, %dot_general3A_64 : vector<1x8xf32>
    %add3A_235 = vector.broadcast %add3A_234 : vector<1x8xf32> to vector<256x8xf32>
    %add3A_236 = arith.addf %dot_general3A_233, %add3A_235 : vector<256x8xf32>
    %mul3A_237 = arith.mulf %slice3A_223, %add3A_230 : vector<256x8xf32>
    %reduce_sum3A_238 = arith.constant dense<0.000000e+00> : vector<256xf32>
    %reduce_sum3A_239 = vector.multi_reduction <add>, %mul3A_237, %reduce_sum3A_238 [1] : vector<256x8xf32> to vector<256xf32>
    %broadcast_in_dim3A_240 = vector.shape_cast %reduce_sum3A_239 : vector<256xf32> to vector<256x1xf32>
    %convert_element_type3A_241 = arith.fptosi %broadcast_in_dim3A_240 : vector<256x1xf32> to vector<256x1xi32>
    %swap3A_242 = arith.constant 1024 : index
    %swap3A_243 = arith.constant 0 : index
    %swap3A_244 = vector.load %arg4[%swap3A_242, %swap3A_243] : memref<4096x1xi32, #tpu.memory_space<vmem>>, vector<256x1xi32>
    tpu.vector_store %arg4[%swap3A_242, %swap3A_243], %convert_element_type3A_241 {strides = array<i32>} : memref<4096x1xi32, #tpu.memory_space<vmem>>, vector<256x1xi32>,
    %mul3A_245 = arith.mulf %slice3A_224, %add3A_236 : vector<256x8xf32>
    %reduce_sum3A_246 = arith.constant dense<0.000000e+00> : vector<256xf32>
    %reduce_sum3A_247 = vector.multi_reduction <add>, %mul3A_245, %reduce_sum3A_246 [1] : vector<256x8xf32> to vector<256xf32>
    %broadcast_in_dim3A_248 = vector.shape_cast %reduce_sum3A_247 : vector<256xf32> to vector<256x1xf32>
    %convert_element_type3A_249 = arith.fptosi %broadcast_in_dim3A_248 : vector<256x1xf32> to vector<256x1xi32>
    %swap3A_250 = arith.constant 1024 : index
    %swap3A_251 = arith.constant 0 : index
    %swap3A_252 = vector.load %arg5[%swap3A_250, %swap3A_251] : memref<4096x1xi32, #tpu.memory_space<vmem>>, vector<256x1xi32>
    tpu.vector_store %arg5[%swap3A_250, %swap3A_251], %convert_element_type3A_249 {strides = array<i32>} : memref<4096x1xi32, #tpu.memory_space<vmem>>, vector<256x1xi32>,
    %reduce_sum3A_253 = arith.constant dense<0.000000e+00> : vector<8xf32>
    %reduce_sum3A_254 = vector.multi_reduction <add>, %slice3A_223, %reduce_sum3A_253 [0] : vector<256x8xf32> to vector<8xf32>
    %broadcast_in_dim3A_255 = vector.shape_cast %reduce_sum3A_254 : vector<8xf32> to vector<1x8xf32>
    %add3A_256 = arith.addf %add3A_218, %broadcast_in_dim3A_255 : vector<1x8xf32>
    %reduce_sum3A_257 = arith.constant dense<0.000000e+00> : vector<8xf32>
    %reduce_sum3A_258 = vector.multi_reduction <add>, %slice3A_224, %reduce_sum3A_257 [0] : vector<256x8xf32> to vector<8xf32>
    %broadcast_in_dim3A_259 = vector.shape_cast %reduce_sum3A_258 : vector<8xf32> to vector<1x8xf32>
    %add3A_260 = arith.addf %add3A_222, %broadcast_in_dim3A_259 : vector<1x8xf32>
    %slice3A_261 = vector.extract_strided_slice %convert_element_type3A_44 {offsets = [1280, 0], sizes = [256, 8], strides = [1, 1]} : vector<4096x8xf32> to vector<256x8xf32>
    %slice3A_262 = vector.extract_strided_slice %convert_element_type3A_46 {offsets = [1280, 0], sizes = [256, 8], strides = [1, 1]} : vector<4096x8xf32> to vector<256x8xf32>
    %convert_element_type3A_263 = arith.truncf %slice3A_261 : vector<256x8xf32> to vector<256x8xbf16>
    %dot_general3A_264 = arith.constant dense<0.000000e+00> : vector<256x8xf32>
    %dot_general3A_265 = tpu.matmul %convert_element_type3A_69, %convert_element_type3A_263, %dot_general3A_264 {dimension_numbers = #tpu.dot_dimension_numbers<[1], [0], [0], [1], [0, 0, 1, 1], [], []>, transpose_lhs_hint = false} : vector<256x256xbf16>, vector<256x8xbf16>, vector<256x8xf32> -> vector<256x8xf32>
    %add3A_266 = arith.addf %add3A_256, %dot_general3A_64 : vector<1x8xf32>
    %add3A_267 = vector.broadcast %add3A_266 : vector<1x8xf32> to vector<256x8xf32>
    %add3A_268 = arith.addf %dot_general3A_265, %add3A_267 : vector<256x8xf32>
    %convert_element_type3A_269 = arith.truncf %slice3A_262 : vector<256x8xf32> to vector<256x8xbf16>
    %dot_general3A_270 = arith.constant dense<0.000000e+00> : vector<256x8xf32>
    %dot_general3A_271 = tpu.matmul %convert_element_type3A_69, %convert_element_type3A_269, %dot_general3A_270 {dimension_numbers = #tpu.dot_dimension_numbers<[1], [0], [0], [1], [0, 0, 1, 1], [], []>, transpose_lhs_hint = false} : vector<256x256xbf16>, vector<256x8xbf16>, vector<256x8xf32> -> vector<256x8xf32>
    %add3A_272 = arith.addf %add3A_260, %dot_general3A_64 : vector<1x8xf32>
    %add3A_273 = vector.broadcast %add3A_272 : vector<1x8xf32> to vector<256x8xf32>
    %add3A_274 = arith.addf %dot_general3A_271, %add3A_273 : vector<256x8xf32>
    %mul3A_275 = arith.mulf %slice3A_261, %add3A_268 : vector<256x8xf32>
    %reduce_sum3A_276 = arith.constant dense<0.000000e+00> : vector<256xf32>
    %reduce_sum3A_277 = vector.multi_reduction <add>, %mul3A_275, %reduce_sum3A_276 [1] : vector<256x8xf32> to vector<256xf32>
    %broadcast_in_dim3A_278 = vector.shape_cast %reduce_sum3A_277 : vector<256xf32> to vector<256x1xf32>
    %convert_element_type3A_279 = arith.fptosi %broadcast_in_dim3A_278 : vector<256x1xf32> to vector<256x1xi32>
    %swap3A_280 = arith.constant 1280 : index
    %swap3A_281 = arith.constant 0 : index
    %swap3A_282 = vector.load %arg4[%swap3A_280, %swap3A_281] : memref<4096x1xi32, #tpu.memory_space<vmem>>, vector<256x1xi32>
    tpu.vector_store %arg4[%swap3A_280, %swap3A_281], %convert_element_type3A_279 {strides = array<i32>} : memref<4096x1xi32, #tpu.memory_space<vmem>>, vector<256x1xi32>,
    %mul3A_283 = arith.mulf %slice3A_262, %add3A_274 : vector<256x8xf32>
    %reduce_sum3A_284 = arith.constant dense<0.000000e+00> : vector<256xf32>
    %reduce_sum3A_285 = vector.multi_reduction <add>, %mul3A_283, %reduce_sum3A_284 [1] : vector<256x8xf32> to vector<256xf32>
    %broadcast_in_dim3A_286 = vector.shape_cast %reduce_sum3A_285 : vector<256xf32> to vector<256x1xf32>
    %convert_element_type3A_287 = arith.fptosi %broadcast_in_dim3A_286 : vector<256x1xf32> to vector<256x1xi32>
    %swap3A_288 = arith.constant 1280 : index
    %swap3A_289 = arith.constant 0 : index
    %swap3A_290 = vector.load %arg5[%swap3A_288, %swap3A_289] : memref<4096x1xi32, #tpu.memory_space<vmem>>, vector<256x1xi32>
    tpu.vector_store %arg5[%swap3A_288, %swap3A_289], %convert_element_type3A_287 {strides = array<i32>} : memref<4096x1xi32, #tpu.memory_space<vmem>>, vector<256x1xi32>,
    %reduce_sum3A_291 = arith.constant dense<0.000000e+00> : vector<8xf32>
    %reduce_sum3A_292 = vector.multi_reduction <add>, %slice3A_261, %reduce_sum3A_291 [0] : vector<256x8xf32> to vector<8xf32>
    %broadcast_in_dim3A_293 = vector.shape_cast %reduce_sum3A_292 : vector<8xf32> to vector<1x8xf32>
    %add3A_294 = arith.addf %add3A_256, %broadcast_in_dim3A_293 : vector<1x8xf32>
    %reduce_sum3A_295 = arith.constant dense<0.000000e+00> : vector<8xf32>
    %reduce_sum3A_296 = vector.multi_reduction <add>, %slice3A_262, %reduce_sum3A_295 [0] : vector<256x8xf32> to vector<8xf32>
    %broadcast_in_dim3A_297 = vector.shape_cast %reduce_sum3A_296 : vector<8xf32> to vector<1x8xf32>
    %add3A_298 = arith.addf %add3A_260, %broadcast_in_dim3A_297 : vector<1x8xf32>
    %slice3A_299 = vector.extract_strided_slice %convert_element_type3A_44 {offsets = [1536, 0], sizes = [256, 8], strides = [1, 1]} : vector<4096x8xf32> to vector<256x8xf32>
    %slice3A_300 = vector.extract_strided_slice %convert_element_type3A_46 {offsets = [1536, 0], sizes = [256, 8], strides = [1, 1]} : vector<4096x8xf32> to vector<256x8xf32>
    %convert_element_type3A_301 = arith.truncf %slice3A_299 : vector<256x8xf32> to vector<256x8xbf16>
    %dot_general3A_302 = arith.constant dense<0.000000e+00> : vector<256x8xf32>
    %dot_general3A_303 = tpu.matmul %convert_element_type3A_69, %convert_element_type3A_301, %dot_general3A_302 {dimension_numbers = #tpu.dot_dimension_numbers<[1], [0], [0], [1], [0, 0, 1, 1], [], []>, transpose_lhs_hint = false} : vector<256x256xbf16>, vector<256x8xbf16>, vector<256x8xf32> -> vector<256x8xf32>
    %add3A_304 = arith.addf %add3A_294, %dot_general3A_64 : vector<1x8xf32>
    %add3A_305 = vector.broadcast %add3A_304 : vector<1x8xf32> to vector<256x8xf32>
    %add3A_306 = arith.addf %dot_general3A_303, %add3A_305 : vector<256x8xf32>
    %convert_element_type3A_307 = arith.truncf %slice3A_300 : vector<256x8xf32> to vector<256x8xbf16>
    %dot_general3A_308 = arith.constant dense<0.000000e+00> : vector<256x8xf32>
    %dot_general3A_309 = tpu.matmul %convert_element_type3A_69, %convert_element_type3A_307, %dot_general3A_308 {dimension_numbers = #tpu.dot_dimension_numbers<[1], [0], [0], [1], [0, 0, 1, 1], [], []>, transpose_lhs_hint = false} : vector<256x256xbf16>, vector<256x8xbf16>, vector<256x8xf32> -> vector<256x8xf32>
    %add3A_310 = arith.addf %add3A_298, %dot_general3A_64 : vector<1x8xf32>
    %add3A_311 = vector.broadcast %add3A_310 : vector<1x8xf32> to vector<256x8xf32>
    %add3A_312 = arith.addf %dot_general3A_309, %add3A_311 : vector<256x8xf32>
    %mul3A_313 = arith.mulf %slice3A_299, %add3A_306 : vector<256x8xf32>
    %reduce_sum3A_314 = arith.constant dense<0.000000e+00> : vector<256xf32>
    %reduce_sum3A_315 = vector.multi_reduction <add>, %mul3A_313, %reduce_sum3A_314 [1] : vector<256x8xf32> to vector<256xf32>
    %broadcast_in_dim3A_316 = vector.shape_cast %reduce_sum3A_315 : vector<256xf32> to vector<256x1xf32>
    %convert_element_type3A_317 = arith.fptosi %broadcast_in_dim3A_316 : vector<256x1xf32> to vector<256x1xi32>
    %swap3A_318 = arith.constant 1536 : index
    %swap3A_319 = arith.constant 0 : index
    %swap3A_320 = vector.load %arg4[%swap3A_318, %swap3A_319] : memref<4096x1xi32, #tpu.memory_space<vmem>>, vector<256x1xi32>
    tpu.vector_store %arg4[%swap3A_318, %swap3A_319], %convert_element_type3A_317 {strides = array<i32>} : memref<4096x1xi32, #tpu.memory_space<vmem>>, vector<256x1xi32>,
    %mul3A_321 = arith.mulf %slice3A_300, %add3A_312 : vector<256x8xf32>
    %reduce_sum3A_322 = arith.constant dense<0.000000e+00> : vector<256xf32>
    %reduce_sum3A_323 = vector.multi_reduction <add>, %mul3A_321, %reduce_sum3A_322 [1] : vector<256x8xf32> to vector<256xf32>
    %broadcast_in_dim3A_324 = vector.shape_cast %reduce_sum3A_323 : vector<256xf32> to vector<256x1xf32>
    %convert_element_type3A_325 = arith.fptosi %broadcast_in_dim3A_324 : vector<256x1xf32> to vector<256x1xi32>
    %swap3A_326 = arith.constant 1536 : index
    %swap3A_327 = arith.constant 0 : index
    %swap3A_328 = vector.load %arg5[%swap3A_326, %swap3A_327] : memref<4096x1xi32, #tpu.memory_space<vmem>>, vector<256x1xi32>
    tpu.vector_store %arg5[%swap3A_326, %swap3A_327], %convert_element_type3A_325 {strides = array<i32>} : memref<4096x1xi32, #tpu.memory_space<vmem>>, vector<256x1xi32>,
    %reduce_sum3A_329 = arith.constant dense<0.000000e+00> : vector<8xf32>
    %reduce_sum3A_330 = vector.multi_reduction <add>, %slice3A_299, %reduce_sum3A_329 [0] : vector<256x8xf32> to vector<8xf32>
    %broadcast_in_dim3A_331 = vector.shape_cast %reduce_sum3A_330 : vector<8xf32> to vector<1x8xf32>
    %add3A_332 = arith.addf %add3A_294, %broadcast_in_dim3A_331 : vector<1x8xf32>
    %reduce_sum3A_333 = arith.constant dense<0.000000e+00> : vector<8xf32>
    %reduce_sum3A_334 = vector.multi_reduction <add>, %slice3A_300, %reduce_sum3A_333 [0] : vector<256x8xf32> to vector<8xf32>
    %broadcast_in_dim3A_335 = vector.shape_cast %reduce_sum3A_334 : vector<8xf32> to vector<1x8xf32>
    %add3A_336 = arith.addf %add3A_298, %broadcast_in_dim3A_335 : vector<1x8xf32>
    %slice3A_337 = vector.extract_strided_slice %convert_element_type3A_44 {offsets = [1792, 0], sizes = [256, 8], strides = [1, 1]} : vector<4096x8xf32> to vector<256x8xf32>
    %slice3A_338 = vector.extract_strided_slice %convert_element_type3A_46 {offsets = [1792, 0], sizes = [256, 8], strides = [1, 1]} : vector<4096x8xf32> to vector<256x8xf32>
    %convert_element_type3A_339 = arith.truncf %slice3A_337 : vector<256x8xf32> to vector<256x8xbf16>
    %dot_general3A_340 = arith.constant dense<0.000000e+00> : vector<256x8xf32>
    %dot_general3A_341 = tpu.matmul %convert_element_type3A_69, %convert_element_type3A_339, %dot_general3A_340 {dimension_numbers = #tpu.dot_dimension_numbers<[1], [0], [0], [1], [0, 0, 1, 1], [], []>, transpose_lhs_hint = false} : vector<256x256xbf16>, vector<256x8xbf16>, vector<256x8xf32> -> vector<256x8xf32>
    %add3A_342 = arith.addf %add3A_332, %dot_general3A_64 : vector<1x8xf32>
    %add3A_343 = vector.broadcast %add3A_342 : vector<1x8xf32> to vector<256x8xf32>
    %add3A_344 = arith.addf %dot_general3A_341, %add3A_343 : vector<256x8xf32>
    %convert_element_type3A_345 = arith.truncf %slice3A_338 : vector<256x8xf32> to vector<256x8xbf16>
    %dot_general3A_346 = arith.constant dense<0.000000e+00> : vector<256x8xf32>
    %dot_general3A_347 = tpu.matmul %convert_element_type3A_69, %convert_element_type3A_345, %dot_general3A_346 {dimension_numbers = #tpu.dot_dimension_numbers<[1], [0], [0], [1], [0, 0, 1, 1], [], []>, transpose_lhs_hint = false} : vector<256x256xbf16>, vector<256x8xbf16>, vector<256x8xf32> -> vector<256x8xf32>
    %add3A_348 = arith.addf %add3A_336, %dot_general3A_64 : vector<1x8xf32>
    %add3A_349 = vector.broadcast %add3A_348 : vector<1x8xf32> to vector<256x8xf32>
    %add3A_350 = arith.addf %dot_general3A_347, %add3A_349 : vector<256x8xf32>
    %mul3A_351 = arith.mulf %slice3A_337, %add3A_344 : vector<256x8xf32>
    %reduce_sum3A_352 = arith.constant dense<0.000000e+00> : vector<256xf32>
    %reduce_sum3A_353 = vector.multi_reduction <add>, %mul3A_351, %reduce_sum3A_352 [1] : vector<256x8xf32> to vector<256xf32>
    %broadcast_in_dim3A_354 = vector.shape_cast %reduce_sum3A_353 : vector<256xf32> to vector<256x1xf32>
    %convert_element_type3A_355 = arith.fptosi %broadcast_in_dim3A_354 : vector<256x1xf32> to vector<256x1xi32>
    %swap3A_356 = arith.constant 1792 : index
    %swap3A_357 = arith.constant 0 : index
    %swap3A_358 = vector.load %arg4[%swap3A_356, %swap3A_357] : memref<4096x1xi32, #tpu.memory_space<vmem>>, vector<256x1xi32>
    tpu.vector_store %arg4[%swap3A_356, %swap3A_357], %convert_element_type3A_355 {strides = array<i32>} : memref<4096x1xi32, #tpu.memory_space<vmem>>, vector<256x1xi32>,
    %mul3A_359 = arith.mulf %slice3A_338, %add3A_350 : vector<256x8xf32>
    %reduce_sum3A_360 = arith.constant dense<0.000000e+00> : vector<256xf32>
    %reduce_sum3A_361 = vector.multi_reduction <add>, %mul3A_359, %reduce_sum3A_360 [1] : vector<256x8xf32> to vector<256xf32>
    %broadcast_in_dim3A_362 = vector.shape_cast %reduce_sum3A_361 : vector<256xf32> to vector<256x1xf32>
    %convert_element_type3A_363 = arith.fptosi %broadcast_in_dim3A_362 : vector<256x1xf32> to vector<256x1xi32>
    %swap3A_364 = arith.constant 1792 : index
    %swap3A_365 = arith.constant 0 : index
    %swap3A_366 = vector.load %arg5[%swap3A_364, %swap3A_365] : memref<4096x1xi32, #tpu.memory_space<vmem>>, vector<256x1xi32>
    tpu.vector_store %arg5[%swap3A_364, %swap3A_365], %convert_element_type3A_363 {strides = array<i32>} : memref<4096x1xi32, #tpu.memory_space<vmem>>, vector<256x1xi32>,
    %reduce_sum3A_367 = arith.constant dense<0.000000e+00> : vector<8xf32>
    %reduce_sum3A_368 = vector.multi_reduction <add>, %slice3A_337, %reduce_sum3A_367 [0] : vector<256x8xf32> to vector<8xf32>
    %broadcast_in_dim3A_369 = vector.shape_cast %reduce_sum3A_368 : vector<8xf32> to vector<1x8xf32>
    %add3A_370 = arith.addf %add3A_332, %broadcast_in_dim3A_369 : vector<1x8xf32>
    %reduce_sum3A_371 = arith.constant dense<0.000000e+00> : vector<8xf32>
    %reduce_sum3A_372 = vector.multi_reduction <add>, %slice3A_338, %reduce_sum3A_371 [0] : vector<256x8xf32> to vector<8xf32>
    %broadcast_in_dim3A_373 = vector.shape_cast %reduce_sum3A_372 : vector<8xf32> to vector<1x8xf32>
    %add3A_374 = arith.addf %add3A_336, %broadcast_in_dim3A_373 : vector<1x8xf32>
    %slice3A_375 = vector.extract_strided_slice %convert_element_type3A_44 {offsets = [2048, 0], sizes = [256, 8], strides = [1, 1]} : vector<4096x8xf32> to vector<256x8xf32>
    %slice3A_376 = vector.extract_strided_slice %convert_element_type3A_46 {offsets = [2048, 0], sizes = [256, 8], strides = [1, 1]} : vector<4096x8xf32> to vector<256x8xf32>
    %convert_element_type3A_377 = arith.truncf %slice3A_375 : vector<256x8xf32> to vector<256x8xbf16>
    %dot_general3A_378 = arith.constant dense<0.000000e+00> : vector<256x8xf32>
    %dot_general3A_379 = tpu.matmul %convert_element_type3A_69, %convert_element_type3A_377, %dot_general3A_378 {dimension_numbers = #tpu.dot_dimension_numbers<[1], [0], [0], [1], [0, 0, 1, 1], [], []>, transpose_lhs_hint = false} : vector<256x256xbf16>, vector<256x8xbf16>, vector<256x8xf32> -> vector<256x8xf32>
    %add3A_380 = arith.addf %add3A_370, %dot_general3A_64 : vector<1x8xf32>
    %add3A_381 = vector.broadcast %add3A_380 : vector<1x8xf32> to vector<256x8xf32>
    %add3A_382 = arith.addf %dot_general3A_379, %add3A_381 : vector<256x8xf32>
    %convert_element_type3A_383 = arith.truncf %slice3A_376 : vector<256x8xf32> to vector<256x8xbf16>
    %dot_general3A_384 = arith.constant dense<0.000000e+00> : vector<256x8xf32>
    %dot_general3A_385 = tpu.matmul %convert_element_type3A_69, %convert_element_type3A_383, %dot_general3A_384 {dimension_numbers = #tpu.dot_dimension_numbers<[1], [0], [0], [1], [0, 0, 1, 1], [], []>, transpose_lhs_hint = false} : vector<256x256xbf16>, vector<256x8xbf16>, vector<256x8xf32> -> vector<256x8xf32>
    %add3A_386 = arith.addf %add3A_374, %dot_general3A_64 : vector<1x8xf32>
    %add3A_387 = vector.broadcast %add3A_386 : vector<1x8xf32> to vector<256x8xf32>
    %add3A_388 = arith.addf %dot_general3A_385, %add3A_387 : vector<256x8xf32>
    %mul3A_389 = arith.mulf %slice3A_375, %add3A_382 : vector<256x8xf32>
    %reduce_sum3A_390 = arith.constant dense<0.000000e+00> : vector<256xf32>
    %reduce_sum3A_391 = vector.multi_reduction <add>, %mul3A_389, %reduce_sum3A_390 [1] : vector<256x8xf32> to vector<256xf32>
    %broadcast_in_dim3A_392 = vector.shape_cast %reduce_sum3A_391 : vector<256xf32> to vector<256x1xf32>
    %convert_element_type3A_393 = arith.fptosi %broadcast_in_dim3A_392 : vector<256x1xf32> to vector<256x1xi32>
    %swap3A_394 = arith.constant 2048 : index
    %swap3A_395 = arith.constant 0 : index
    %swap3A_396 = vector.load %arg4[%swap3A_394, %swap3A_395] : memref<4096x1xi32, #tpu.memory_space<vmem>>, vector<256x1xi32>
    tpu.vector_store %arg4[%swap3A_394, %swap3A_395], %convert_element_type3A_393 {strides = array<i32>} : memref<4096x1xi32, #tpu.memory_space<vmem>>, vector<256x1xi32>,
    %mul3A_397 = arith.mulf %slice3A_376, %add3A_388 : vector<256x8xf32>
    %reduce_sum3A_398 = arith.constant dense<0.000000e+00> : vector<256xf32>
    %reduce_sum3A_399 = vector.multi_reduction <add>, %mul3A_397, %reduce_sum3A_398 [1] : vector<256x8xf32> to vector<256xf32>
    %broadcast_in_dim3A_400 = vector.shape_cast %reduce_sum3A_399 : vector<256xf32> to vector<256x1xf32>
    %convert_element_type3A_401 = arith.fptosi %broadcast_in_dim3A_400 : vector<256x1xf32> to vector<256x1xi32>
    %swap3A_402 = arith.constant 2048 : index
    %swap3A_403 = arith.constant 0 : index
    %swap3A_404 = vector.load %arg5[%swap3A_402, %swap3A_403] : memref<4096x1xi32, #tpu.memory_space<vmem>>, vector<256x1xi32>
    tpu.vector_store %arg5[%swap3A_402, %swap3A_403], %convert_element_type3A_401 {strides = array<i32>} : memref<4096x1xi32, #tpu.memory_space<vmem>>, vector<256x1xi32>,
    %reduce_sum3A_405 = arith.constant dense<0.000000e+00> : vector<8xf32>
    %reduce_sum3A_406 = vector.multi_reduction <add>, %slice3A_375, %reduce_sum3A_405 [0] : vector<256x8xf32> to vector<8xf32>
    %broadcast_in_dim3A_407 = vector.shape_cast %reduce_sum3A_406 : vector<8xf32> to vector<1x8xf32>
    %add3A_408 = arith.addf %add3A_370, %broadcast_in_dim3A_407 : vector<1x8xf32>
    %reduce_sum3A_409 = arith.constant dense<0.000000e+00> : vector<8xf32>
    %reduce_sum3A_410 = vector.multi_reduction <add>, %slice3A_376, %reduce_sum3A_409 [0] : vector<256x8xf32> to vector<8xf32>
    %broadcast_in_dim3A_411 = vector.shape_cast %reduce_sum3A_410 : vector<8xf32> to vector<1x8xf32>
    %add3A_412 = arith.addf %add3A_374, %broadcast_in_dim3A_411 : vector<1x8xf32>
    %slice3A_413 = vector.extract_strided_slice %convert_element_type3A_44 {offsets = [2304, 0], sizes = [256, 8], strides = [1, 1]} : vector<4096x8xf32> to vector<256x8xf32>
    %slice3A_414 = vector.extract_strided_slice %convert_element_type3A_46 {offsets = [2304, 0], sizes = [256, 8], strides = [1, 1]} : vector<4096x8xf32> to vector<256x8xf32>
    %convert_element_type3A_415 = arith.truncf %slice3A_413 : vector<256x8xf32> to vector<256x8xbf16>
    %dot_general3A_416 = arith.constant dense<0.000000e+00> : vector<256x8xf32>
    %dot_general3A_417 = tpu.matmul %convert_element_type3A_69, %convert_element_type3A_415, %dot_general3A_416 {dimension_numbers = #tpu.dot_dimension_numbers<[1], [0], [0], [1], [0, 0, 1, 1], [], []>, transpose_lhs_hint = false} : vector<256x256xbf16>, vector<256x8xbf16>, vector<256x8xf32> -> vector<256x8xf32>
    %add3A_418 = arith.addf %add3A_408, %dot_general3A_64 : vector<1x8xf32>
    %add3A_419 = vector.broadcast %add3A_418 : vector<1x8xf32> to vector<256x8xf32>
    %add3A_420 = arith.addf %dot_general3A_417, %add3A_419 : vector<256x8xf32>
    %convert_element_type3A_421 = arith.truncf %slice3A_414 : vector<256x8xf32> to vector<256x8xbf16>
    %dot_general3A_422 = arith.constant dense<0.000000e+00> : vector<256x8xf32>
    %dot_general3A_423 = tpu.matmul %convert_element_type3A_69, %convert_element_type3A_421, %dot_general3A_422 {dimension_numbers = #tpu.dot_dimension_numbers<[1], [0], [0], [1], [0, 0, 1, 1], [], []>, transpose_lhs_hint = false} : vector<256x256xbf16>, vector<256x8xbf16>, vector<256x8xf32> -> vector<256x8xf32>
    %add3A_424 = arith.addf %add3A_412, %dot_general3A_64 : vector<1x8xf32>
    %add3A_425 = vector.broadcast %add3A_424 : vector<1x8xf32> to vector<256x8xf32>
    %add3A_426 = arith.addf %dot_general3A_423, %add3A_425 : vector<256x8xf32>
    %mul3A_427 = arith.mulf %slice3A_413, %add3A_420 : vector<256x8xf32>
    %reduce_sum3A_428 = arith.constant dense<0.000000e+00> : vector<256xf32>
    %reduce_sum3A_429 = vector.multi_reduction <add>, %mul3A_427, %reduce_sum3A_428 [1] : vector<256x8xf32> to vector<256xf32>
    %broadcast_in_dim3A_430 = vector.shape_cast %reduce_sum3A_429 : vector<256xf32> to vector<256x1xf32>
    %convert_element_type3A_431 = arith.fptosi %broadcast_in_dim3A_430 : vector<256x1xf32> to vector<256x1xi32>
    %swap3A_432 = arith.constant 2304 : index
    %swap3A_433 = arith.constant 0 : index
    %swap3A_434 = vector.load %arg4[%swap3A_432, %swap3A_433] : memref<4096x1xi32, #tpu.memory_space<vmem>>, vector<256x1xi32>
    tpu.vector_store %arg4[%swap3A_432, %swap3A_433], %convert_element_type3A_431 {strides = array<i32>} : memref<4096x1xi32, #tpu.memory_space<vmem>>, vector<256x1xi32>,
    %mul3A_435 = arith.mulf %slice3A_414, %add3A_426 : vector<256x8xf32>
    %reduce_sum3A_436 = arith.constant dense<0.000000e+00> : vector<256xf32>
    %reduce_sum3A_437 = vector.multi_reduction <add>, %mul3A_435, %reduce_sum3A_436 [1] : vector<256x8xf32> to vector<256xf32>
    %broadcast_in_dim3A_438 = vector.shape_cast %reduce_sum3A_437 : vector<256xf32> to vector<256x1xf32>
    %convert_element_type3A_439 = arith.fptosi %broadcast_in_dim3A_438 : vector<256x1xf32> to vector<256x1xi32>
    %swap3A_440 = arith.constant 2304 : index
    %swap3A_441 = arith.constant 0 : index
    %swap3A_442 = vector.load %arg5[%swap3A_440, %swap3A_441] : memref<4096x1xi32, #tpu.memory_space<vmem>>, vector<256x1xi32>
    tpu.vector_store %arg5[%swap3A_440, %swap3A_441], %convert_element_type3A_439 {strides = array<i32>} : memref<4096x1xi32, #tpu.memory_space<vmem>>, vector<256x1xi32>,
    %reduce_sum3A_443 = arith.constant dense<0.000000e+00> : vector<8xf32>
    %reduce_sum3A_444 = vector.multi_reduction <add>, %slice3A_413, %reduce_sum3A_443 [0] : vector<256x8xf32> to vector<8xf32>
    %broadcast_in_dim3A_445 = vector.shape_cast %reduce_sum3A_444 : vector<8xf32> to vector<1x8xf32>
    %add3A_446 = arith.addf %add3A_408, %broadcast_in_dim3A_445 : vector<1x8xf32>
    %reduce_sum3A_447 = arith.constant dense<0.000000e+00> : vector<8xf32>
    %reduce_sum3A_448 = vector.multi_reduction <add>, %slice3A_414, %reduce_sum3A_447 [0] : vector<256x8xf32> to vector<8xf32>
    %broadcast_in_dim3A_449 = vector.shape_cast %reduce_sum3A_448 : vector<8xf32> to vector<1x8xf32>
    %add3A_450 = arith.addf %add3A_412, %broadcast_in_dim3A_449 : vector<1x8xf32>
    %slice3A_451 = vector.extract_strided_slice %convert_element_type3A_44 {offsets = [2560, 0], sizes = [256, 8], strides = [1, 1]} : vector<4096x8xf32> to vector<256x8xf32>
    %slice3A_452 = vector.extract_strided_slice %convert_element_type3A_46 {offsets = [2560, 0], sizes = [256, 8], strides = [1, 1]} : vector<4096x8xf32> to vector<256x8xf32>
    %convert_element_type3A_453 = arith.truncf %slice3A_451 : vector<256x8xf32> to vector<256x8xbf16>
    %dot_general3A_454 = arith.constant dense<0.000000e+00> : vector<256x8xf32>
    %dot_general3A_455 = tpu.matmul %convert_element_type3A_69, %convert_element_type3A_453, %dot_general3A_454 {dimension_numbers = #tpu.dot_dimension_numbers<[1], [0], [0], [1], [0, 0, 1, 1], [], []>, transpose_lhs_hint = false} : vector<256x256xbf16>, vector<256x8xbf16>, vector<256x8xf32> -> vector<256x8xf32>
    %add3A_456 = arith.addf %add3A_446, %dot_general3A_64 : vector<1x8xf32>
    %add3A_457 = vector.broadcast %add3A_456 : vector<1x8xf32> to vector<256x8xf32>
    %add3A_458 = arith.addf %dot_general3A_455, %add3A_457 : vector<256x8xf32>
    %convert_element_type3A_459 = arith.truncf %slice3A_452 : vector<256x8xf32> to vector<256x8xbf16>
    %dot_general3A_460 = arith.constant dense<0.000000e+00> : vector<256x8xf32>
    %dot_general3A_461 = tpu.matmul %convert_element_type3A_69, %convert_element_type3A_459, %dot_general3A_460 {dimension_numbers = #tpu.dot_dimension_numbers<[1], [0], [0], [1], [0, 0, 1, 1], [], []>, transpose_lhs_hint = false} : vector<256x256xbf16>, vector<256x8xbf16>, vector<256x8xf32> -> vector<256x8xf32>
    %add3A_462 = arith.addf %add3A_450, %dot_general3A_64 : vector<1x8xf32>
    %add3A_463 = vector.broadcast %add3A_462 : vector<1x8xf32> to vector<256x8xf32>
    %add3A_464 = arith.addf %dot_general3A_461, %add3A_463 : vector<256x8xf32>
    %mul3A_465 = arith.mulf %slice3A_451, %add3A_458 : vector<256x8xf32>
    %reduce_sum3A_466 = arith.constant dense<0.000000e+00> : vector<256xf32>
    %reduce_sum3A_467 = vector.multi_reduction <add>, %mul3A_465, %reduce_sum3A_466 [1] : vector<256x8xf32> to vector<256xf32>
    %broadcast_in_dim3A_468 = vector.shape_cast %reduce_sum3A_467 : vector<256xf32> to vector<256x1xf32>
    %convert_element_type3A_469 = arith.fptosi %broadcast_in_dim3A_468 : vector<256x1xf32> to vector<256x1xi32>
    %swap3A_470 = arith.constant 2560 : index
    %swap3A_471 = arith.constant 0 : index
    %swap3A_472 = vector.load %arg4[%swap3A_470, %swap3A_471] : memref<4096x1xi32, #tpu.memory_space<vmem>>, vector<256x1xi32>
    tpu.vector_store %arg4[%swap3A_470, %swap3A_471], %convert_element_type3A_469 {strides = array<i32>} : memref<4096x1xi32, #tpu.memory_space<vmem>>, vector<256x1xi32>,
    %mul3A_473 = arith.mulf %slice3A_452, %add3A_464 : vector<256x8xf32>
    %reduce_sum3A_474 = arith.constant dense<0.000000e+00> : vector<256xf32>
    %reduce_sum3A_475 = vector.multi_reduction <add>, %mul3A_473, %reduce_sum3A_474 [1] : vector<256x8xf32> to vector<256xf32>
    %broadcast_in_dim3A_476 = vector.shape_cast %reduce_sum3A_475 : vector<256xf32> to vector<256x1xf32>
    %convert_element_type3A_477 = arith.fptosi %broadcast_in_dim3A_476 : vector<256x1xf32> to vector<256x1xi32>
    %swap3A_478 = arith.constant 2560 : index
    %swap3A_479 = arith.constant 0 : index
    %swap3A_480 = vector.load %arg5[%swap3A_478, %swap3A_479] : memref<4096x1xi32, #tpu.memory_space<vmem>>, vector<256x1xi32>
    tpu.vector_store %arg5[%swap3A_478, %swap3A_479], %convert_element_type3A_477 {strides = array<i32>} : memref<4096x1xi32, #tpu.memory_space<vmem>>, vector<256x1xi32>,
    %reduce_sum3A_481 = arith.constant dense<0.000000e+00> : vector<8xf32>
    %reduce_sum3A_482 = vector.multi_reduction <add>, %slice3A_451, %reduce_sum3A_481 [0] : vector<256x8xf32> to vector<8xf32>
    %broadcast_in_dim3A_483 = vector.shape_cast %reduce_sum3A_482 : vector<8xf32> to vector<1x8xf32>
    %add3A_484 = arith.addf %add3A_446, %broadcast_in_dim3A_483 : vector<1x8xf32>
    %reduce_sum3A_485 = arith.constant dense<0.000000e+00> : vector<8xf32>
    %reduce_sum3A_486 = vector.multi_reduction <add>, %slice3A_452, %reduce_sum3A_485 [0] : vector<256x8xf32> to vector<8xf32>
    %broadcast_in_dim3A_487 = vector.shape_cast %reduce_sum3A_486 : vector<8xf32> to vector<1x8xf32>
    %add3A_488 = arith.addf %add3A_450, %broadcast_in_dim3A_487 : vector<1x8xf32>
    %slice3A_489 = vector.extract_strided_slice %convert_element_type3A_44 {offsets = [2816, 0], sizes = [256, 8], strides = [1, 1]} : vector<4096x8xf32> to vector<256x8xf32>
    %slice3A_490 = vector.extract_strided_slice %convert_element_type3A_46 {offsets = [2816, 0], sizes = [256, 8], strides = [1, 1]} : vector<4096x8xf32> to vector<256x8xf32>
    %convert_element_type3A_491 = arith.truncf %slice3A_489 : vector<256x8xf32> to vector<256x8xbf16>
    %dot_general3A_492 = arith.constant dense<0.000000e+00> : vector<256x8xf32>
    %dot_general3A_493 = tpu.matmul %convert_element_type3A_69, %convert_element_type3A_491, %dot_general3A_492 {dimension_numbers = #tpu.dot_dimension_numbers<[1], [0], [0], [1], [0, 0, 1, 1], [], []>, transpose_lhs_hint = false} : vector<256x256xbf16>, vector<256x8xbf16>, vector<256x8xf32> -> vector<256x8xf32>
    %add3A_494 = arith.addf %add3A_484, %dot_general3A_64 : vector<1x8xf32>
    %add3A_495 = vector.broadcast %add3A_494 : vector<1x8xf32> to vector<256x8xf32>
    %add3A_496 = arith.addf %dot_general3A_493, %add3A_495 : vector<256x8xf32>
    %convert_element_type3A_497 = arith.truncf %slice3A_490 : vector<256x8xf32> to vector<256x8xbf16>
    %dot_general3A_498 = arith.constant dense<0.000000e+00> : vector<256x8xf32>
    %dot_general3A_499 = tpu.matmul %convert_element_type3A_69, %convert_element_type3A_497, %dot_general3A_498 {dimension_numbers = #tpu.dot_dimension_numbers<[1], [0], [0], [1], [0, 0, 1, 1], [], []>, transpose_lhs_hint = false} : vector<256x256xbf16>, vector<256x8xbf16>, vector<256x8xf32> -> vector<256x8xf32>
    %add3A_500 = arith.addf %add3A_488, %dot_general3A_64 : vector<1x8xf32>
    %add3A_501 = vector.broadcast %add3A_500 : vector<1x8xf32> to vector<256x8xf32>
    %add3A_502 = arith.addf %dot_general3A_499, %add3A_501 : vector<256x8xf32>
    %mul3A_503 = arith.mulf %slice3A_489, %add3A_496 : vector<256x8xf32>
    %reduce_sum3A_504 = arith.constant dense<0.000000e+00> : vector<256xf32>
    %reduce_sum3A_505 = vector.multi_reduction <add>, %mul3A_503, %reduce_sum3A_504 [1] : vector<256x8xf32> to vector<256xf32>
    %broadcast_in_dim3A_506 = vector.shape_cast %reduce_sum3A_505 : vector<256xf32> to vector<256x1xf32>
    %convert_element_type3A_507 = arith.fptosi %broadcast_in_dim3A_506 : vector<256x1xf32> to vector<256x1xi32>
    %swap3A_508 = arith.constant 2816 : index
    %swap3A_509 = arith.constant 0 : index
    %swap3A_510 = vector.load %arg4[%swap3A_508, %swap3A_509] : memref<4096x1xi32, #tpu.memory_space<vmem>>, vector<256x1xi32>
    tpu.vector_store %arg4[%swap3A_508, %swap3A_509], %convert_element_type3A_507 {strides = array<i32>} : memref<4096x1xi32, #tpu.memory_space<vmem>>, vector<256x1xi32>,
    %mul3A_511 = arith.mulf %slice3A_490, %add3A_502 : vector<256x8xf32>
    %reduce_sum3A_512 = arith.constant dense<0.000000e+00> : vector<256xf32>
    %reduce_sum3A_513 = vector.multi_reduction <add>, %mul3A_511, %reduce_sum3A_512 [1] : vector<256x8xf32> to vector<256xf32>
    %broadcast_in_dim3A_514 = vector.shape_cast %reduce_sum3A_513 : vector<256xf32> to vector<256x1xf32>
    %convert_element_type3A_515 = arith.fptosi %broadcast_in_dim3A_514 : vector<256x1xf32> to vector<256x1xi32>
    %swap3A_516 = arith.constant 2816 : index
    %swap3A_517 = arith.constant 0 : index
    %swap3A_518 = vector.load %arg5[%swap3A_516, %swap3A_517] : memref<4096x1xi32, #tpu.memory_space<vmem>>, vector<256x1xi32>
    tpu.vector_store %arg5[%swap3A_516, %swap3A_517], %convert_element_type3A_515 {strides = array<i32>} : memref<4096x1xi32, #tpu.memory_space<vmem>>, vector<256x1xi32>,
    %reduce_sum3A_519 = arith.constant dense<0.000000e+00> : vector<8xf32>
    %reduce_sum3A_520 = vector.multi_reduction <add>, %slice3A_489, %reduce_sum3A_519 [0] : vector<256x8xf32> to vector<8xf32>
    %broadcast_in_dim3A_521 = vector.shape_cast %reduce_sum3A_520 : vector<8xf32> to vector<1x8xf32>
    %add3A_522 = arith.addf %add3A_484, %broadcast_in_dim3A_521 : vector<1x8xf32>
    %reduce_sum3A_523 = arith.constant dense<0.000000e+00> : vector<8xf32>
    %reduce_sum3A_524 = vector.multi_reduction <add>, %slice3A_490, %reduce_sum3A_523 [0] : vector<256x8xf32> to vector<8xf32>
    %broadcast_in_dim3A_525 = vector.shape_cast %reduce_sum3A_524 : vector<8xf32> to vector<1x8xf32>
    %add3A_526 = arith.addf %add3A_488, %broadcast_in_dim3A_525 : vector<1x8xf32>
    %slice3A_527 = vector.extract_strided_slice %convert_element_type3A_44 {offsets = [3072, 0], sizes = [256, 8], strides = [1, 1]} : vector<4096x8xf32> to vector<256x8xf32>
    %slice3A_528 = vector.extract_strided_slice %convert_element_type3A_46 {offsets = [3072, 0], sizes = [256, 8], strides = [1, 1]} : vector<4096x8xf32> to vector<256x8xf32>
    %convert_element_type3A_529 = arith.truncf %slice3A_527 : vector<256x8xf32> to vector<256x8xbf16>
    %dot_general3A_530 = arith.constant dense<0.000000e+00> : vector<256x8xf32>
    %dot_general3A_531 = tpu.matmul %convert_element_type3A_69, %convert_element_type3A_529, %dot_general3A_530 {dimension_numbers = #tpu.dot_dimension_numbers<[1], [0], [0], [1], [0, 0, 1, 1], [], []>, transpose_lhs_hint = false} : vector<256x256xbf16>, vector<256x8xbf16>, vector<256x8xf32> -> vector<256x8xf32>
    %add3A_532 = arith.addf %add3A_522, %dot_general3A_64 : vector<1x8xf32>
    %add3A_533 = vector.broadcast %add3A_532 : vector<1x8xf32> to vector<256x8xf32>
    %add3A_534 = arith.addf %dot_general3A_531, %add3A_533 : vector<256x8xf32>
    %convert_element_type3A_535 = arith.truncf %slice3A_528 : vector<256x8xf32> to vector<256x8xbf16>
    %dot_general3A_536 = arith.constant dense<0.000000e+00> : vector<256x8xf32>
    %dot_general3A_537 = tpu.matmul %convert_element_type3A_69, %convert_element_type3A_535, %dot_general3A_536 {dimension_numbers = #tpu.dot_dimension_numbers<[1], [0], [0], [1], [0, 0, 1, 1], [], []>, transpose_lhs_hint = false} : vector<256x256xbf16>, vector<256x8xbf16>, vector<256x8xf32> -> vector<256x8xf32>
    %add3A_538 = arith.addf %add3A_526, %dot_general3A_64 : vector<1x8xf32>
    %add3A_539 = vector.broadcast %add3A_538 : vector<1x8xf32> to vector<256x8xf32>
    %add3A_540 = arith.addf %dot_general3A_537, %add3A_539 : vector<256x8xf32>
    %mul3A_541 = arith.mulf %slice3A_527, %add3A_534 : vector<256x8xf32>
    %reduce_sum3A_542 = arith.constant dense<0.000000e+00> : vector<256xf32>
    %reduce_sum3A_543 = vector.multi_reduction <add>, %mul3A_541, %reduce_sum3A_542 [1] : vector<256x8xf32> to vector<256xf32>
    %broadcast_in_dim3A_544 = vector.shape_cast %reduce_sum3A_543 : vector<256xf32> to vector<256x1xf32>
    %convert_element_type3A_545 = arith.fptosi %broadcast_in_dim3A_544 : vector<256x1xf32> to vector<256x1xi32>
    %swap3A_546 = arith.constant 3072 : index
    %swap3A_547 = arith.constant 0 : index
    %swap3A_548 = vector.load %arg4[%swap3A_546, %swap3A_547] : memref<4096x1xi32, #tpu.memory_space<vmem>>, vector<256x1xi32>
    tpu.vector_store %arg4[%swap3A_546, %swap3A_547], %convert_element_type3A_545 {strides = array<i32>} : memref<4096x1xi32, #tpu.memory_space<vmem>>, vector<256x1xi32>,
    %mul3A_549 = arith.mulf %slice3A_528, %add3A_540 : vector<256x8xf32>
    %reduce_sum3A_550 = arith.constant dense<0.000000e+00> : vector<256xf32>
    %reduce_sum3A_551 = vector.multi_reduction <add>, %mul3A_549, %reduce_sum3A_550 [1] : vector<256x8xf32> to vector<256xf32>
    %broadcast_in_dim3A_552 = vector.shape_cast %reduce_sum3A_551 : vector<256xf32> to vector<256x1xf32>
    %convert_element_type3A_553 = arith.fptosi %broadcast_in_dim3A_552 : vector<256x1xf32> to vector<256x1xi32>
    %swap3A_554 = arith.constant 3072 : index
    %swap3A_555 = arith.constant 0 : index
    %swap3A_556 = vector.load %arg5[%swap3A_554, %swap3A_555] : memref<4096x1xi32, #tpu.memory_space<vmem>>, vector<256x1xi32>
    tpu.vector_store %arg5[%swap3A_554, %swap3A_555], %convert_element_type3A_553 {strides = array<i32>} : memref<4096x1xi32, #tpu.memory_space<vmem>>, vector<256x1xi32>,
    %reduce_sum3A_557 = arith.constant dense<0.000000e+00> : vector<8xf32>
    %reduce_sum3A_558 = vector.multi_reduction <add>, %slice3A_527, %reduce_sum3A_557 [0] : vector<256x8xf32> to vector<8xf32>
    %broadcast_in_dim3A_559 = vector.shape_cast %reduce_sum3A_558 : vector<8xf32> to vector<1x8xf32>
    %add3A_560 = arith.addf %add3A_522, %broadcast_in_dim3A_559 : vector<1x8xf32>
    %reduce_sum3A_561 = arith.constant dense<0.000000e+00> : vector<8xf32>
    %reduce_sum3A_562 = vector.multi_reduction <add>, %slice3A_528, %reduce_sum3A_561 [0] : vector<256x8xf32> to vector<8xf32>
    %broadcast_in_dim3A_563 = vector.shape_cast %reduce_sum3A_562 : vector<8xf32> to vector<1x8xf32>
    %add3A_564 = arith.addf %add3A_526, %broadcast_in_dim3A_563 : vector<1x8xf32>
    %slice3A_565 = vector.extract_strided_slice %convert_element_type3A_44 {offsets = [3328, 0], sizes = [256, 8], strides = [1, 1]} : vector<4096x8xf32> to vector<256x8xf32>
    %slice3A_566 = vector.extract_strided_slice %convert_element_type3A_46 {offsets = [3328, 0], sizes = [256, 8], strides = [1, 1]} : vector<4096x8xf32> to vector<256x8xf32>
    %convert_element_type3A_567 = arith.truncf %slice3A_565 : vector<256x8xf32> to vector<256x8xbf16>
    %dot_general3A_568 = arith.constant dense<0.000000e+00> : vector<256x8xf32>
    %dot_general3A_569 = tpu.matmul %convert_element_type3A_69, %convert_element_type3A_567, %dot_general3A_568 {dimension_numbers = #tpu.dot_dimension_numbers<[1], [0], [0], [1], [0, 0, 1, 1], [], []>, transpose_lhs_hint = false} : vector<256x256xbf16>, vector<256x8xbf16>, vector<256x8xf32> -> vector<256x8xf32>
    %add3A_570 = arith.addf %add3A_560, %dot_general3A_64 : vector<1x8xf32>
    %add3A_571 = vector.broadcast %add3A_570 : vector<1x8xf32> to vector<256x8xf32>
    %add3A_572 = arith.addf %dot_general3A_569, %add3A_571 : vector<256x8xf32>
    %convert_element_type3A_573 = arith.truncf %slice3A_566 : vector<256x8xf32> to vector<256x8xbf16>
    %dot_general3A_574 = arith.constant dense<0.000000e+00> : vector<256x8xf32>
    %dot_general3A_575 = tpu.matmul %convert_element_type3A_69, %convert_element_type3A_573, %dot_general3A_574 {dimension_numbers = #tpu.dot_dimension_numbers<[1], [0], [0], [1], [0, 0, 1, 1], [], []>, transpose_lhs_hint = false} : vector<256x256xbf16>, vector<256x8xbf16>, vector<256x8xf32> -> vector<256x8xf32>
    %add3A_576 = arith.addf %add3A_564, %dot_general3A_64 : vector<1x8xf32>
    %add3A_577 = vector.broadcast %add3A_576 : vector<1x8xf32> to vector<256x8xf32>
    %add3A_578 = arith.addf %dot_general3A_575, %add3A_577 : vector<256x8xf32>
    %mul3A_579 = arith.mulf %slice3A_565, %add3A_572 : vector<256x8xf32>
    %reduce_sum3A_580 = arith.constant dense<0.000000e+00> : vector<256xf32>
    %reduce_sum3A_581 = vector.multi_reduction <add>, %mul3A_579, %reduce_sum3A_580 [1] : vector<256x8xf32> to vector<256xf32>
    %broadcast_in_dim3A_582 = vector.shape_cast %reduce_sum3A_581 : vector<256xf32> to vector<256x1xf32>
    %convert_element_type3A_583 = arith.fptosi %broadcast_in_dim3A_582 : vector<256x1xf32> to vector<256x1xi32>
    %swap3A_584 = arith.constant 3328 : index
    %swap3A_585 = arith.constant 0 : index
    %swap3A_586 = vector.load %arg4[%swap3A_584, %swap3A_585] : memref<4096x1xi32, #tpu.memory_space<vmem>>, vector<256x1xi32>
    tpu.vector_store %arg4[%swap3A_584, %swap3A_585], %convert_element_type3A_583 {strides = array<i32>} : memref<4096x1xi32, #tpu.memory_space<vmem>>, vector<256x1xi32>,
    %mul3A_587 = arith.mulf %slice3A_566, %add3A_578 : vector<256x8xf32>
    %reduce_sum3A_588 = arith.constant dense<0.000000e+00> : vector<256xf32>
    %reduce_sum3A_589 = vector.multi_reduction <add>, %mul3A_587, %reduce_sum3A_588 [1] : vector<256x8xf32> to vector<256xf32>
    %broadcast_in_dim3A_590 = vector.shape_cast %reduce_sum3A_589 : vector<256xf32> to vector<256x1xf32>
    %convert_element_type3A_591 = arith.fptosi %broadcast_in_dim3A_590 : vector<256x1xf32> to vector<256x1xi32>
    %swap3A_592 = arith.constant 3328 : index
    %swap3A_593 = arith.constant 0 : index
    %swap3A_594 = vector.load %arg5[%swap3A_592, %swap3A_593] : memref<4096x1xi32, #tpu.memory_space<vmem>>, vector<256x1xi32>
    tpu.vector_store %arg5[%swap3A_592, %swap3A_593], %convert_element_type3A_591 {strides = array<i32>} : memref<4096x1xi32, #tpu.memory_space<vmem>>, vector<256x1xi32>,
    %reduce_sum3A_595 = arith.constant dense<0.000000e+00> : vector<8xf32>
    %reduce_sum3A_596 = vector.multi_reduction <add>, %slice3A_565, %reduce_sum3A_595 [0] : vector<256x8xf32> to vector<8xf32>
    %broadcast_in_dim3A_597 = vector.shape_cast %reduce_sum3A_596 : vector<8xf32> to vector<1x8xf32>
    %add3A_598 = arith.addf %add3A_560, %broadcast_in_dim3A_597 : vector<1x8xf32>
    %reduce_sum3A_599 = arith.constant dense<0.000000e+00> : vector<8xf32>
    %reduce_sum3A_600 = vector.multi_reduction <add>, %slice3A_566, %reduce_sum3A_599 [0] : vector<256x8xf32> to vector<8xf32>
    %broadcast_in_dim3A_601 = vector.shape_cast %reduce_sum3A_600 : vector<8xf32> to vector<1x8xf32>
    %add3A_602 = arith.addf %add3A_564, %broadcast_in_dim3A_601 : vector<1x8xf32>
    %slice3A_603 = vector.extract_strided_slice %convert_element_type3A_44 {offsets = [3584, 0], sizes = [256, 8], strides = [1, 1]} : vector<4096x8xf32> to vector<256x8xf32>
    %slice3A_604 = vector.extract_strided_slice %convert_element_type3A_46 {offsets = [3584, 0], sizes = [256, 8], strides = [1, 1]} : vector<4096x8xf32> to vector<256x8xf32>
    %convert_element_type3A_605 = arith.truncf %slice3A_603 : vector<256x8xf32> to vector<256x8xbf16>
    %dot_general3A_606 = arith.constant dense<0.000000e+00> : vector<256x8xf32>
    %dot_general3A_607 = tpu.matmul %convert_element_type3A_69, %convert_element_type3A_605, %dot_general3A_606 {dimension_numbers = #tpu.dot_dimension_numbers<[1], [0], [0], [1], [0, 0, 1, 1], [], []>, transpose_lhs_hint = false} : vector<256x256xbf16>, vector<256x8xbf16>, vector<256x8xf32> -> vector<256x8xf32>
    %add3A_608 = arith.addf %add3A_598, %dot_general3A_64 : vector<1x8xf32>
    %add3A_609 = vector.broadcast %add3A_608 : vector<1x8xf32> to vector<256x8xf32>
    %add3A_610 = arith.addf %dot_general3A_607, %add3A_609 : vector<256x8xf32>
    %convert_element_type3A_611 = arith.truncf %slice3A_604 : vector<256x8xf32> to vector<256x8xbf16>
    %dot_general3A_612 = arith.constant dense<0.000000e+00> : vector<256x8xf32>
    %dot_general3A_613 = tpu.matmul %convert_element_type3A_69, %convert_element_type3A_611, %dot_general3A_612 {dimension_numbers = #tpu.dot_dimension_numbers<[1], [0], [0], [1], [0, 0, 1, 1], [], []>, transpose_lhs_hint = false} : vector<256x256xbf16>, vector<256x8xbf16>, vector<256x8xf32> -> vector<256x8xf32>
    %add3A_614 = arith.addf %add3A_602, %dot_general3A_64 : vector<1x8xf32>
    %add3A_615 = vector.broadcast %add3A_614 : vector<1x8xf32> to vector<256x8xf32>
    %add3A_616 = arith.addf %dot_general3A_613, %add3A_615 : vector<256x8xf32>
    %mul3A_617 = arith.mulf %slice3A_603, %add3A_610 : vector<256x8xf32>
    %reduce_sum3A_618 = arith.constant dense<0.000000e+00> : vector<256xf32>
    %reduce_sum3A_619 = vector.multi_reduction <add>, %mul3A_617, %reduce_sum3A_618 [1] : vector<256x8xf32> to vector<256xf32>
    %broadcast_in_dim3A_620 = vector.shape_cast %reduce_sum3A_619 : vector<256xf32> to vector<256x1xf32>
    %convert_element_type3A_621 = arith.fptosi %broadcast_in_dim3A_620 : vector<256x1xf32> to vector<256x1xi32>
    %swap3A_622 = arith.constant 3584 : index
    %swap3A_623 = arith.constant 0 : index
    %swap3A_624 = vector.load %arg4[%swap3A_622, %swap3A_623] : memref<4096x1xi32, #tpu.memory_space<vmem>>, vector<256x1xi32>
    tpu.vector_store %arg4[%swap3A_622, %swap3A_623], %convert_element_type3A_621 {strides = array<i32>} : memref<4096x1xi32, #tpu.memory_space<vmem>>, vector<256x1xi32>,
    %mul3A_625 = arith.mulf %slice3A_604, %add3A_616 : vector<256x8xf32>
    %reduce_sum3A_626 = arith.constant dense<0.000000e+00> : vector<256xf32>
    %reduce_sum3A_627 = vector.multi_reduction <add>, %mul3A_625, %reduce_sum3A_626 [1] : vector<256x8xf32> to vector<256xf32>
    %broadcast_in_dim3A_628 = vector.shape_cast %reduce_sum3A_627 : vector<256xf32> to vector<256x1xf32>
    %convert_element_type3A_629 = arith.fptosi %broadcast_in_dim3A_628 : vector<256x1xf32> to vector<256x1xi32>
    %swap3A_630 = arith.constant 3584 : index
    %swap3A_631 = arith.constant 0 : index
    %swap3A_632 = vector.load %arg5[%swap3A_630, %swap3A_631] : memref<4096x1xi32, #tpu.memory_space<vmem>>, vector<256x1xi32>
    tpu.vector_store %arg5[%swap3A_630, %swap3A_631], %convert_element_type3A_629 {strides = array<i32>} : memref<4096x1xi32, #tpu.memory_space<vmem>>, vector<256x1xi32>,
    %reduce_sum3A_633 = arith.constant dense<0.000000e+00> : vector<8xf32>
    %reduce_sum3A_634 = vector.multi_reduction <add>, %slice3A_603, %reduce_sum3A_633 [0] : vector<256x8xf32> to vector<8xf32>
    %broadcast_in_dim3A_635 = vector.shape_cast %reduce_sum3A_634 : vector<8xf32> to vector<1x8xf32>
    %add3A_636 = arith.addf %add3A_598, %broadcast_in_dim3A_635 : vector<1x8xf32>
    %reduce_sum3A_637 = arith.constant dense<0.000000e+00> : vector<8xf32>
    %reduce_sum3A_638 = vector.multi_reduction <add>, %slice3A_604, %reduce_sum3A_637 [0] : vector<256x8xf32> to vector<8xf32>
    %broadcast_in_dim3A_639 = vector.shape_cast %reduce_sum3A_638 : vector<8xf32> to vector<1x8xf32>
    %add3A_640 = arith.addf %add3A_602, %broadcast_in_dim3A_639 : vector<1x8xf32>
    %slice3A_641 = vector.extract_strided_slice %convert_element_type3A_44 {offsets = [3840, 0], sizes = [256, 8], strides = [1, 1]} : vector<4096x8xf32> to vector<256x8xf32>
    %slice3A_642 = vector.extract_strided_slice %convert_element_type3A_46 {offsets = [3840, 0], sizes = [256, 8], strides = [1, 1]} : vector<4096x8xf32> to vector<256x8xf32>
    %convert_element_type3A_643 = arith.truncf %slice3A_641 : vector<256x8xf32> to vector<256x8xbf16>
    %dot_general3A_644 = arith.constant dense<0.000000e+00> : vector<256x8xf32>
    %dot_general3A_645 = tpu.matmul %convert_element_type3A_69, %convert_element_type3A_643, %dot_general3A_644 {dimension_numbers = #tpu.dot_dimension_numbers<[1], [0], [0], [1], [0, 0, 1, 1], [], []>, transpose_lhs_hint = false} : vector<256x256xbf16>, vector<256x8xbf16>, vector<256x8xf32> -> vector<256x8xf32>
    %add3A_646 = arith.addf %add3A_636, %dot_general3A_64 : vector<1x8xf32>
    %add3A_647 = vector.broadcast %add3A_646 : vector<1x8xf32> to vector<256x8xf32>
    %add3A_648 = arith.addf %dot_general3A_645, %add3A_647 : vector<256x8xf32>
    %convert_element_type3A_649 = arith.truncf %slice3A_642 : vector<256x8xf32> to vector<256x8xbf16>
    %dot_general3A_650 = arith.constant dense<0.000000e+00> : vector<256x8xf32>
    %dot_general3A_651 = tpu.matmul %convert_element_type3A_69, %convert_element_type3A_649, %dot_general3A_650 {dimension_numbers = #tpu.dot_dimension_numbers<[1], [0], [0], [1], [0, 0, 1, 1], [], []>, transpose_lhs_hint = false} : vector<256x256xbf16>, vector<256x8xbf16>, vector<256x8xf32> -> vector<256x8xf32>
    %add3A_652 = arith.addf %add3A_640, %dot_general3A_64 : vector<1x8xf32>
    %add3A_653 = vector.broadcast %add3A_652 : vector<1x8xf32> to vector<256x8xf32>
    %add3A_654 = arith.addf %dot_general3A_651, %add3A_653 : vector<256x8xf32>
    %mul3A_655 = arith.mulf %slice3A_641, %add3A_648 : vector<256x8xf32>
    %reduce_sum3A_656 = arith.constant dense<0.000000e+00> : vector<256xf32>
    %reduce_sum3A_657 = vector.multi_reduction <add>, %mul3A_655, %reduce_sum3A_656 [1] : vector<256x8xf32> to vector<256xf32>
    %broadcast_in_dim3A_658 = vector.shape_cast %reduce_sum3A_657 : vector<256xf32> to vector<256x1xf32>
    %convert_element_type3A_659 = arith.fptosi %broadcast_in_dim3A_658 : vector<256x1xf32> to vector<256x1xi32>
    %swap3A_660 = arith.constant 3840 : index
    %swap3A_661 = arith.constant 0 : index
    %swap3A_662 = vector.load %arg4[%swap3A_660, %swap3A_661] : memref<4096x1xi32, #tpu.memory_space<vmem>>, vector<256x1xi32>
    tpu.vector_store %arg4[%swap3A_660, %swap3A_661], %convert_element_type3A_659 {strides = array<i32>} : memref<4096x1xi32, #tpu.memory_space<vmem>>, vector<256x1xi32>,
    %mul3A_663 = arith.mulf %slice3A_642, %add3A_654 : vector<256x8xf32>
    %reduce_sum3A_664 = arith.constant dense<0.000000e+00> : vector<256xf32>
    %reduce_sum3A_665 = vector.multi_reduction <add>, %mul3A_663, %reduce_sum3A_664 [1] : vector<256x8xf32> to vector<256xf32>
    %broadcast_in_dim3A_666 = vector.shape_cast %reduce_sum3A_665 : vector<256xf32> to vector<256x1xf32>
    %convert_element_type3A_667 = arith.fptosi %broadcast_in_dim3A_666 : vector<256x1xf32> to vector<256x1xi32>
    %swap3A_668 = arith.constant 3840 : index
    %swap3A_669 = arith.constant 0 : index
    %swap3A_670 = vector.load %arg5[%swap3A_668, %swap3A_669] : memref<4096x1xi32, #tpu.memory_space<vmem>>, vector<256x1xi32>
    tpu.vector_store %arg5[%swap3A_668, %swap3A_669], %convert_element_type3A_667 {strides = array<i32>} : memref<4096x1xi32, #tpu.memory_space<vmem>>, vector<256x1xi32>,
    %add3A_671 = arith.addf %dot_general3A_64, %mul3A_58 : vector<1x8xf32>
    %iota3A_672 = tpu.iota {dimensions = array<i32: 1>} : vector<1x128xi32>
    %convert_element_type3A_673 = arith.sitofp %iota3A_672 : vector<1x128xi32> to vector<1x128xf32>
    %mul3A_674 = arith.constant 2.560000e+02 : f32
    %mul3A_675 = vector.broadcast %mul3A_674 : f32 to vector<1x128xf32>
    %mul3A_676 = arith.mulf %convert_element_type3A_673, %mul3A_675 : vector<1x128xf32>
    %broadcast_in_dim3A_677 = arith.constant 0.000000e+00 : f32
    %broadcast_in_dim3A_678 = vector.broadcast %broadcast_in_dim3A_677 : f32 to vector<1x128xf32>
    %slice3A_679 = vector.extract_strided_slice %add3A_671 {offsets = [0, 0], sizes = [1, 1], strides = [1, 1]} : vector<1x8xf32> to vector<1x1xf32>
    %squeeze3A = vector.extract %slice3A_679[0, 0] : f32 from vector<1x1xf32>
    %ge3A = vector.broadcast %squeeze3A : f32 to vector<1x128xf32>
    %ge3A_680 = arith.cmpf oge, %mul3A_676, %ge3A : vector<1x128xf32>
    %convert_element_type3A_681 = arith.extui %ge3A_680 : vector<1x128xi1> to vector<1x128xi32>
    %convert_element_type3A_682 = arith.sitofp %convert_element_type3A_681 : vector<1x128xi32> to vector<1x128xf32>
    %add3A_683 = arith.addf %broadcast_in_dim3A_678, %convert_element_type3A_682 : vector<1x128xf32>
    %slice3A_684 = vector.extract_strided_slice %add3A_671 {offsets = [0, 1], sizes = [1, 1], strides = [1, 1]} : vector<1x8xf32> to vector<1x1xf32>
    %squeeze3A_685 = vector.extract %slice3A_684[0, 0] : f32 from vector<1x1xf32>
    %ge3A_686 = vector.broadcast %squeeze3A_685 : f32 to vector<1x128xf32>
    %ge3A_687 = arith.cmpf oge, %mul3A_676, %ge3A_686 : vector<1x128xf32>
    %convert_element_type3A_688 = arith.extui %ge3A_687 : vector<1x128xi1> to vector<1x128xi32>
    %convert_element_type3A_689 = arith.sitofp %convert_element_type3A_688 : vector<1x128xi32> to vector<1x128xf32>
    %add3A_690 = arith.addf %add3A_683, %convert_element_type3A_689 : vector<1x128xf32>
    %slice3A_691 = vector.extract_strided_slice %add3A_671 {offsets = [0, 2], sizes = [1, 1], strides = [1, 1]} : vector<1x8xf32> to vector<1x1xf32>
    %squeeze3A_692 = vector.extract %slice3A_691[0, 0] : f32 from vector<1x1xf32>
    %ge3A_693 = vector.broadcast %squeeze3A_692 : f32 to vector<1x128xf32>
    %ge3A_694 = arith.cmpf oge, %mul3A_676, %ge3A_693 : vector<1x128xf32>
    %convert_element_type3A_695 = arith.extui %ge3A_694 : vector<1x128xi1> to vector<1x128xi32>
    %convert_element_type3A_696 = arith.sitofp %convert_element_type3A_695 : vector<1x128xi32> to vector<1x128xf32>
    %add3A_697 = arith.addf %add3A_690, %convert_element_type3A_696 : vector<1x128xf32>
    %slice3A_698 = vector.extract_strided_slice %add3A_671 {offsets = [0, 3], sizes = [1, 1], strides = [1, 1]} : vector<1x8xf32> to vector<1x1xf32>
    %squeeze3A_699 = vector.extract %slice3A_698[0, 0] : f32 from vector<1x1xf32>
    %ge3A_700 = vector.broadcast %squeeze3A_699 : f32 to vector<1x128xf32>
    %ge3A_701 = arith.cmpf oge, %mul3A_676, %ge3A_700 : vector<1x128xf32>
    %convert_element_type3A_702 = arith.extui %ge3A_701 : vector<1x128xi1> to vector<1x128xi32>
    %convert_element_type3A_703 = arith.sitofp %convert_element_type3A_702 : vector<1x128xi32> to vector<1x128xf32>
    %add3A_704 = arith.addf %add3A_697, %convert_element_type3A_703 : vector<1x128xf32>
    %slice3A_705 = vector.extract_strided_slice %add3A_671 {offsets = [0, 4], sizes = [1, 1], strides = [1, 1]} : vector<1x8xf32> to vector<1x1xf32>
    %squeeze3A_706 = vector.extract %slice3A_705[0, 0] : f32 from vector<1x1xf32>
    %ge3A_707 = vector.broadcast %squeeze3A_706 : f32 to vector<1x128xf32>
    %ge3A_708 = arith.cmpf oge, %mul3A_676, %ge3A_707 : vector<1x128xf32>
    %convert_element_type3A_709 = arith.extui %ge3A_708 : vector<1x128xi1> to vector<1x128xi32>
    %convert_element_type3A_710 = arith.sitofp %convert_element_type3A_709 : vector<1x128xi32> to vector<1x128xf32>
    %add3A_711 = arith.addf %add3A_704, %convert_element_type3A_710 : vector<1x128xf32>
    %slice3A_712 = vector.extract_strided_slice %add3A_671 {offsets = [0, 5], sizes = [1, 1], strides = [1, 1]} : vector<1x8xf32> to vector<1x1xf32>
    %squeeze3A_713 = vector.extract %slice3A_712[0, 0] : f32 from vector<1x1xf32>
    %ge3A_714 = vector.broadcast %squeeze3A_713 : f32 to vector<1x128xf32>
    %ge3A_715 = arith.cmpf oge, %mul3A_676, %ge3A_714 : vector<1x128xf32>
    %convert_element_type3A_716 = arith.extui %ge3A_715 : vector<1x128xi1> to vector<1x128xi32>
    %convert_element_type3A_717 = arith.sitofp %convert_element_type3A_716 : vector<1x128xi32> to vector<1x128xf32>
    %add3A_718 = arith.addf %add3A_711, %convert_element_type3A_717 : vector<1x128xf32>
    %slice3A_719 = vector.extract_strided_slice %add3A_671 {offsets = [0, 6], sizes = [1, 1], strides = [1, 1]} : vector<1x8xf32> to vector<1x1xf32>
    %squeeze3A_720 = vector.extract %slice3A_719[0, 0] : f32 from vector<1x1xf32>
    %ge3A_721 = vector.broadcast %squeeze3A_720 : f32 to vector<1x128xf32>
    %ge3A_722 = arith.cmpf oge, %mul3A_676, %ge3A_721 : vector<1x128xf32>
    %convert_element_type3A_723 = arith.extui %ge3A_722 : vector<1x128xi1> to vector<1x128xi32>
    %convert_element_type3A_724 = arith.sitofp %convert_element_type3A_723 : vector<1x128xi32> to vector<1x128xf32>
    %add3A_725 = arith.addf %add3A_718, %convert_element_type3A_724 : vector<1x128xf32>
    %slice3A_726 = vector.extract_strided_slice %add3A_671 {offsets = [0, 7], sizes = [1, 1], strides = [1, 1]} : vector<1x8xf32> to vector<1x1xf32>
    %squeeze3A_727 = vector.extract %slice3A_726[0, 0] : f32 from vector<1x1xf32>
    %ge3A_728 = vector.broadcast %squeeze3A_727 : f32 to vector<1x128xf32>
    %ge3A_729 = arith.cmpf oge, %mul3A_676, %ge3A_728 : vector<1x128xf32>
    %convert_element_type3A_730 = arith.extui %ge3A_729 : vector<1x128xi1> to vector<1x128xi32>
    %convert_element_type3A_731 = arith.sitofp %convert_element_type3A_730 : vector<1x128xi32> to vector<1x128xf32>
    %add3A_732 = arith.addf %add3A_725, %convert_element_type3A_731 : vector<1x128xf32>
    %min3A = arith.constant 7.000000e+00 : f32
    %min3A_733 = vector.broadcast %min3A : f32 to vector<1x128xf32>
    %min3A_734 = arith.minimumf %add3A_732, %min3A_733 : vector<1x128xf32>
    %convert_element_type3A_735 = arith.fptosi %min3A_734 : vector<1x128xf32> to vector<1x128xi32>
    %swap3A_736 = arith.constant 0 : index
    %swap3A_737 = arith.constant 0 : index
    %swap3A_738 = vector.load %arg8[%swap3A_736, %swap3A_737] : memref<1x128xi32, #tpu.memory_space<vmem>>, vector<1x128xi32>
    tpu.vector_store %arg8[%swap3A_736, %swap3A_737], %convert_element_type3A_735 {strides = array<i32>} : memref<1x128xi32, #tpu.memory_space<vmem>>, vector<1x128xi32>,
    %slice3A_739 = vector.extract_strided_slice %add3A_671 {offsets = [0, 7], sizes = [1, 1], strides = [1, 1]} : vector<1x8xf32> to vector<1x1xf32>
    %squeeze3A_740 = vector.extract %slice3A_739[0, 0] : f32 from vector<1x1xf32>
    %lt3A_741 = vector.broadcast %squeeze3A_740 : f32 to vector<1x128xf32>
    %lt3A_742 = arith.cmpf olt, %mul3A_676, %lt3A_741 : vector<1x128xf32>
    %convert_element_type3A_743 = arith.extui %lt3A_742 : vector<1x128xi1> to vector<1x128xi32>
    %swap3A_744 = arith.constant 0 : index
    %swap3A_745 = arith.constant 0 : index
    %swap3A_746 = vector.load %arg9[%swap3A_744, %swap3A_745] : memref<1x128xi32, #tpu.memory_space<vmem>>, vector<1x128xi32>
    tpu.vector_store %arg9[%swap3A_744, %swap3A_745], %convert_element_type3A_743 {strides = array<i32>} : memref<1x128xi32, #tpu.memory_space<vmem>>, vector<1x128xi32>,
    return
  }
  func.func @transform_0(%arg0: i32) -> (i32, i32) {
    %c0_i32 = arith.constant 0 : i32
    %c0_i32_0 = arith.constant 0 : i32
    %c0_i32_1 = arith.constant 0 : i32
    return %c0_i32, %c0_i32_0 : i32, i32
  }
  func.func @transform_1(%arg0: i32) -> (i32, i32) {
    %c0_i32 = arith.constant 0 : i32
    %c0_i32_0 = arith.constant 0 : i32
    %c0_i32_1 = arith.constant 0 : i32
    return %c0_i32, %c0_i32_0 : i32, i32
  }
  func.func @transform_2(%arg0: i32) -> i32 {
    %c0_i32 = arith.constant 0 : i32
    %c0_i32_0 = arith.constant 0 : i32
    return %c0_i32 : i32
  }
  func.func @transform_3(%arg0: i32) -> (i32, i32) {
    %c0_i32 = arith.constant 0 : i32
    %c0_i32_0 = arith.constant 0 : i32
    %c0_i32_1 = arith.constant 0 : i32
    return %c0_i32, %c0_i32_0 : i32, i32
  }
  func.func @transform_4(%arg0: i32) -> (i32, i32) {
    %c0_i32 = arith.constant 0 : i32
    %c0_i32_0 = arith.constant 0 : i32
    %c0_i32_1 = arith.constant 0 : i32
    return %c0_i32, %c0_i32_0 : i32, i32
  }
  func.func @transform_5(%arg0: i32) -> (i32, i32) {
    %c0_i32 = arith.constant 0 : i32
    %c0_i32_0 = arith.constant 0 : i32
    %c0_i32_1 = arith.constant 0 : i32
    return %c0_i32, %c0_i32_0 : i32, i32
  }
  func.func @transform_6(%arg0: i32) -> (i32, i32) {
    %c0_i32 = arith.constant 0 : i32
    %c0_i32_0 = arith.constant 0 : i32
    %c0_i32_1 = arith.constant 0 : i32
    return %c0_i32, %c0_i32_0 : i32, i32
  }
  func.func @transform_7(%arg0: i32) -> (i32, i32) {
    %c0_i32 = arith.constant 0 : i32
    %c0_i32_0 = arith.constant 0 : i32
    %c0_i32_1 = arith.constant 0 : i32
    return %c0_i32, %c0_i32_0 : i32, i32
  }
  func.func @transform_8(%arg0: i32) -> (i32, i32) {
    %c0_i32 = arith.constant 0 : i32
    %c0_i32_0 = arith.constant 0 : i32
    %c0_i32_1 = arith.constant 0 : i32
    return %c0_i32, %c0_i32_0 : i32, i32
  }
}

module attributes {stable_mosaic.version = 14 : i64} {
  func.func @_grouped_body(%arg0: i32, %arg1: memref<40xi32, #tpu.memory_space<smem>>, %arg2: memref<40xi32, #tpu.memory_space<smem>>, %arg3: memref<256x1024xf32, #tpu.memory_space<vmem>>, %arg4: memref<1x512x1024xbf16, #tpu.memory_space<vmem>>, %arg5: memref<1x512x1024xbf16, #tpu.memory_space<vmem>>, %arg6: memref<1x512x1024xbf16, #tpu.memory_space<vmem>>, %arg7: memref<256x1024xf32, #tpu.memory_space<vmem>>) attributes {dimension_semantics = [#tpu.dimension_semantics<arbitrary>], iteration_bounds = array<i64: 40>, scalar_prefetch = 2 : i64, scratch_operands = 0 : i64, tpu.core_type = #tpu.core_type<tc>, window_params = [{transform_indices = @transform_0, window_bounds = array<i64: 256, 1024>}, {transform_indices = @transform_1, window_bounds = array<i64: 1, 512, 1024>}, {transform_indices = @transform_2, window_bounds = array<i64: 1, 512, 1024>}, {transform_indices = @transform_3, window_bounds = array<i64: 1, 512, 1024>}, {transform_indices = @transform_4, window_bounds = array<i64: 256, 1024>}]} {
    %get3A = arith.index_cast %arg0 : i32 to index
    %get3A_0 = memref.load %arg2[%get3A] : memref<40xi32, #tpu.memory_space<smem>>
    %eq3A = arith.constant 1 : i32
    %eq3A_1 = arith.cmpi eq, %get3A_0, %eq3A : i32
    %convert_element_type3A = arith.extui %eq3A_1 : i1 to i32
    %cond3A = arith.constant 0 : i32
    %cond3A_2 = arith.cmpi ne, %convert_element_type3A, %cond3A : i32
    scf.if %cond3A_2 {
      %get3A_3 = arith.constant 0 : index
      %get3A_4 = arith.constant 0 : index
      %get3A_5 = vector.load %arg3[%get3A_3, %get3A_4] : memref<256x1024xf32, #tpu.memory_space<vmem>>, vector<256x1024xf32>
      %convert_element_type3A_6 = arith.truncf %get3A_5 : vector<256x1024xf32> to vector<256x1024xbf16>
      %get3A_7 = arith.constant 0 : index
      %get3A_8 = arith.constant 0 : index
      %get3A_9 = arith.constant 0 : index
      %get3A_10 = vector.load %arg4[%get3A_7, %get3A_8, %get3A_9] : memref<1x512x1024xbf16, #tpu.memory_space<vmem>>, vector<1x512x1024xbf16>
      %get3A_11 = vector.shape_cast %get3A_10 : vector<1x512x1024xbf16> to vector<512x1024xbf16>
      %dot_general3A = arith.constant dense<0.000000e+00> : vector<256x512xf32>
      %dot_general3A_12 = tpu.matmul %convert_element_type3A_6, %get3A_11, %dot_general3A {dimension_numbers = #tpu.dot_dimension_numbers<[1], [1], [0], [0], [0, 0, 1, 0], [], []>, transpose_lhs_hint = false} : vector<256x1024xbf16>, vector<512x1024xbf16>, vector<256x512xf32> -> vector<256x512xf32>
      %get3A_13 = arith.constant 0 : index
      %get3A_14 = arith.constant 0 : index
      %get3A_15 = arith.constant 0 : index
      %get3A_16 = vector.load %arg5[%get3A_13, %get3A_14, %get3A_15] : memref<1x512x1024xbf16, #tpu.memory_space<vmem>>, vector<1x512x1024xbf16>
      %get3A_17 = vector.shape_cast %get3A_16 : vector<1x512x1024xbf16> to vector<512x1024xbf16>
      %dot_general3A_18 = arith.constant dense<0.000000e+00> : vector<256x512xf32>
      %dot_general3A_19 = tpu.matmul %convert_element_type3A_6, %get3A_17, %dot_general3A_18 {dimension_numbers = #tpu.dot_dimension_numbers<[1], [1], [0], [0], [0, 0, 1, 0], [], []>, transpose_lhs_hint = false} : vector<256x1024xbf16>, vector<512x1024xbf16>, vector<256x512xf32> -> vector<256x512xf32>
      %logistic3A = arith.negf %dot_general3A_12 : vector<256x512xf32>
      %logistic3A_20 = math.exp %logistic3A : vector<256x512xf32>
      %logistic3A_21 = arith.constant 1.000000e+00 : f32
      %logistic3A_22 = vector.broadcast %logistic3A_21 : f32 to vector<256x512xf32>
      %logistic3A_23 = arith.addf %logistic3A_22, %logistic3A_20 : vector<256x512xf32>
      %logistic3A_24 = arith.divf %logistic3A_22, %logistic3A_23 : vector<256x512xf32>
      %mul3A = arith.mulf %dot_general3A_12, %logistic3A_24 : vector<256x512xf32>
      %mul3A_25 = arith.mulf %mul3A, %dot_general3A_19 : vector<256x512xf32>
      %convert_element_type3A_26 = arith.truncf %mul3A_25 : vector<256x512xf32> to vector<256x512xbf16>
      %get3A_27 = arith.constant 0 : index
      %get3A_28 = arith.constant 0 : index
      %get3A_29 = arith.constant 0 : index
      %get3A_30 = vector.load %arg6[%get3A_27, %get3A_28, %get3A_29] : memref<1x512x1024xbf16, #tpu.memory_space<vmem>>, vector<1x512x1024xbf16>
      %get3A_31 = vector.shape_cast %get3A_30 : vector<1x512x1024xbf16> to vector<512x1024xbf16>
      %dot_general3A_32 = arith.constant dense<0.000000e+00> : vector<256x1024xf32>
      %dot_general3A_33 = tpu.matmul %convert_element_type3A_26, %get3A_31, %dot_general3A_32 {dimension_numbers = #tpu.dot_dimension_numbers<[1], [0], [0], [1], [0, 0, 1, 1], [], []>, transpose_lhs_hint = false} : vector<256x512xbf16>, vector<512x1024xbf16>, vector<256x1024xf32> -> vector<256x1024xf32>
      %swap3A = arith.constant 0 : index
      %swap3A_34 = arith.constant 0 : index
      %swap3A_35 = vector.load %arg7[%swap3A, %swap3A_34] : memref<256x1024xf32, #tpu.memory_space<vmem>>, vector<256x1024xf32>
      tpu.vector_store %arg7[%swap3A, %swap3A_34], %dot_general3A_33 {strides = array<i32>} : memref<256x1024xf32, #tpu.memory_space<vmem>>, vector<256x1024xf32>,
    } else {
    }
    return
  }
  func.func @transform_0(%arg0: i32, %arg1: memref<40xi32, #tpu.memory_space<smem>>, %arg2: memref<40xi32, #tpu.memory_space<smem>>) -> (i32, i32) {
    %c0_i32 = arith.constant 0 : i32
    %c0_i32_0 = arith.constant 0 : i32
    return %arg0, %c0_i32 : i32, i32
  }
  func.func @transform_1(%arg0: i32, %arg1: memref<40xi32, #tpu.memory_space<smem>>, %arg2: memref<40xi32, #tpu.memory_space<smem>>) -> (i32, i32, i32) {
    %get3A = arith.index_cast %arg0 : i32 to index
    %get3A_0 = memref.load %arg1[%get3A] : memref<40xi32, #tpu.memory_space<smem>>
    %c0_i32 = arith.constant 0 : i32
    %c0_i32_1 = arith.constant 0 : i32
    %c0_i32_2 = arith.constant 0 : i32
    return %get3A_0, %c0_i32, %c0_i32_1 : i32, i32, i32
  }
  func.func @transform_2(%arg0: i32, %arg1: memref<40xi32, #tpu.memory_space<smem>>, %arg2: memref<40xi32, #tpu.memory_space<smem>>) -> (i32, i32, i32) {
    %get3A = arith.index_cast %arg0 : i32 to index
    %get3A_0 = memref.load %arg1[%get3A] : memref<40xi32, #tpu.memory_space<smem>>
    %c0_i32 = arith.constant 0 : i32
    %c0_i32_1 = arith.constant 0 : i32
    %c0_i32_2 = arith.constant 0 : i32
    return %get3A_0, %c0_i32, %c0_i32_1 : i32, i32, i32
  }
  func.func @transform_3(%arg0: i32, %arg1: memref<40xi32, #tpu.memory_space<smem>>, %arg2: memref<40xi32, #tpu.memory_space<smem>>) -> (i32, i32, i32) {
    %get3A = arith.index_cast %arg0 : i32 to index
    %get3A_0 = memref.load %arg1[%get3A] : memref<40xi32, #tpu.memory_space<smem>>
    %c0_i32 = arith.constant 0 : i32
    %c0_i32_1 = arith.constant 0 : i32
    %c0_i32_2 = arith.constant 0 : i32
    return %get3A_0, %c0_i32, %c0_i32_1 : i32, i32, i32
  }
  func.func @transform_4(%arg0: i32, %arg1: memref<40xi32, #tpu.memory_space<smem>>, %arg2: memref<40xi32, #tpu.memory_space<smem>>) -> (i32, i32) {
    %c0_i32 = arith.constant 0 : i32
    %c0_i32_0 = arith.constant 0 : i32
    return %arg0, %c0_i32 : i32, i32
  }
}

module attributes {stable_mosaic.version = 14 : i64} {
  func.func @_shared_body(%arg0: i32, %arg1: memref<512x1024xbf16, #tpu.memory_space<vmem>>, %arg2: memref<2048x1024xbf16, #tpu.memory_space<vmem>>, %arg3: memref<2048x1024xbf16, #tpu.memory_space<vmem>>, %arg4: memref<2048x1024xbf16, #tpu.memory_space<vmem>>, %arg5: memref<512x1024xf32, #tpu.memory_space<vmem>>, %arg6: memref<512x1024xf32, #tpu.memory_space<vmem>>, %arg7: memref<512x1xf32, #tpu.memory_space<vmem>>, %arg8: memref<512x1xf32, #tpu.memory_space<vmem>>, %arg9: memref<512x1024xf32, #tpu.memory_space<vmem>>) attributes {dimension_semantics = [#tpu.dimension_semantics<arbitrary>], iteration_bounds = array<i64: 8>, scalar_prefetch = 0 : i64, scratch_operands = 0 : i64, tpu.core_type = #tpu.core_type<tc>, window_params = [{transform_indices = @transform_0, window_bounds = array<i64: 512, 1024>}, {pipeline_mode = #tpu.pipeline_mode<synchronous>, transform_indices = @transform_1, window_bounds = array<i64: 2048, 1024>}, {pipeline_mode = #tpu.pipeline_mode<synchronous>, transform_indices = @transform_2, window_bounds = array<i64: 2048, 1024>}, {pipeline_mode = #tpu.pipeline_mode<synchronous>, transform_indices = @transform_3, window_bounds = array<i64: 2048, 1024>}, {transform_indices = @transform_4, window_bounds = array<i64: 512, 1024>}, {transform_indices = @transform_5, window_bounds = array<i64: 512, 1024>}, {transform_indices = @transform_6, window_bounds = array<i64: 512, 1>}, {transform_indices = @transform_7, window_bounds = array<i64: 512, 1>}, {transform_indices = @transform_8, window_bounds = array<i64: 512, 1024>}]} {
    %get3A = arith.constant 0 : index
    %get3A_0 = arith.constant 0 : index
    %get3A_1 = vector.load %arg1[%get3A, %get3A_0] : memref<512x1024xbf16, #tpu.memory_space<vmem>>, vector<512x1024xbf16>
    %get3A_2 = arith.constant 0 : index
    %get3A_3 = arith.constant 0 : index
    %get3A_4 = vector.load %arg2[%get3A_2, %get3A_3] : memref<2048x1024xbf16, #tpu.memory_space<vmem>>, vector<2048x1024xbf16>
    %dot_general3A = arith.constant dense<0.000000e+00> : vector<512x2048xf32>
    %dot_general3A_5 = tpu.matmul %get3A_1, %get3A_4, %dot_general3A {dimension_numbers = #tpu.dot_dimension_numbers<[1], [1], [0], [0], [0, 0, 1, 0], [], []>, transpose_lhs_hint = false} : vector<512x1024xbf16>, vector<2048x1024xbf16>, vector<512x2048xf32> -> vector<512x2048xf32>
    %get3A_6 = arith.constant 0 : index
    %get3A_7 = arith.constant 0 : index
    %get3A_8 = vector.load %arg3[%get3A_6, %get3A_7] : memref<2048x1024xbf16, #tpu.memory_space<vmem>>, vector<2048x1024xbf16>
    %dot_general3A_9 = arith.constant dense<0.000000e+00> : vector<512x2048xf32>
    %dot_general3A_10 = tpu.matmul %get3A_1, %get3A_8, %dot_general3A_9 {dimension_numbers = #tpu.dot_dimension_numbers<[1], [1], [0], [0], [0, 0, 1, 0], [], []>, transpose_lhs_hint = false} : vector<512x1024xbf16>, vector<2048x1024xbf16>, vector<512x2048xf32> -> vector<512x2048xf32>
    %logistic3A = arith.negf %dot_general3A_5 : vector<512x2048xf32>
    %logistic3A_11 = math.exp %logistic3A : vector<512x2048xf32>
    %logistic3A_12 = arith.constant 1.000000e+00 : f32
    %logistic3A_13 = vector.broadcast %logistic3A_12 : f32 to vector<512x2048xf32>
    %logistic3A_14 = arith.addf %logistic3A_13, %logistic3A_11 : vector<512x2048xf32>
    %logistic3A_15 = arith.divf %logistic3A_13, %logistic3A_14 : vector<512x2048xf32>
    %mul3A = arith.mulf %dot_general3A_5, %logistic3A_15 : vector<512x2048xf32>
    %mul3A_16 = arith.mulf %mul3A, %dot_general3A_10 : vector<512x2048xf32>
    %convert_element_type3A = arith.truncf %mul3A_16 : vector<512x2048xf32> to vector<512x2048xbf16>
    %get3A_17 = arith.constant 0 : index
    %get3A_18 = arith.constant 0 : index
    %get3A_19 = vector.load %arg7[%get3A_17, %get3A_18] : memref<512x1xf32, #tpu.memory_space<vmem>>, vector<512x1xf32>
    %get3A_20 = arith.constant 0 : index
    %get3A_21 = arith.constant 0 : index
    %get3A_22 = vector.load %arg5[%get3A_20, %get3A_21] : memref<512x1024xf32, #tpu.memory_space<vmem>>, vector<512x1024xf32>
    %mul3A_23 = vector.broadcast %get3A_19 : vector<512x1xf32> to vector<512x1024xf32>
    %mul3A_24 = arith.mulf %mul3A_23, %get3A_22 : vector<512x1024xf32>
    %get3A_25 = arith.constant 0 : index
    %get3A_26 = arith.constant 0 : index
    %get3A_27 = vector.load %arg8[%get3A_25, %get3A_26] : memref<512x1xf32, #tpu.memory_space<vmem>>, vector<512x1xf32>
    %get3A_28 = arith.constant 0 : index
    %get3A_29 = arith.constant 0 : index
    %get3A_30 = vector.load %arg6[%get3A_28, %get3A_29] : memref<512x1024xf32, #tpu.memory_space<vmem>>, vector<512x1024xf32>
    %mul3A_31 = vector.broadcast %get3A_27 : vector<512x1xf32> to vector<512x1024xf32>
    %mul3A_32 = arith.mulf %mul3A_31, %get3A_30 : vector<512x1024xf32>
    %add3A = arith.addf %mul3A_24, %mul3A_32 : vector<512x1024xf32>
    %get3A_33 = arith.constant 0 : index
    %get3A_34 = arith.constant 0 : index
    %get3A_35 = vector.load %arg4[%get3A_33, %get3A_34] : memref<2048x1024xbf16, #tpu.memory_space<vmem>>, vector<2048x1024xbf16>
    %dot_general3A_36 = arith.constant dense<0.000000e+00> : vector<512x1024xf32>
    %dot_general3A_37 = tpu.matmul %convert_element_type3A, %get3A_35, %dot_general3A_36 {dimension_numbers = #tpu.dot_dimension_numbers<[1], [0], [0], [1], [0, 0, 1, 1], [], []>, transpose_lhs_hint = false} : vector<512x2048xbf16>, vector<2048x1024xbf16>, vector<512x1024xf32> -> vector<512x1024xf32>
    %add3A_38 = arith.addf %add3A, %dot_general3A_37 : vector<512x1024xf32>
    %swap3A = arith.constant 0 : index
    %swap3A_39 = arith.constant 0 : index
    %swap3A_40 = vector.load %arg9[%swap3A, %swap3A_39] : memref<512x1024xf32, #tpu.memory_space<vmem>>, vector<512x1024xf32>
    tpu.vector_store %arg9[%swap3A, %swap3A_39], %add3A_38 {strides = array<i32>} : memref<512x1024xf32, #tpu.memory_space<vmem>>, vector<512x1024xf32>,
    return
  }
  func.func @transform_0(%arg0: i32) -> (i32, i32) {
    %c0_i32 = arith.constant 0 : i32
    %c0_i32_0 = arith.constant 0 : i32
    return %arg0, %c0_i32 : i32, i32
  }
  func.func @transform_1(%arg0: i32) -> (i32, i32) {
    %c0_i32 = arith.constant 0 : i32
    %c0_i32_0 = arith.constant 0 : i32
    %c0_i32_1 = arith.constant 0 : i32
    return %c0_i32, %c0_i32_0 : i32, i32
  }
  func.func @transform_2(%arg0: i32) -> (i32, i32) {
    %c0_i32 = arith.constant 0 : i32
    %c0_i32_0 = arith.constant 0 : i32
    %c0_i32_1 = arith.constant 0 : i32
    return %c0_i32, %c0_i32_0 : i32, i32
  }
  func.func @transform_3(%arg0: i32) -> (i32, i32) {
    %c0_i32 = arith.constant 0 : i32
    %c0_i32_0 = arith.constant 0 : i32
    %c0_i32_1 = arith.constant 0 : i32
    return %c0_i32, %c0_i32_0 : i32, i32
  }
  func.func @transform_4(%arg0: i32) -> (i32, i32) {
    %c0_i32 = arith.constant 0 : i32
    %c0_i32_0 = arith.constant 0 : i32
    return %arg0, %c0_i32 : i32, i32
  }
  func.func @transform_5(%arg0: i32) -> (i32, i32) {
    %c0_i32 = arith.constant 0 : i32
    %c0_i32_0 = arith.constant 0 : i32
    return %arg0, %c0_i32 : i32, i32
  }
  func.func @transform_6(%arg0: i32) -> (i32, i32) {
    %c0_i32 = arith.constant 0 : i32
    %c0_i32_0 = arith.constant 0 : i32
    return %arg0, %c0_i32 : i32, i32
  }
  func.func @transform_7(%arg0: i32) -> (i32, i32) {
    %c0_i32 = arith.constant 0 : i32
    %c0_i32_0 = arith.constant 0 : i32
    return %arg0, %c0_i32 : i32, i32
  }
  func.func @transform_8(%arg0: i32) -> (i32, i32) {
    %c0_i32 = arith.constant 0 : i32
    %c0_i32_0 = arith.constant 0 : i32
    return %arg0, %c0_i32 : i32, i32
  }
}

</mosaic_0001>

<sc_bundles>
// kernel: kernel.10.cloned.1.call-start
scs
__scs_entry_jumppad:
0x0: {  	(pc) =	sbr.rel $0x88, $3  }
0x1: {  	(tag) =	ssettag $0x0;
	lr =	simm.s32 $0x1  }
0x2: {  	[smem:$0x3F98] =	sst lr;
	_ =	strace $0xD0000000  }
0x3: {  	_ = 	snop  }
0x4: {  	_ = 	snop  }
0x5: {  	_ = 	snop  }
0x6: {  	_ = 	snop  }
0x7: {  	_ = 	snop  }
__scs_overlays_trampoline_lowered:
0x8: {  	[smem:$0x3FA7] =	sst s0  }
0x9: {  	[smem:$0x3FA8] =	sst s1  }
0xa: {  	[smem:$0x3FA9] =	sst s2  }
0xb: {  	[smem:$0x3FAA] =	sst s3  }
0xc: {  	[smem:$0x3FAB] =	sst s4  }
0xd: {  	[smem:$0x3FAC] =	sst s5  }
0xe: {  	[smem:$0x3FAD] =	sst s6  }
0xf: {  	[smem:$0x3FAE] =	sst s7  }
0x10: {  	[smem:$0x3FAF] =	sst s8  }
0x11: {  	[smem:$0x3FB0] =	sst s9;
	s0 =	simm.s32 @!p0 $0x0  }
0x12: {  	s1 =	sld [smem:$0x3F96];
	s0 =	simm.s32 @p0 $0x1  }
0x13: {  	[smem:$0x3FB1] =	sst s0;
	s0 =	simm.s32 @!p1 $0x0  }
0x14: {  	s2 =	sld [smem:$0x3F95];
	s0 =	simm.s32 @p1 $0x1  }
0x15: {  	[smem:$0x3FB2] =	sst s0;
	s0 =	simm.s32 @!p2 $0x0  }
0x16: {  	s3 =	sld [smem:$0x3FDB];
	s0 =	simm.s32 @p2 $0x1  }
0x17: {  	s4 =	simm.s32 $0x1BF5;
	[smem:$0x3FB4] =	sst s0  }
0x18: {  	s0 =	sld [smem:$0x3F97];
	_ =	swait.ge [sflag:s4], $0x0  }
0x19: {  	s7 =	sld [smem:$0x3F98]  }
0x1a: {  	s8 =	sadd.s32 $0xFFFFE003, lr  }
0x1b: {  	s9 =	sadd.s32 $0xFFFFFEF7, lr;
	s5 =	simm.s32 $0xFFFFFFFF;
	p2 =	slt.u32 s8, $0xFFFFF086  }
0x1c: {  	p1 =	slt.u32 s9, $0xF7A;
	s5 =	simm.s32 @!p2 $0x0  }
0x1d: {  	s5 =	simm.s32 @p1 $0x1;
	p0 =	seq.s32 s7, s2  }
0x1e: {  	s7 =	smul.u32 @!p0 $0xF7A, s2;
	p2 =	seq.s32 @!p0 s5, $0x0  }
0x1f: {  	s9 =	smul.u32 $0xF7A, s1;
	s8 =	simm.s32 @!p0 $0x1BF5;
	p2 =	por !p2, p0  }
0x20: {  	[sflag:s8] =	ssyncset.s32 @!p0 $0xFFFFF086;
	s6 =	sadd.s32 @!p0 s3, s7;
	s7 =	simm.s32 @!p0 $0x108  }
0x21: {  	s3 =	sadd.s32 s3, s9;
	s6 =	sadd.s32 @!p0 $0x88, s6;
	s7 =	simm.s32 @p2 $0x1082  }
0x22: {  	[simem:s7], [sflag:s8] =	dma.local @!p0 [hbm:s6], $0xF7A  }
0x23: {  	s9 =	sor.u32 $0xD0000000, s2;
	s6 =	simm.s32 $0x108;
	_ =	swait.ge @!p0 [sflag:s8], $0x0  }
0x24: {  	s3 =	sadd.s32 $0x88, s3;
	s6 =	simm.s32 @!p1 $0x1082;
	[sflag:s4] =	ssyncset.s32 $0xFFFFF086  }
0x25: {  	[simem:s6], [sflag:s4] =	dma.local [hbm:s3], $0xF7A  }
0x26: {  	[smem:$0x3F98] =	sst s1;
	(tag) =	ssettag s2;
	_ =	strace s9  }
0x27: {  	s1 =	sld [smem:$0x3FA8]  }
0x28: {  	s2 =	sld [smem:$0x3FA9]  }
0x29: {  	s4 =	sld [smem:$0x3FAB]  }
0x2a: {  	p0 =	seq.s32 s5, $0x0;
	s5 =	sld [smem:$0x3FAC]  }
0x2b: {  	s6 =	sld [smem:$0x3FAD]  }
0x2c: {  	s7 =	sld [smem:$0x3FAE]  }
0x2d: {  	s3 =	simm.s32 $0x108;
	s8 =	sld [smem:$0x3FAF]  }
0x2e: {  	s3 =	simm.s32 @!p0 $0x1082;
	s9 =	sld [smem:$0x3FB0]  }
0x2f: {  	lr =	sadd.s32 s0, s3;
	s0 =	sld [smem:$0x3FA7]  }
0x30: {  	s3 =	sld [smem:$0x3FAA]  }
0x31: {  	[smem:$0x3FB3] =	sst s10  }
0x32: {  	s10 =	sld [smem:$0x3FB1];
	_ =	sdelay $0x3  }
0x33: {  	p0 =	seq.s32 s10, $0x1;
	s10 =	sld [smem:$0x3FB3];
	_ =	sdelay $0x3  }
0x34: {  	[smem:$0x3FB3] =	sst s10  }
0x35: {  	s10 =	sld [smem:$0x3FB2];
	_ =	sdelay $0x3  }
0x36: {  	p1 =	seq.s32 s10, $0x1;
	s10 =	sld [smem:$0x3FB3];
	_ =	sdelay $0x3  }
0x37: {  	[smem:$0x3FB3] =	sst s10  }
0x38: {  	s10 =	sld [smem:$0x3FB4]  }
0x39: {  	_ = 	snop;
	(pc) =	sbr.ind lr, $3  }
0x3a: {  	_ = 	snop  }
0x3b: {  	_ = 	snop  }
0x3c: {  	p2 =	seq.s32 s10, $0x1;
	s10 =	sld [smem:$0x3FB3]  }
0x3d: {  	_ =	shalt  }
0x3e: {  	_ =	shalt  }
0x3f: {  	_ =	shalt  }
0x40: {  	_ =	shalt  }
0x41: {  	_ =	shalt  }
0x42: {  	_ =	shalt  }
0x43: {  	_ =	shalt  }
0x44: {  	_ =	shalt  }
0x45: {  	_ =	shalt  }
0x46: {  	_ =	shalt  }
0x47: {  	_ =	shalt  }
0x48: {  	_ =	shalt  }
0x49: {  	_ =	shalt  }
0x4a: {  	_ =	shalt  }
0x4b: {  	_ =	shalt  }
0x4c: {  	_ =	shalt  }
0x4d: {  	_ =	shalt  }
0x4e: {  	_ =	shalt  }
0x4f: {  	_ =	shalt  }
0x50: {  	_ =	shalt  }
0x51: {  	_ =	shalt  }
0x52: {  	_ =	shalt  }
0x53: {  	_ =	shalt  }
0x54: {  	_ =	shalt  }
0x55: {  	_ =	shalt  }
0x56: {  	_ =	shalt  }
0x57: {  	_ =	shalt  }
0x58: {  	_ =	shalt  }
0x59: {  	_ =	shalt  }
0x5a: {  	_ =	shalt  }
0x5b: {  	_ =	shalt  }
0x5c: {  	_ =	shalt  }
0x5d: {  	_ =	shalt  }
0x5e: {  	_ =	shalt  }
0x5f: {  	_ =	shalt  }
0x60: {  	_ =	shalt  }
0x61: {  	_ =	shalt  }
0x62: {  	_ =	shalt  }
0x63: {  	_ =	shalt  }
0x64: {  	_ =	shalt  }
0x65: {  	_ =	shalt  }
0x66: {  	_ =	shalt  }
0x67: {  	_ =	shalt  }
0x68: {  	_ =	shalt  }
0x69: {  	_ =	shalt  }
0x6a: {  	_ =	shalt  }
0x6b: {  	_ =	shalt  }
0x6c: {  	_ =	shalt  }
0x6d: {  	_ =	shalt  }
0x6e: {  	_ =	shalt  }
0x6f: {  	_ =	shalt  }
0x70: {  	_ =	shalt  }
0x71: {  	_ =	shalt  }
0x72: {  	_ =	shalt  }
0x73: {  	_ =	shalt  }
0x74: {  	_ =	shalt  }
0x75: {  	_ =	shalt  }
0x76: {  	_ =	shalt  }
0x77: {  	_ =	shalt  }
0x78: {  	_ =	shalt  }
0x79: {  	_ =	shalt  }
0x7a: {  	_ =	shalt  }
0x7b: {  	_ =	shalt  }
0x7c: {  	_ =	shalt  }
0x7d: {  	_ =	shalt  }
0x7e: {  	_ =	shalt  }
0x7f: {  	_ =	shalt  }
0x80: {  	_ =	shalt  }
0x81: {  	_ =	shalt  }
0x82: {  	_ =	shalt  }
0x83: {  	_ =	shalt  }
0x84: {  	_ =	shalt  }
0x85: {  	_ =	shalt  }
0x86: {  	_ =	shalt  }
0x87: {  	_ =	shalt  }
.Lfunc_end0:
.L_simem_size_0:
called_computation.1_lowered:
.L_overlay_start_0:
0x88: {  	s2 =	sld [smem:$0x3FD9]  }
0x89: {  	s3 =	sld [smem:$0x3FFE];
	_ =	sdelay $0x1  }
0x8a: {  	s1 =	srdreg.scid  }
0x8b: {  	s0 =	sand.u32 $0x1, s1  }
0x8c: {  	s16 =	sshll.u32 s0, $0xA;
	s2 =	sadd.s32 s3, s2  }
0x8d: {  	s2 =	sadd.s32 s2, s16  }
0x8e: {  	[smem:$0x3FBF] =	sst s2  }
0x8f: {  	_ = 	snop  }
0x90: {  	(tm) =	ssettm $0x1  }
0x91: {  	s17 =	sld [smem:$0x3FFB];
	_ =	sdelay $0x3  }
0x92: {  	_ =	strace s17  }
0x93: {  	s2 =	sld [smem:$0x3FFC];
	_ =	sdelay $0x3  }
0x94: {  	_ =	strace s2  }
0x95: {  	s2 =	sld [smem:$0x3FFD];
	_ =	sdelay $0x3  }
0x96: {  	_ =	strace s2  }
0x97: {  	_ =	strace $0x8FFFFFFF  }
0x98: {  	s18 =	sld [smem:$0x3FDB];
	_ =	sdelay $0x1  }
0x99: {  	s19 =	simm.s32 $_scs_section_size  }
0x9a: {  	s4 =	simm.s32 $_size__tile_overlayer_lowered;
	s5 =	simm.s32 $_tile_overlayer_lowered  }
0x9b: {  	s22 =	simm.s32 $0x1BFF;
	s21 =	sshll.u32 s5, $0x1;
	s2 =	sadd.s32 s19, s18  }
0x9c: {  	s6 =	simm.s32 $0x0;
	s20 =	sshll.u32 s4, $0x1;
	s4 =	sadd.s32 s21, s2  }
0x9d: {  	[timem:s6], [sflag:s22] =	dma.local [hbm:s4], s20  }
0x9e: {  	_ =	swait.ge [sflag:s22], s20  }
0x9f: {  	s3 =	ssub.s32 $0x0, s20;
	[sflag:s22] =	ssyncset.done $0x0  }
0xa0: {  	[sflag:s22] =	ssyncadd.s32 s3;
	_ =	sdelay $0x1  }
0xa1: {  	s23 =	simm.s32 $0x1B8B  }
0xa2: {  	_ =	swait.ge [sflag:s23], $0x1  }
0xa3: {  	[sflag:s23] =	ssyncset.done $0x0  }
0xa4: {  	s25 =	simm.s32 $0x1B8E;
	s24 =	sld [smem:$0x3FFE];
	[sflag:s23] =	ssyncadd.s32 $0xFFFFFFFF  }
0xa5: {  	s26 =	simm.s32 $execute0_lowered;
	[smem:$0x3FD2] =	sst s25  }
0xa6: {  	s4 =	sshll.u32 s26, $0x1;
	_ =	strace $0x80000049;
	[dreg:$0x1] =	wrdreg $0xFFFFFFFF  }
0xa7: {  	s28 =	simm.s32 $_size_execute0_lowered;
	s2 =	sadd.s32 s2, s4;
	[dreg:$0x0] =	wrdreg $0x0  }
0xa8: {  	s4 =	sshll.u32 s28, $0x1;
	[dreg:$0x2] =	wrdreg s2  }
0xa9: {  	[dreg:$0x3] =	wrdreg s4  }
0xaa: {  	[dreg:$0x4] =	wrdreg $0xC0  }
0xab: {  	_ =	task [dreg:s6], $0x5FFFF  }
0xac: {  	[dreg:$0x1] =	wrdreg $0xFFFFFFFF  }
0xad: {  	[dreg:$0x0] =	wrdreg $0x60  }
0xae: {  	[dreg:$0x2] =	wrdreg s24  }
0xaf: {  	[dreg:$0x3] =	wrdreg $0x9  }
0xb0: {  	_ =	task.clear_ibuf [dreg:s6], $0x4FFFF;
	_ =	strace $0x90000049  }
0xb1: {  	s29 =	simm.s32 $0x9;
	_ =	strace $0x8000004B  }
0xb2: {  	_ =	swait.ge [sflag:s29], $0x1  }
0xb3: {  	[sflag:s29] =	ssyncadd.s32 $0xFFFFFFFF  }
0xb4: {  	_ =	strace $0x9000004B  }
0xb5: {  	_ =	sfence  }
0xb6: {  	s30 =	sld [smem:$0x0];
	_ =	sdelay $0x2  }
0xb7: {  	s31 =	sshll.u32 s1, $0xD;
	s1 =	sshrl.u32 s1, $0x2  }
0xb8: {  	s3 =	sand.u32 $0x4000, s31;
	s1 =	sadd.s32 s1, s30  }
0xb9: {  	s0 =	sor.u32 s3, s0;
	s1 =	sshll.u32 s1, $0x11  }
0xba: {  	s0 =	sor.u32 s1, s0  }
0xbb: {  	s0 =	sadd.s32 $0x8F2B, s0  }
0xbc: {  	[sflag:s0] =	ssyncadd.remote.s32 $0x1  }
0xbd: {  	_ =	sfence.sel $0xFFFF  }
0xbe: {  	[dreg:$0x0] =	wrdreg $0xFFFFFFFF;
	(pc) =	sbr.abs _section_cstart, $3  }
0xbf: {  	[dreg:$0x1] =	wrdreg $0xFFFFFFFF  }
0xc0: {  	_ =	task.clear_ibuf [dreg:s6], $0x2FFFF;
	_ =	strace $0x9FFFFFFF  }
0xc1: {  	(tm) =	ssettm $0x7FFFFFFF  }
tec
execute0_lowered:
.L_overlay_start_1:
0x0: {  	(tag) =	ssettag $0x1  }
0x1: {  	s0 =	srdreg.scid  }
0x2: {  	s2 =	stileid.u32;
	s1 =	rddreg [dreg:$0x0]  }
0x3: {  	s28 =	simm.s32 $0x100;
	s0 =	sand.u32 $0x1, s0;
	s3 =	sshll.u32 s2, $0x8  }
0x4: {  	s2 =	simm.s32 $0x0;
	s5 =	sadd.s32 $0x63C00, s1;
	s7 =	sadd.s32 $0x63E00, s1  }
0x5: {  	s8 =	sadd.s32 $0x64000, s1;
	s11 =	sadd.s32 $0xE4000, s1;
	s4 =	sshll.u32 s0, $0x7  }
0x6: {  	[smem:$0x7FF] =	sst s2;
	s0 =	ssub.s32 $0x2, s0;
	s4 =	sor.u32 s4, s3  }
0x7: {  	_ =	strace $0x8000004A;
	s25 =	sshrl.u32 s0, $0x1;
	s3 =	sshrl.u32 s4, $0x3  }
0x8: {  	s12 =	sshll.u32 s4, $0x7;
	s9 =	sor.u32 $0x20, s4;
	s6 =	sadd.s32 s5, s3  }
0x9: {  	s18 =	sor.u32 $0x40, s4;
	s3 =	sadd.s32 s7, s3;
	[dreg:$0x2] =	wrdreg s6  }
0xa: {  	s4 =	sor.u32 $0x60, s4;
	s13 =	sadd.s32 s8, s12;
	[dreg:$0x3] =	wrdreg s3  }
0xb: {  	s10 =	sshrl.u32 s9, $0x3;
	s15 =	sadd.s32 s11, s12;
	[dreg:$0x4] =	wrdreg s13  }
0xc: {  	s0 =	ssub.s32 s0, s25;
	s14 =	sadd.s32 s5, s10;
	[dreg:$0x6] =	wrdreg s15  }
0xd: {  	s17 =	sshll.u32 s9, $0x7;
	s16 =	sadd.s32 s7, s10;
	[dreg:$0x5] =	wrdreg s14  }
0xe: {  	s20 =	sshrl.u32 s18, $0x3;
	s19 =	sadd.s32 s8, s17;
	[dreg:$0x7] =	wrdreg s16  }
0xf: {  	s9 =	sshll.u32 s18, $0x7;
	s21 =	sadd.s32 s5, s20;
	[dreg:$0x8] =	wrdreg s19  }
0x10: {  	s24 =	sshrl.u32 s4, $0x3;
	s6 =	sadd.s32 s11, s17;
	[dreg:$0x9] =	wrdreg s21  }
0x11: {  	s30 =	sshll.u32 s4, $0x7;
	s22 =	sadd.s32 s7, s20;
	[dreg:$0xa] =	wrdreg s6  }
0x12: {  	s4 =	sadd.s32 $0x1A4100, s1;
	s23 =	sadd.s32 s8, s9;
	[dreg:$0xb] =	wrdreg s22  }
0x13: {  	s3 =	sadd.s32 $0x1A4000, s1;
	s5 =	sadd.s32 s5, s24;
	[dreg:$0xc] =	wrdreg s23  }
0x14: {  	s26 =	sadd.s32 s11, s9;
	s29 =	sadd.s32 s7, s24;
	[dreg:$0xd] =	wrdreg s5  }
0x15: {  	s31 =	sadd.s32 s8, s30;
	s7 =	sadd.s32 s11, s30;
	[dreg:$0xe] =	wrdreg s26  }
0x16: {  	s8 =	simm.s32 $0x5;
	s20 =	simm.s32 $0x3;
	[dreg:$0xf] =	wrdreg s29  }
0x17: {  	v2 =	vlaneseq.u32;
	[dreg:$0x10] =	wrdreg s31;
	s5 =	sadd.s32 $0x1A4200, s1;
	s6 =	sadd.s32 $0x1A4300, s1  }
0x18: {  	vm0 =	vmmov $0xffff;
	v1 =	vshrl.u32 v2, $0x3;
	[dreg:$0x11] =	wrdreg s7;
	s7 =	smax.u32 s0, $0x1;
	s26 =	simm.s32 $0x8100  }
0x19: {  	v0 =	vand.u32 $0x7, v2;
	v2 =	vor.u32 $0x8, v2;
	v1 =	vmul.u32 $0x8, v1;
	s19 =	simm.s32 $0x1;
	s21 =	simm.s32 $0x2;
	s22 =	simm.s32 $0x4  }
.LBB2_1:
0x1a: {  	s23 =	rddreg [dreg:$0x2]  }
0x1b: {  	[tilespmem:s2], [sflag:$0x5] =	stream.linear.gather [hbm4b:s23+s2], $0x20, $0x38;
	[tilespmem:$0x10100] =	vst v63  }
0x1c: {  	_ =	swait.ge [sflag:s8], $0x20  }
0x1d: {  	[sflag:s8] =	ssyncset.done $0x0  }
0x1e: {  	[sflag:s8] =	ssyncadd.s32 $0xFFFFFFE0  }
0x1f: {  	v3 =	vld [tilespmem:$0x0];
	_ =	sdelay $0x4  }
0x20: {  	v4 =	vshll.u32 v3, $0x3  }
0x21: {  	v3 =	vand.u32 $0x7, v3;
	v4 =	vand.u32 $0xFFFFFFC0, v4  }
0x22: {  	v3 =	vor.u32 v3, v4  }
0x23: {  	v4 =	vperm.xlane v3, v0;
	_ =	sdelay $0x1  }
0x24: {  	v4 =	vadd.s32 v1, v4;
	_ =	sdelay $0x4  }
0x25: {  	[tilespmem:s28], [sflag:$0x1] =	stream.indirect_vreg.gather [hbm4b:s3+s2], $0x80, v4, vm0, $0xb8;
	[tilespmem:$0x10100] =	vst v63  }
0x26: {  	s0 =	simm.s32 $0x900;
	v3 =	vperm.xlane v3, v2  }
0x27: {  	[tilespmem:s0], [sflag:$0x1] =	stream.indirect_vreg.gather [hbm4b:s4+s2], $0x80, v4, vm0, $0xb8;
	[tilespmem:$0x10100] =	vst v63  }
0x28: {  	s10 =	simm.s32 $0x1100;
	v3 =	vadd.s32 v1, v3  }
0x29: {  	[tilespmem:s10], [sflag:$0x1] =	stream.indirect_vreg.gather [hbm4b:s5+s2], $0x80, v4, vm0, $0xb8;
	[tilespmem:$0x10100] =	vst v63  }
0x2a: {  	s11 =	simm.s32 $0x1900  }
0x2b: {  	[tilespmem:s11], [sflag:$0x1] =	stream.indirect_vreg.gather [hbm4b:s6+s2], $0x80, v4, vm0, $0xb8;
	[tilespmem:$0x10100] =	vst v63  }
0x2c: {  	s12 =	simm.s32 $0x2100  }
0x2d: {  	[tilespmem:s12], [sflag:$0x1] =	stream.indirect_vreg.gather [hbm4b:s3+s2], $0x80, v3, vm0, $0xb8;
	[tilespmem:$0x10100] =	vst v63  }
0x2e: {  	s13 =	simm.s32 $0x2900  }
0x2f: {  	[tilespmem:s13], [sflag:$0x1] =	stream.indirect_vreg.gather [hbm4b:s4+s2], $0x80, v3, vm0, $0xb8;
	[tilespmem:$0x10100] =	vst v63  }
0x30: {  	s14 =	simm.s32 $0x3100  }
0x31: {  	[tilespmem:s14], [sflag:$0x1] =	stream.indirect_vreg.gather [hbm4b:s5+s2], $0x80, v3, vm0, $0xb8;
	[tilespmem:$0x10100] =	vst v63  }
0x32: {  	s15 =	simm.s32 $0x3900  }
0x33: {  	[tilespmem:s15], [sflag:$0x1] =	stream.indirect_vreg.gather [hbm4b:s6+s2], $0x80, v3, vm0, $0xb8;
	[tilespmem:$0x10100] =	vst v63  }
0x34: {  	v3 =	vld [tilespmem:$0x10];
	_ =	sdelay $0x4  }
0x35: {  	v49 =	vshll.u32 v3, $0x3  }
0x36: {  	v3 =	vand.u32 $0x7, v3;
	v4 =	vand.u32 $0xFFFFFFC0, v49  }
0x37: {  	v3 =	vor.u32 v3, v4  }
0x38: {  	v4 =	vperm.xlane v3, v0;
	_ =	sdelay $0x1  }
0x39: {  	v4 =	vadd.s32 v1, v4;
	_ =	sdelay $0x3  }
0x3a: {  	s16 =	simm.s32 $0x4100  }
0x3b: {  	[tilespmem:s16], [sflag:$0x1] =	stream.indirect_vreg.gather [hbm4b:s3+s2], $0x80, v4, vm0, $0xb8;
	[tilespmem:$0x10100] =	vst v63  }
0x3c: {  	s17 =	simm.s32 $0x4900;
	v3 =	vperm.xlane v3, v2  }
0x3d: {  	[tilespmem:s17], [sflag:$0x1] =	stream.indirect_vreg.gather [hbm4b:s4+s2], $0x80, v4, vm0, $0xb8;
	[tilespmem:$0x10100] =	vst v63  }
0x3e: {  	s18 =	simm.s32 $0x5100;
	v3 =	vadd.s32 v1, v3  }
0x3f: {  	[tilespmem:s18], [sflag:$0x1] =	stream.indirect_vreg.gather [hbm4b:s5+s2], $0x80, v4, vm0, $0xb8;
	[tilespmem:$0x10100] =	vst v63  }
0x40: {  	s23 =	simm.s32 $0x5900  }
0x41: {  	[tilespmem:s23], [sflag:$0x1] =	stream.indirect_vreg.gather [hbm4b:s6+s2], $0x80, v4, vm0, $0xb8;
	[tilespmem:$0x10100] =	vst v63  }
0x42: {  	s24 =	simm.s32 $0x6100  }
0x43: {  	[tilespmem:s24], [sflag:$0x1] =	stream.indirect_vreg.gather [hbm4b:s3+s2], $0x80, v3, vm0, $0xb8;
	[tilespmem:$0x10100] =	vst v63  }
0x44: {  	s25 =	simm.s32 $0x6900  }
0x45: {  	[tilespmem:s25], [sflag:$0x1] =	stream.indirect_vreg.gather [hbm4b:s4+s2], $0x80, v3, vm0, $0xb8;
	[tilespmem:$0x10100] =	vst v63  }
0x46: {  	s29 =	simm.s32 $0x7100  }
0x47: {  	[tilespmem:s29], [sflag:$0x1] =	stream.indirect_vreg.gather [hbm4b:s5+s2], $0x80, v3, vm0, $0xb8;
	[tilespmem:$0x10100] =	vst v63  }
0x48: {  	s31 =	simm.s32 $0x7900  }
0x49: {  	[tilespmem:s31], [sflag:$0x1] =	stream.indirect_vreg.gather [hbm4b:s6+s2], $0x80, v3, vm0, $0xb8;
	[tilespmem:$0x10100] =	vst v63  }
0x4a: {  	s9 =	simm.s32 $0x80;
	s30 =	rddreg [dreg:$0x3]  }
0x4b: {  	[tilespmem:s9], [sflag:$0x5] =	stream.linear.gather [hbm4b:s30+s2], $0x20, $0x38;
	[tilespmem:$0x10100] =	vst v63  }
0x4c: {  	_ =	swait.ge [sflag:s8], $0x20  }
0x4d: {  	[sflag:s8] =	ssyncset.done $0x0  }
0x4e: {  	[sflag:s8] =	ssyncadd.s32 $0xFFFFFFE0  }
0x4f: {  	v3 =	vld [tilespmem:$0x80];
	_ =	sdelay $0x4  }
0x50: {  	v50 =	vshll.u32 v3, $0x3  }
0x51: {  	v3 =	vand.u32 $0x7, v3;
	v4 =	vand.u32 $0xFFFFFFC0, v50  }
0x52: {  	v3 =	vor.u32 v3, v4  }
0x53: {  	v4 =	vperm.xlane v3, v0;
	_ =	sdelay $0x1  }
0x54: {  	v4 =	vadd.s32 v1, v4;
	_ =	sdelay $0x4  }
0x55: {  	[tilespmem:s26], [sflag:$0x2] =	stream.indirect_vreg.gather [hbm4b:s3+s2], $0x80, v4, vm0, $0xb8;
	[tilespmem:$0x10100] =	vst v63  }
0x56: {  	s10 =	simm.s32 $0x8900;
	v3 =	vperm.xlane v3, v2  }
0x57: {  	[tilespmem:s10], [sflag:$0x2] =	stream.indirect_vreg.gather [hbm4b:s4+s2], $0x80, v4, vm0, $0xb8;
	[tilespmem:$0x10100] =	vst v63  }
0x58: {  	s11 =	simm.s32 $0x9100;
	v3 =	vadd.s32 v1, v3  }
0x59: {  	[tilespmem:s11], [sflag:$0x2] =	stream.indirect_vreg.gather [hbm4b:s5+s2], $0x80, v4, vm0, $0xb8;
	[tilespmem:$0x10100] =	vst v63  }
0x5a: {  	s12 =	simm.s32 $0x9900  }
0x5b: {  	[tilespmem:s12], [sflag:$0x2] =	stream.indirect_vreg.gather [hbm4b:s6+s2], $0x80, v4, vm0, $0xb8;
	[tilespmem:$0x10100] =	vst v63  }
0x5c: {  	s16 =	simm.s32 $0xA100  }
0x5d: {  	[tilespmem:s16], [sflag:$0x2] =	stream.indirect_vreg.gather [hbm4b:s3+s2], $0x80, v3, vm0, $0xb8;
	[tilespmem:$0x10100] =	vst v63  }
0x5e: {  	s17 =	simm.s32 $0xA900  }
0x5f: {  	[tilespmem:s17], [sflag:$0x2] =	stream.indirect_vreg.gather [hbm4b:s4+s2], $0x80, v3, vm0, $0xb8;
	[tilespmem:$0x10100] =	vst v63  }
0x60: {  	s18 =	simm.s32 $0xB100  }
0x61: {  	[tilespmem:s18], [sflag:$0x2] =	stream.indirect_vreg.gather [hbm4b:s5+s2], $0x80, v3, vm0, $0xb8;
	[tilespmem:$0x10100] =	vst v63  }
0x62: {  	s25 =	simm.s32 $0xB900  }
0x63: {  	[tilespmem:s25], [sflag:$0x2] =	stream.indirect_vreg.gather [hbm4b:s6+s2], $0x80, v3, vm0, $0xb8;
	[tilespmem:$0x10100] =	vst v63  }
0x64: {  	v3 =	vld [tilespmem:$0x90];
	_ =	sdelay $0x4  }
0x65: {  	v51 =	vshll.u32 v3, $0x3  }
0x66: {  	v3 =	vand.u32 $0x7, v3;
	v4 =	vand.u32 $0xFFFFFFC0, v51  }
0x67: {  	v3 =	vor.u32 v3, v4  }
0x68: {  	v4 =	vperm.xlane v3, v0;
	_ =	sdelay $0x1  }
0x69: {  	v4 =	vadd.s32 v1, v4;
	_ =	sdelay $0x3  }
0x6a: {  	s29 =	simm.s32 $0xC100  }
0x6b: {  	[tilespmem:s29], [sflag:$0x2] =	stream.indirect_vreg.gather [hbm4b:s3+s2], $0x80, v4, vm0, $0xb8;
	[tilespmem:$0x10100] =	vst v63  }
0x6c: {  	s30 =	simm.s32 $0xC900;
	v3 =	vperm.xlane v3, v2  }
0x6d: {  	[tilespmem:s30], [sflag:$0x2] =	stream.indirect_vreg.gather [hbm4b:s4+s2], $0x80, v4, vm0, $0xb8;
	[tilespmem:$0x10100] =	vst v63  }
0x6e: {  	s0 =	simm.s32 $0xD100;
	v3 =	vadd.s32 v1, v3  }
0x6f: {  	[tilespmem:s0], [sflag:$0x2] =	stream.indirect_vreg.gather [hbm4b:s5+s2], $0x80, v4, vm0, $0xb8;
	[tilespmem:$0x10100] =	vst v63  }
0x70: {  	s9 =	simm.s32 $0xD900  }
0x71: {  	[tilespmem:s9], [sflag:$0x2] =	stream.indirect_vreg.gather [hbm4b:s6+s2], $0x80, v4, vm0, $0xb8;
	[tilespmem:$0x10100] =	vst v63  }
0x72: {  	s10 =	simm.s32 $0xE100  }
0x73: {  	[tilespmem:s10], [sflag:$0x2] =	stream.indirect_vreg.gather [hbm4b:s3+s2], $0x80, v3, vm0, $0xb8;
	[tilespmem:$0x10100] =	vst v63  }
0x74: {  	s11 =	simm.s32 $0xE900  }
0x75: {  	[tilespmem:s11], [sflag:$0x2] =	stream.indirect_vreg.gather [hbm4b:s4+s2], $0x80, v3, vm0, $0xb8;
	[tilespmem:$0x10100] =	vst v63  }
0x76: {  	s12 =	simm.s32 $0xF100  }
0x77: {  	[tilespmem:s12], [sflag:$0x2] =	stream.indirect_vreg.gather [hbm4b:s5+s2], $0x80, v3, vm0, $0xb8;
	[tilespmem:$0x10100] =	vst v63  }
0x78: {  	s16 =	simm.s32 $0xF900  }
0x79: {  	[tilespmem:s16], [sflag:$0x2] =	stream.indirect_vreg.gather [hbm4b:s6+s2], $0x80, v3, vm0, $0xb8;
	[tilespmem:$0x10100] =	vst v63  }
0x7a: {  	_ =	swait.ge [sflag:s19], $0x8000  }
0x7b: {  	[sflag:s19] =	ssyncset.done $0x0  }
0x7c: {  	s17 =	rddreg [dreg:$0x4];
	[sflag:s19] =	ssyncadd.s32 $0xFFFF8000  }
0x7d: {  	[hbm4b:s17+s2] =	stream.linear.scatter [tilespmem:s28], [sflag:$0x3], $0x8000, $0x38;
	[tilespmem:$0x10100] =	vst v63  }
0x7e: {  	_ =	swait.ge [sflag:s20], $0x8000  }
0x7f: {  	[sflag:s20] =	ssyncset.done $0x0  }
0x80: {  	s18 =	rddreg [dreg:$0x5];
	[sflag:s20] =	ssyncadd.s32 $0xFFFF8000  }
0x81: {  	[tilespmem:s2], [sflag:$0x5] =	stream.linear.gather [hbm4b:s18+s2], $0x20, $0x38;
	[tilespmem:$0x10100] =	vst v63  }
0x82: {  	_ =	swait.ge [sflag:s8], $0x20  }
0x83: {  	[sflag:s8] =	ssyncset.done $0x0  }
0x84: {  	[sflag:s8] =	ssyncadd.s32 $0xFFFFFFE0  }
0x85: {  	v3 =	vld [tilespmem:$0x0];
	_ =	sdelay $0x4  }
0x86: {  	v52 =	vshll.u32 v3, $0x3  }
0x87: {  	v3 =	vand.u32 $0x7, v3;
	v4 =	vand.u32 $0xFFFFFFC0, v52  }
0x88: {  	v3 =	vor.u32 v3, v4  }
0x89: {  	v4 =	vperm.xlane v3, v0;
	_ =	sdelay $0x1  }
0x8a: {  	v4 =	vadd.s32 v1, v4;
	_ =	sdelay $0x4  }
0x8b: {  	[tilespmem:s28], [sflag:$0x1] =	stream.indirect_vreg.gather [hbm4b:s3+s2], $0x80, v4, vm0, $0xb8;
	[tilespmem:$0x10100] =	vst v63  }
0x8c: {  	s1 =	simm.s32 $0x900;
	v3 =	vperm.xlane v3, v2  }
0x8d: {  	[tilespmem:s1], [sflag:$0x1] =	stream.indirect_vreg.gather [hbm4b:s4+s2], $0x80, v4, vm0, $0xb8;
	[tilespmem:$0x10100] =	vst v63  }
0x8e: {  	v3 =	vadd.s32 v1, v3;
	s1 =	simm.s32 $0x1100  }
0x8f: {  	[tilespmem:s1], [sflag:$0x1] =	stream.indirect_vreg.gather [hbm4b:s5+s2], $0x80, v4, vm0, $0xb8;
	[tilespmem:$0x10100] =	vst v63  }
0x90: {  	s9 =	simm.s32 $0x1900  }
0x91: {  	[tilespmem:s9], [sflag:$0x1] =	stream.indirect_vreg.gather [hbm4b:s6+s2], $0x80, v4, vm0, $0xb8;
	[tilespmem:$0x10100] =	vst v63  }
0x92: {  	s10 =	simm.s32 $0x2100  }
0x93: {  	[tilespmem:s10], [sflag:$0x1] =	stream.indirect_vreg.gather [hbm4b:s3+s2], $0x80, v3, vm0, $0xb8;
	[tilespmem:$0x10100] =	vst v63  }
0x94: {  	s11 =	simm.s32 $0x2900  }
0x95: {  	[tilespmem:s11], [sflag:$0x1] =	stream.indirect_vreg.gather [hbm4b:s4+s2], $0x80, v3, vm0, $0xb8;
	[tilespmem:$0x10100] =	vst v63  }
0x96: {  	s12 =	simm.s32 $0x3100  }
0x97: {  	[tilespmem:s12], [sflag:$0x1] =	stream.indirect_vreg.gather [hbm4b:s5+s2], $0x80, v3, vm0, $0xb8;
	[tilespmem:$0x10100] =	vst v63  }
0x98: {  	s13 =	simm.s32 $0x3900  }
0x99: {  	[tilespmem:s13], [sflag:$0x1] =	stream.indirect_vreg.gather [hbm4b:s6+s2], $0x80, v3, vm0, $0xb8;
	[tilespmem:$0x10100] =	vst v63  }
0x9a: {  	v3 =	vld [tilespmem:$0x10];
	_ =	sdelay $0x4  }
0x9b: {  	v53 =	vshll.u32 v3, $0x3  }
0x9c: {  	v3 =	vand.u32 $0x7, v3;
	v4 =	vand.u32 $0xFFFFFFC0, v53  }
0x9d: {  	v3 =	vor.u32 v3, v4  }
0x9e: {  	v4 =	vperm.xlane v3, v0;
	_ =	sdelay $0x1  }
0x9f: {  	v4 =	vadd.s32 v1, v4;
	_ =	sdelay $0x3  }
0xa0: {  	s14 =	simm.s32 $0x4100  }
0xa1: {  	[tilespmem:s14], [sflag:$0x1] =	stream.indirect_vreg.gather [hbm4b:s3+s2], $0x80, v4, vm0, $0xb8;
	[tilespmem:$0x10100] =	vst v63  }
0xa2: {  	s15 =	simm.s32 $0x4900;
	v3 =	vperm.xlane v3, v2  }
0xa3: {  	[tilespmem:s15], [sflag:$0x1] =	stream.indirect_vreg.gather [hbm4b:s4+s2], $0x80, v4, vm0, $0xb8;
	[tilespmem:$0x10100] =	vst v63  }
0xa4: {  	s13 =	simm.s32 $0x5100;
	v3 =	vadd.s32 v1, v3  }
0xa5: {  	[tilespmem:s13], [sflag:$0x1] =	stream.indirect_vreg.gather [hbm4b:s5+s2], $0x80, v4, vm0, $0xb8;
	[tilespmem:$0x10100] =	vst v63  }
0xa6: {  	s14 =	simm.s32 $0x5900  }
0xa7: {  	[tilespmem:s14], [sflag:$0x1] =	stream.indirect_vreg.gather [hbm4b:s6+s2], $0x80, v4, vm0, $0xb8;
	[tilespmem:$0x10100] =	vst v63  }
0xa8: {  	s15 =	simm.s32 $0x6100  }
0xa9: {  	[tilespmem:s15], [sflag:$0x1] =	stream.indirect_vreg.gather [hbm4b:s3+s2], $0x80, v3, vm0, $0xb8;
	[tilespmem:$0x10100] =	vst v63  }
0xaa: {  	s16 =	simm.s32 $0x6900  }
0xab: {  	[tilespmem:s16], [sflag:$0x1] =	stream.indirect_vreg.gather [hbm4b:s4+s2], $0x80, v3, vm0, $0xb8;
	[tilespmem:$0x10100] =	vst v63  }
0xac: {  	s17 =	simm.s32 $0x7100  }
0xad: {  	[tilespmem:s17], [sflag:$0x1] =	stream.indirect_vreg.gather [hbm4b:s5+s2], $0x80, v3, vm0, $0xb8;
	[tilespmem:$0x10100] =	vst v63  }
0xae: {  	s18 =	simm.s32 $0x7900  }
0xaf: {  	[tilespmem:s18], [sflag:$0x1] =	stream.indirect_vreg.gather [hbm4b:s6+s2], $0x80, v3, vm0, $0xb8;
	[tilespmem:$0x10100] =	vst v63  }
0xb0: {  	_ =	swait.ge [sflag:s21], $0x8000  }
0xb1: {  	[sflag:s21] =	ssyncset.done $0x0  }
0xb2: {  	s0 =	rddreg [dreg:$0x6];
	[sflag:s21] =	ssyncadd.s32 $0xFFFF8000  }
0xb3: {  	[hbm4b:s0+s2] =	stream.linear.scatter [tilespmem:s26], [sflag:$0x4], $0x8000, $0x38;
	[tilespmem:$0x10100] =	vst v63  }
0xb4: {  	_ =	swait.ge [sflag:s22], $0x8000  }
0xb5: {  	[sflag:s22] =	ssyncset.done $0x0  }
0xb6: {  	s0 =	simm.s32 $0x80;
	s23 =	rddreg [dreg:$0x7];
	[sflag:s22] =	ssyncadd.s32 $0xFFFF8000  }
0xb7: {  	[tilespmem:s0], [sflag:$0x5] =	stream.linear.gather [hbm4b:s23+s2], $0x20, $0x38;
	[tilespmem:$0x10100] =	vst v63  }
0xb8: {  	_ =	swait.ge [sflag:s8], $0x20  }
0xb9: {  	[sflag:s8] =	ssyncset.done $0x0  }
0xba: {  	[sflag:s8] =	ssyncadd.s32 $0xFFFFFFE0  }
0xbb: {  	v3 =	vld [tilespmem:$0x80];
	_ =	sdelay $0x4  }
0xbc: {  	v54 =	vshll.u32 v3, $0x3  }
0xbd: {  	v3 =	vand.u32 $0x7, v3;
	v4 =	vand.u32 $0xFFFFFFC0, v54  }
0xbe: {  	v3 =	vor.u32 v3, v4  }
0xbf: {  	v4 =	vperm.xlane v3, v0;
	_ =	sdelay $0x1  }
0xc0: {  	v4 =	vadd.s32 v1, v4;
	_ =	sdelay $0x4  }
0xc1: {  	[tilespmem:s26], [sflag:$0x2] =	stream.indirect_vreg.gather [hbm4b:s3+s2], $0x80, v4, vm0, $0xb8;
	[tilespmem:$0x10100] =	vst v63  }
0xc2: {  	s24 =	simm.s32 $0x8900;
	v3 =	vperm.xlane v3, v2  }
0xc3: {  	[tilespmem:s24], [sflag:$0x2] =	stream.indirect_vreg.gather [hbm4b:s4+s2], $0x80, v4, vm0, $0xb8;
	[tilespmem:$0x10100] =	vst v63  }
0xc4: {  	v3 =	vadd.s32 v1, v3;
	s24 =	simm.s32 $0x9100  }
0xc5: {  	[tilespmem:s24], [sflag:$0x2] =	stream.indirect_vreg.gather [hbm4b:s5+s2], $0x80, v4, vm0, $0xb8;
	[tilespmem:$0x10100] =	vst v63  }
0xc6: {  	s23 =	simm.s32 $0x9900  }
0xc7: {  	[tilespmem:s23], [sflag:$0x2] =	stream.indirect_vreg.gather [hbm4b:s6+s2], $0x80, v4, vm0, $0xb8;
	[tilespmem:$0x10100] =	vst v63  }
0xc8: {  	s23 =	simm.s32 $0xA100  }
0xc9: {  	[tilespmem:s23], [sflag:$0x2] =	stream.indirect_vreg.gather [hbm4b:s3+s2], $0x80, v3, vm0, $0xb8;
	[tilespmem:$0x10100] =	vst v63  }
0xca: {  	s23 =	simm.s32 $0xA900  }
0xcb: {  	[tilespmem:s23], [sflag:$0x2] =	stream.indirect_vreg.gather [hbm4b:s4+s2], $0x80, v3, vm0, $0xb8;
	[tilespmem:$0x10100] =	vst v63  }
0xcc: {  	s23 =	simm.s32 $0xB100  }
0xcd: {  	[tilespmem:s23], [sflag:$0x2] =	stream.indirect_vreg.gather [hbm4b:s5+s2], $0x80, v3, vm0, $0xb8;
	[tilespmem:$0x10100] =	vst v63  }
0xce: {  	s31 =	simm.s32 $0xB900  }
0xcf: {  	[tilespmem:s31], [sflag:$0x2] =	stream.indirect_vreg.gather [hbm4b:s6+s2], $0x80, v3, vm0, $0xb8;
	[tilespmem:$0x10100] =	vst v63  }
0xd0: {  	v3 =	vld [tilespmem:$0x90];
	_ =	sdelay $0x4  }
0xd1: {  	v55 =	vshll.u32 v3, $0x3  }
0xd2: {  	v3 =	vand.u32 $0x7, v3;
	v4 =	vand.u32 $0xFFFFFFC0, v55  }
0xd3: {  	v3 =	vor.u32 v3, v4  }
0xd4: {  	v4 =	vperm.xlane v3, v0;
	_ =	sdelay $0x1  }
0xd5: {  	v4 =	vadd.s32 v1, v4;
	_ =	sdelay $0x3  }
0xd6: {  	s25 =	simm.s32 $0xC100  }
0xd7: {  	[tilespmem:s25], [sflag:$0x2] =	stream.indirect_vreg.gather [hbm4b:s3+s2], $0x80, v4, vm0, $0xb8;
	[tilespmem:$0x10100] =	vst v63  }
0xd8: {  	s29 =	simm.s32 $0xC900;
	v3 =	vperm.xlane v3, v2  }
0xd9: {  	[tilespmem:s29], [sflag:$0x2] =	stream.indirect_vreg.gather [hbm4b:s4+s2], $0x80, v4, vm0, $0xb8;
	[tilespmem:$0x10100] =	vst v63  }
0xda: {  	v3 =	vadd.s32 v1, v3;
	s25 =	simm.s32 $0xD100  }
0xdb: {  	[tilespmem:s25], [sflag:$0x2] =	stream.indirect_vreg.gather [hbm4b:s5+s2], $0x80, v4, vm0, $0xb8;
	[tilespmem:$0x10100] =	vst v63  }
0xdc: {  	s29 =	simm.s32 $0xD900  }
0xdd: {  	[tilespmem:s29], [sflag:$0x2] =	stream.indirect_vreg.gather [hbm4b:s6+s2], $0x80, v4, vm0, $0xb8;
	[tilespmem:$0x10100] =	vst v63  }
0xde: {  	s31 =	simm.s32 $0xE100  }
0xdf: {  	[tilespmem:s31], [sflag:$0x2] =	stream.indirect_vreg.gather [hbm4b:s3+s2], $0x80, v3, vm0, $0xb8;
	[tilespmem:$0x10100] =	vst v63  }
0xe0: {  	s25 =	simm.s32 $0xE900  }
0xe1: {  	[tilespmem:s25], [sflag:$0x2] =	stream.indirect_vreg.gather [hbm4b:s4+s2], $0x80, v3, vm0, $0xb8;
	[tilespmem:$0x10100] =	vst v63  }
0xe2: {  	s29 =	simm.s32 $0xF100  }
0xe3: {  	[tilespmem:s29], [sflag:$0x2] =	stream.indirect_vreg.gather [hbm4b:s5+s2], $0x80, v3, vm0, $0xb8;
	[tilespmem:$0x10100] =	vst v63  }
0xe4: {  	s30 =	simm.s32 $0xF900  }
0xe5: {  	[tilespmem:s30], [sflag:$0x2] =	stream.indirect_vreg.gather [hbm4b:s6+s2], $0x80, v3, vm0, $0xb8;
	[tilespmem:$0x10100] =	vst v63  }
0xe6: {  	_ =	swait.ge [sflag:s19], $0x8000  }
0xe7: {  	[sflag:s19] =	ssyncset.done $0x0  }
0xe8: {  	s31 =	rddreg [dreg:$0x8];
	[sflag:s19] =	ssyncadd.s32 $0xFFFF8000  }
0xe9: {  	[hbm4b:s31+s2] =	stream.linear.scatter [tilespmem:s28], [sflag:$0x3], $0x8000, $0x38;
	[tilespmem:$0x10100] =	vst v63  }
0xea: {  	_ =	swait.ge [sflag:s20], $0x8000  }
0xeb: {  	[sflag:s20] =	ssyncset.done $0x0  }
0xec: {  	s25 =	rddreg [dreg:$0x9];
	[sflag:s20] =	ssyncadd.s32 $0xFFFF8000  }
0xed: {  	[tilespmem:s2], [sflag:$0x5] =	stream.linear.gather [hbm4b:s25+s2], $0x20, $0x38;
	[tilespmem:$0x10100] =	vst v63  }
0xee: {  	_ =	swait.ge [sflag:s8], $0x20  }
0xef: {  	[sflag:s8] =	ssyncset.done $0x0  }
0xf0: {  	[sflag:s8] =	ssyncadd.s32 $0xFFFFFFE0  }
0xf1: {  	v3 =	vld [tilespmem:$0x0];
	_ =	sdelay $0x4  }
0xf2: {  	v56 =	vshll.u32 v3, $0x3  }
0xf3: {  	v3 =	vand.u32 $0x7, v3;
	v4 =	vand.u32 $0xFFFFFFC0, v56  }
0xf4: {  	v3 =	vor.u32 v3, v4  }
0xf5: {  	v4 =	vperm.xlane v3, v0;
	_ =	sdelay $0x1  }
0xf6: {  	v4 =	vadd.s32 v1, v4;
	_ =	sdelay $0x4  }
0xf7: {  	[tilespmem:s28], [sflag:$0x1] =	stream.indirect_vreg.gather [hbm4b:s3+s2], $0x80, v4, vm0, $0xb8;
	[tilespmem:$0x10100] =	vst v63  }
0xf8: {  	s29 =	simm.s32 $0x900;
	v3 =	vperm.xlane v3, v2  }
0xf9: {  	[tilespmem:s29], [sflag:$0x1] =	stream.indirect_vreg.gather [hbm4b:s4+s2], $0x80, v4, vm0, $0xb8;
	[tilespmem:$0x10100] =	vst v63  }
0xfa: {  	v3 =	vadd.s32 v1, v3  }
0xfb: {  	[tilespmem:s1], [sflag:$0x1] =	stream.indirect_vreg.gather [hbm4b:s5+s2], $0x80, v4, vm0, $0xb8;
	[tilespmem:$0x10100] =	vst v63  }
0xfc: {  	_ = 	snop  }
0xfd: {  	[tilespmem:s9], [sflag:$0x1] =	stream.indirect_vreg.gather [hbm4b:s6+s2], $0x80, v4, vm0, $0xb8;
	[tilespmem:$0x10100] =	vst v63  }
0xfe: {  	_ = 	snop  }
0xff: {  	[tilespmem:s10], [sflag:$0x1] =	stream.indirect_vreg.gather [hbm4b:s3+s2], $0x80, v3, vm0, $0xb8;
	[tilespmem:$0x10100] =	vst v63  }
0x100: {  	_ = 	snop  }
0x101: {  	[tilespmem:s11], [sflag:$0x1] =	stream.indirect_vreg.gather [hbm4b:s4+s2], $0x80, v3, vm0, $0xb8;
	[tilespmem:$0x10100] =	vst v63  }
0x102: {  	_ = 	snop  }
0x103: {  	[tilespmem:s12], [sflag:$0x1] =	stream.indirect_vreg.gather [hbm4b:s5+s2], $0x80, v3, vm0, $0xb8;
	[tilespmem:$0x10100] =	vst v63  }
0x104: {  	s30 =	simm.s32 $0x3900  }
0x105: {  	[tilespmem:s30], [sflag:$0x1] =	stream.indirect_vreg.gather [hbm4b:s6+s2], $0x80, v3, vm0, $0xb8;
	[tilespmem:$0x10100] =	vst v63  }
0x106: {  	v3 =	vld [tilespmem:$0x10];
	_ =	sdelay $0x4  }
0x107: {  	v57 =	vshll.u32 v3, $0x3  }
0x108: {  	v3 =	vand.u32 $0x7, v3;
	v4 =	vand.u32 $0xFFFFFFC0, v57  }
0x109: {  	v3 =	vor.u32 v3, v4  }
0x10a: {  	v4 =	vperm.xlane v3, v0;
	_ =	sdelay $0x1  }
0x10b: {  	v4 =	vadd.s32 v1, v4;
	_ =	sdelay $0x3  }
0x10c: {  	s31 =	simm.s32 $0x4100  }
0x10d: {  	[tilespmem:s31], [sflag:$0x1] =	stream.indirect_vreg.gather [hbm4b:s3+s2], $0x80, v4, vm0, $0xb8;
	[tilespmem:$0x10100] =	vst v63  }
0x10e: {  	s25 =	simm.s32 $0x4900;
	v3 =	vperm.xlane v3, v2  }
0x10f: {  	[tilespmem:s25], [sflag:$0x1] =	stream.indirect_vreg.gather [hbm4b:s4+s2], $0x80, v4, vm0, $0xb8;
	[tilespmem:$0x10100] =	vst v63  }
0x110: {  	v3 =	vadd.s32 v1, v3  }
0x111: {  	[tilespmem:s13], [sflag:$0x1] =	stream.indirect_vreg.gather [hbm4b:s5+s2], $0x80, v4, vm0, $0xb8;
	[tilespmem:$0x10100] =	vst v63  }
0x112: {  	_ = 	snop  }
0x113: {  	[tilespmem:s14], [sflag:$0x1] =	stream.indirect_vreg.gather [hbm4b:s6+s2], $0x80, v4, vm0, $0xb8;
	[tilespmem:$0x10100] =	vst v63  }
0x114: {  	_ = 	snop  }
0x115: {  	[tilespmem:s15], [sflag:$0x1] =	stream.indirect_vreg.gather [hbm4b:s3+s2], $0x80, v3, vm0, $0xb8;
	[tilespmem:$0x10100] =	vst v63  }
0x116: {  	_ = 	snop  }
0x117: {  	[tilespmem:s16], [sflag:$0x1] =	stream.indirect_vreg.gather [hbm4b:s4+s2], $0x80, v3, vm0, $0xb8;
	[tilespmem:$0x10100] =	vst v63  }
0x118: {  	_ = 	snop  }
0x119: {  	[tilespmem:s17], [sflag:$0x1] =	stream.indirect_vreg.gather [hbm4b:s5+s2], $0x80, v3, vm0, $0xb8;
	[tilespmem:$0x10100] =	vst v63  }
0x11a: {  	_ = 	snop  }
0x11b: {  	[tilespmem:s18], [sflag:$0x1] =	stream.indirect_vreg.gather [hbm4b:s6+s2], $0x80, v3, vm0, $0xb8;
	[tilespmem:$0x10100] =	vst v63  }
0x11c: {  	_ =	swait.ge [sflag:s21], $0x8000  }
0x11d: {  	[sflag:s21] =	ssyncset.done $0x0  }
0x11e: {  	s29 =	rddreg [dreg:$0xa];
	[sflag:s21] =	ssyncadd.s32 $0xFFFF8000  }
0x11f: {  	[hbm4b:s29+s2] =	stream.linear.scatter [tilespmem:s26], [sflag:$0x4], $0x8000, $0x38;
	[tilespmem:$0x10100] =	vst v63  }
0x120: {  	_ =	swait.ge [sflag:s22], $0x8000  }
0x121: {  	[sflag:s22] =	ssyncset.done $0x0  }
0x122: {  	s30 =	rddreg [dreg:$0xb];
	[sflag:s22] =	ssyncadd.s32 $0xFFFF8000  }
0x123: {  	[tilespmem:s0], [sflag:$0x5] =	stream.linear.gather [hbm4b:s30+s2], $0x20, $0x38;
	[tilespmem:$0x10100] =	vst v63  }
0x124: {  	_ =	swait.ge [sflag:s8], $0x20  }
0x125: {  	[sflag:s8] =	ssyncset.done $0x0  }
0x126: {  	[sflag:s8] =	ssyncadd.s32 $0xFFFFFFE0  }
0x127: {  	v3 =	vld [tilespmem:$0x80];
	_ =	sdelay $0x4  }
0x128: {  	v58 =	vshll.u32 v3, $0x3  }
0x129: {  	v3 =	vand.u32 $0x7, v3;
	v4 =	vand.u32 $0xFFFFFFC0, v58  }
0x12a: {  	v3 =	vor.u32 v3, v4  }
0x12b: {  	v4 =	vperm.xlane v3, v0;
	_ =	sdelay $0x1  }
0x12c: {  	v4 =	vadd.s32 v1, v4;
	_ =	sdelay $0x4  }
0x12d: {  	[tilespmem:s26], [sflag:$0x2] =	stream.indirect_vreg.gather [hbm4b:s3+s2], $0x80, v4, vm0, $0xb8;
	[tilespmem:$0x10100] =	vst v63  }
0x12e: {  	s31 =	simm.s32 $0x8900;
	v3 =	vperm.xlane v3, v2  }
0x12f: {  	[tilespmem:s31], [sflag:$0x2] =	stream.indirect_vreg.gather [hbm4b:s4+s2], $0x80, v4, vm0, $0xb8;
	[tilespmem:$0x10100] =	vst v63  }
0x130: {  	s24 =	simm.s32 $0x9100;
	v3 =	vadd.s32 v1, v3  }
0x131: {  	[tilespmem:s24], [sflag:$0x2] =	stream.indirect_vreg.gather [hbm4b:s5+s2], $0x80, v4, vm0, $0xb8;
	[tilespmem:$0x10100] =	vst v63  }
0x132: {  	s24 =	simm.s32 $0x9900  }
0x133: {  	[tilespmem:s24], [sflag:$0x2] =	stream.indirect_vreg.gather [hbm4b:s6+s2], $0x80, v4, vm0, $0xb8;
	[tilespmem:$0x10100] =	vst v63  }
0x134: {  	s25 =	simm.s32 $0xA100  }
0x135: {  	[tilespmem:s25], [sflag:$0x2] =	stream.indirect_vreg.gather [hbm4b:s3+s2], $0x80, v3, vm0, $0xb8;
	[tilespmem:$0x10100] =	vst v63  }
0x136: {  	s29 =	simm.s32 $0xA900  }
0x137: {  	[tilespmem:s29], [sflag:$0x2] =	stream.indirect_vreg.gather [hbm4b:s4+s2], $0x80, v3, vm0, $0xb8;
	[tilespmem:$0x10100] =	vst v63  }
0x138: {  	s31 =	simm.s32 $0xB100  }
0x139: {  	[tilespmem:s31], [sflag:$0x2] =	stream.indirect_vreg.gather [hbm4b:s5+s2], $0x80, v3, vm0, $0xb8;
	[tilespmem:$0x10100] =	vst v63  }
0x13a: {  	s23 =	simm.s32 $0xB900  }
0x13b: {  	[tilespmem:s23], [sflag:$0x2] =	stream.indirect_vreg.gather [hbm4b:s6+s2], $0x80, v3, vm0, $0xb8;
	[tilespmem:$0x10100] =	vst v63  }
0x13c: {  	v3 =	vld [tilespmem:$0x90];
	_ =	sdelay $0x4  }
0x13d: {  	v59 =	vshll.u32 v3, $0x3  }
0x13e: {  	v3 =	vand.u32 $0x7, v3;
	v4 =	vand.u32 $0xFFFFFFC0, v59  }
0x13f: {  	v3 =	vor.u32 v3, v4  }
0x140: {  	v4 =	vperm.xlane v3, v0;
	_ =	sdelay $0x1  }
0x141: {  	v4 =	vadd.s32 v1, v4;
	_ =	sdelay $0x3  }
0x142: {  	s23 =	simm.s32 $0xC100  }
0x143: {  	[tilespmem:s23], [sflag:$0x2] =	stream.indirect_vreg.gather [hbm4b:s3+s2], $0x80, v4, vm0, $0xb8;
	[tilespmem:$0x10100] =	vst v63  }
0x144: {  	v3 =	vperm.xlane v3, v2;
	s23 =	simm.s32 $0xC900  }
0x145: {  	[tilespmem:s23], [sflag:$0x2] =	stream.indirect_vreg.gather [hbm4b:s4+s2], $0x80, v4, vm0, $0xb8;
	[tilespmem:$0x10100] =	vst v63  }
0x146: {  	v3 =	vadd.s32 v1, v3;
	s23 =	simm.s32 $0xD100  }
0x147: {  	[tilespmem:s23], [sflag:$0x2] =	stream.indirect_vreg.gather [hbm4b:s5+s2], $0x80, v4, vm0, $0xb8;
	[tilespmem:$0x10100] =	vst v63  }
0x148: {  	s23 =	simm.s32 $0xD900  }
0x149: {  	[tilespmem:s23], [sflag:$0x2] =	stream.indirect_vreg.gather [hbm4b:s6+s2], $0x80, v4, vm0, $0xb8;
	[tilespmem:$0x10100] =	vst v63  }
0x14a: {  	s23 =	simm.s32 $0xE100  }
0x14b: {  	[tilespmem:s23], [sflag:$0x2] =	stream.indirect_vreg.gather [hbm4b:s3+s2], $0x80, v3, vm0, $0xb8;
	[tilespmem:$0x10100] =	vst v63  }
0x14c: {  	s23 =	simm.s32 $0xE900  }
0x14d: {  	[tilespmem:s23], [sflag:$0x2] =	stream.indirect_vreg.gather [hbm4b:s4+s2], $0x80, v3, vm0, $0xb8;
	[tilespmem:$0x10100] =	vst v63  }
0x14e: {  	s23 =	simm.s32 $0xF100  }
0x14f: {  	[tilespmem:s23], [sflag:$0x2] =	stream.indirect_vreg.gather [hbm4b:s5+s2], $0x80, v3, vm0, $0xb8;
	[tilespmem:$0x10100] =	vst v63  }
0x150: {  	s23 =	simm.s32 $0xF900  }
0x151: {  	[tilespmem:s23], [sflag:$0x2] =	stream.indirect_vreg.gather [hbm4b:s6+s2], $0x80, v3, vm0, $0xb8;
	[tilespmem:$0x10100] =	vst v63  }
0x152: {  	_ =	swait.ge [sflag:s19], $0x8000  }
0x153: {  	[sflag:s19] =	ssyncset.done $0x0  }
0x154: {  	s23 =	rddreg [dreg:$0xc];
	[sflag:s19] =	ssyncadd.s32 $0xFFFF8000  }
0x155: {  	[hbm4b:s23+s2] =	stream.linear.scatter [tilespmem:s28], [sflag:$0x3], $0x8000, $0x38;
	[tilespmem:$0x10100] =	vst v63  }
0x156: {  	_ =	swait.ge [sflag:s20], $0x8000  }
0x157: {  	[sflag:s20] =	ssyncset.done $0x0  }
0x158: {  	s23 =	rddreg [dreg:$0xd];
	[sflag:s20] =	ssyncadd.s32 $0xFFFF8000  }
0x159: {  	[tilespmem:s2], [sflag:$0x5] =	stream.linear.gather [hbm4b:s23+s2], $0x20, $0x38;
	[tilespmem:$0x10100] =	vst v63  }
0x15a: {  	_ =	swait.ge [sflag:s8], $0x20  }
0x15b: {  	[sflag:s8] =	ssyncset.done $0x0  }
0x15c: {  	[sflag:s8] =	ssyncadd.s32 $0xFFFFFFE0  }
0x15d: {  	v3 =	vld [tilespmem:$0x0];
	_ =	sdelay $0x4  }
0x15e: {  	v60 =	vshll.u32 v3, $0x3  }
0x15f: {  	v3 =	vand.u32 $0x7, v3;
	v4 =	vand.u32 $0xFFFFFFC0, v60  }
0x160: {  	v3 =	vor.u32 v3, v4  }
0x161: {  	v4 =	vperm.xlane v3, v0;
	_ =	sdelay $0x1  }
0x162: {  	v4 =	vadd.s32 v1, v4;
	_ =	sdelay $0x4  }
0x163: {  	[tilespmem:s28], [sflag:$0x1] =	stream.indirect_vreg.gather [hbm4b:s3+s2], $0x80, v4, vm0, $0xb8;
	[tilespmem:$0x10100] =	vst v63  }
0x164: {  	s23 =	simm.s32 $0x900;
	v3 =	vperm.xlane v3, v2  }
0x165: {  	[tilespmem:s23], [sflag:$0x1] =	stream.indirect_vreg.gather [hbm4b:s4+s2], $0x80, v4, vm0, $0xb8;
	[tilespmem:$0x10100] =	vst v63  }
0x166: {  	s1 =	simm.s32 $0x1100;
	v3 =	vadd.s32 v1, v3  }
0x167: {  	[tilespmem:s1], [sflag:$0x1] =	stream.indirect_vreg.gather [hbm4b:s5+s2], $0x80, v4, vm0, $0xb8;
	[tilespmem:$0x10100] =	vst v63  }
0x168: {  	s9 =	simm.s32 $0x1900  }
0x169: {  	[tilespmem:s9], [sflag:$0x1] =	stream.indirect_vreg.gather [hbm4b:s6+s2], $0x80, v4, vm0, $0xb8;
	[tilespmem:$0x10100] =	vst v63  }
0x16a: {  	s10 =	simm.s32 $0x2100  }
0x16b: {  	[tilespmem:s10], [sflag:$0x1] =	stream.indirect_vreg.gather [hbm4b:s3+s2], $0x80, v3, vm0, $0xb8;
	[tilespmem:$0x10100] =	vst v63  }
0x16c: {  	s11 =	simm.s32 $0x2900  }
0x16d: {  	[tilespmem:s11], [sflag:$0x1] =	stream.indirect_vreg.gather [hbm4b:s4+s2], $0x80, v3, vm0, $0xb8;
	[tilespmem:$0x10100] =	vst v63  }
0x16e: {  	s12 =	simm.s32 $0x3100  }
0x16f: {  	[tilespmem:s12], [sflag:$0x1] =	stream.indirect_vreg.gather [hbm4b:s5+s2], $0x80, v3, vm0, $0xb8;
	[tilespmem:$0x10100] =	vst v63  }
0x170: {  	s23 =	simm.s32 $0x3900  }
0x171: {  	[tilespmem:s23], [sflag:$0x1] =	stream.indirect_vreg.gather [hbm4b:s6+s2], $0x80, v3, vm0, $0xb8;
	[tilespmem:$0x10100] =	vst v63  }
0x172: {  	v3 =	vld [tilespmem:$0x10];
	_ =	sdelay $0x4  }
0x173: {  	v61 =	vshll.u32 v3, $0x3  }
0x174: {  	v3 =	vand.u32 $0x7, v3;
	v4 =	vand.u32 $0xFFFFFFC0, v61  }
0x175: {  	v3 =	vor.u32 v3, v4  }
0x176: {  	v4 =	vperm.xlane v3, v0;
	_ =	sdelay $0x1  }
0x177: {  	v4 =	vadd.s32 v1, v4;
	_ =	sdelay $0x3  }
0x178: {  	s9 =	simm.s32 $0x4100  }
0x179: {  	[tilespmem:s9], [sflag:$0x1] =	stream.indirect_vreg.gather [hbm4b:s3+s2], $0x80, v4, vm0, $0xb8;
	[tilespmem:$0x10100] =	vst v63  }
0x17a: {  	s10 =	simm.s32 $0x4900;
	v3 =	vperm.xlane v3, v2  }
0x17b: {  	[tilespmem:s10], [sflag:$0x1] =	stream.indirect_vreg.gather [hbm4b:s4+s2], $0x80, v4, vm0, $0xb8;
	[tilespmem:$0x10100] =	vst v63  }
0x17c: {  	s13 =	simm.s32 $0x5100;
	v3 =	vadd.s32 v1, v3  }
0x17d: {  	[tilespmem:s13], [sflag:$0x1] =	stream.indirect_vreg.gather [hbm4b:s5+s2], $0x80, v4, vm0, $0xb8;
	[tilespmem:$0x10100] =	vst v63  }
0x17e: {  	s14 =	simm.s32 $0x5900  }
0x17f: {  	[tilespmem:s14], [sflag:$0x1] =	stream.indirect_vreg.gather [hbm4b:s6+s2], $0x80, v4, vm0, $0xb8;
	[tilespmem:$0x10100] =	vst v63  }
0x180: {  	s15 =	simm.s32 $0x6100  }
0x181: {  	[tilespmem:s15], [sflag:$0x1] =	stream.indirect_vreg.gather [hbm4b:s3+s2], $0x80, v3, vm0, $0xb8;
	[tilespmem:$0x10100] =	vst v63  }
0x182: {  	s16 =	simm.s32 $0x6900  }
0x183: {  	[tilespmem:s16], [sflag:$0x1] =	stream.indirect_vreg.gather [hbm4b:s4+s2], $0x80, v3, vm0, $0xb8;
	[tilespmem:$0x10100] =	vst v63  }
0x184: {  	s17 =	simm.s32 $0x7100  }
0x185: {  	[tilespmem:s17], [sflag:$0x1] =	stream.indirect_vreg.gather [hbm4b:s5+s2], $0x80, v3, vm0, $0xb8;
	[tilespmem:$0x10100] =	vst v63  }
0x186: {  	s18 =	simm.s32 $0x7900  }
0x187: {  	[tilespmem:s18], [sflag:$0x1] =	stream.indirect_vreg.gather [hbm4b:s6+s2], $0x80, v3, vm0, $0xb8;
	[tilespmem:$0x10100] =	vst v63  }
0x188: {  	_ =	swait.ge [sflag:s21], $0x8000  }
0x189: {  	[sflag:s21] =	ssyncset.done $0x0  }
0x18a: {  	s11 =	rddreg [dreg:$0xe];
	[sflag:s21] =	ssyncadd.s32 $0xFFFF8000  }
0x18b: {  	[hbm4b:s11+s2] =	stream.linear.scatter [tilespmem:s26], [sflag:$0x4], $0x8000, $0x38;
	[tilespmem:$0x10100] =	vst v63  }
0x18c: {  	_ =	swait.ge [sflag:s22], $0x8000  }
0x18d: {  	[sflag:s22] =	ssyncset.done $0x0  }
0x18e: {  	s0 =	simm.s32 $0x80;
	s12 =	rddreg [dreg:$0xf];
	[sflag:s22] =	ssyncadd.s32 $0xFFFF8000  }
0x18f: {  	[tilespmem:s0], [sflag:$0x5] =	stream.linear.gather [hbm4b:s12+s2], $0x20, $0x38;
	[tilespmem:$0x10100] =	vst v63  }
0x190: {  	_ =	swait.ge [sflag:s8], $0x20  }
0x191: {  	[sflag:s8] =	ssyncset.done $0x0  }
0x192: {  	[sflag:s8] =	ssyncadd.s32 $0xFFFFFFE0  }
0x193: {  	v3 =	vld [tilespmem:$0x80];
	_ =	sdelay $0x4  }
0x194: {  	v62 =	vshll.u32 v3, $0x3  }
0x195: {  	v3 =	vand.u32 $0x7, v3;
	v4 =	vand.u32 $0xFFFFFFC0, v62  }
0x196: {  	v3 =	vor.u32 v3, v4  }
0x197: {  	v4 =	vperm.xlane v3, v0;
	_ =	sdelay $0x1  }
0x198: {  	v4 =	vadd.s32 v1, v4;
	_ =	sdelay $0x4  }
0x199: {  	[tilespmem:s26], [sflag:$0x2] =	stream.indirect_vreg.gather [hbm4b:s3+s2], $0x80, v4, vm0, $0xb8;
	[tilespmem:$0x10100] =	vst v63  }
0x19a: {  	s13 =	simm.s32 $0x8900;
	v3 =	vperm.xlane v3, v2  }
0x19b: {  	[tilespmem:s13], [sflag:$0x2] =	stream.indirect_vreg.gather [hbm4b:s4+s2], $0x80, v4, vm0, $0xb8;
	[tilespmem:$0x10100] =	vst v63  }
0x19c: {  	s30 =	simm.s32 $0x9100;
	v3 =	vadd.s32 v1, v3  }
0x19d: {  	[tilespmem:s30], [sflag:$0x2] =	stream.indirect_vreg.gather [hbm4b:s5+s2], $0x80, v4, vm0, $0xb8;
	[tilespmem:$0x10100] =	vst v63  }
0x19e: {  	s24 =	simm.s32 $0x9900  }
0x19f: {  	[tilespmem:s24], [sflag:$0x2] =	stream.indirect_vreg.gather [hbm4b:s6+s2], $0x80, v4, vm0, $0xb8;
	[tilespmem:$0x10100] =	vst v63  }
0x1a0: {  	s25 =	simm.s32 $0xA100  }
0x1a1: {  	[tilespmem:s25], [sflag:$0x2] =	stream.indirect_vreg.gather [hbm4b:s3+s2], $0x80, v3, vm0, $0xb8;
	[tilespmem:$0x10100] =	vst v63  }
0x1a2: {  	s29 =	simm.s32 $0xA900  }
0x1a3: {  	[tilespmem:s29], [sflag:$0x2] =	stream.indirect_vreg.gather [hbm4b:s4+s2], $0x80, v3, vm0, $0xb8;
	[tilespmem:$0x10100] =	vst v63  }
0x1a4: {  	s31 =	simm.s32 $0xB100  }
0x1a5: {  	[tilespmem:s31], [sflag:$0x2] =	stream.indirect_vreg.gather [hbm4b:s5+s2], $0x80, v3, vm0, $0xb8;
	[tilespmem:$0x10100] =	vst v63  }
0x1a6: {  	s14 =	simm.s32 $0xB900  }
0x1a7: {  	[tilespmem:s14], [sflag:$0x2] =	stream.indirect_vreg.gather [hbm4b:s6+s2], $0x80, v3, vm0, $0xb8;
	[tilespmem:$0x10100] =	vst v63  }
0x1a8: {  	v3 =	vld [tilespmem:$0x90];
	_ =	sdelay $0x4  }
0x1a9: {  	v63 =	vshll.u32 v3, $0x3  }
0x1aa: {  	v3 =	vand.u32 $0x7, v3;
	v4 =	vand.u32 $0xFFFFFFC0, v63  }
0x1ab: {  	v3 =	vor.u32 v3, v4  }
0x1ac: {  	v4 =	vperm.xlane v3, v0;
	_ =	sdelay $0x1  }
0x1ad: {  	v4 =	vadd.s32 v1, v4;
	_ =	sdelay $0x3  }
0x1ae: {  	s15 =	simm.s32 $0xC100  }
0x1af: {  	[tilespmem:s15], [sflag:$0x2] =	stream.indirect_vreg.gather [hbm4b:s3+s2], $0x80, v4, vm0, $0xb8;
	[tilespmem:$0x10100] =	vst v63  }
0x1b0: {  	s16 =	simm.s32 $0xC900;
	v3 =	vperm.xlane v3, v2  }
0x1b1: {  	[tilespmem:s16], [sflag:$0x2] =	stream.indirect_vreg.gather [hbm4b:s4+s2], $0x80, v4, vm0, $0xb8;
	[tilespmem:$0x10100] =	vst v63  }
0x1b2: {  	s17 =	simm.s32 $0xD100;
	v3 =	vadd.s32 v1, v3  }
0x1b3: {  	[tilespmem:s17], [sflag:$0x2] =	stream.indirect_vreg.gather [hbm4b:s5+s2], $0x80, v4, vm0, $0xb8;
	[tilespmem:$0x10100] =	vst v63  }
0x1b4: {  	s18 =	simm.s32 $0xD900  }
0x1b5: {  	[tilespmem:s18], [sflag:$0x2] =	stream.indirect_vreg.gather [hbm4b:s6+s2], $0x80, v4, vm0, $0xb8;
	[tilespmem:$0x10100] =	vst v63  }
0x1b6: {  	s23 =	simm.s32 $0xE100  }
0x1b7: {  	[tilespmem:s23], [sflag:$0x2] =	stream.indirect_vreg.gather [hbm4b:s3+s2], $0x80, v3, vm0, $0xb8;
	[tilespmem:$0x10100] =	vst v63  }
0x1b8: {  	s24 =	simm.s32 $0xE900  }
0x1b9: {  	[tilespmem:s24], [sflag:$0x2] =	stream.indirect_vreg.gather [hbm4b:s4+s2], $0x80, v3, vm0, $0xb8;
	[tilespmem:$0x10100] =	vst v63  }
0x1ba: {  	s25 =	simm.s32 $0xF100  }
0x1bb: {  	[tilespmem:s25], [sflag:$0x2] =	stream.indirect_vreg.gather [hbm4b:s5+s2], $0x80, v3, vm0, $0xb8;
	[tilespmem:$0x10100] =	vst v63  }
0x1bc: {  	s29 =	simm.s32 $0xF900  }
0x1bd: {  	[tilespmem:s29], [sflag:$0x2] =	stream.indirect_vreg.gather [hbm4b:s6+s2], $0x80, v3, vm0, $0xb8;
	[tilespmem:$0x10100] =	vst v63  }
0x1be: {  	_ =	swait.ge [sflag:s19], $0x8000  }
0x1bf: {  	[sflag:s19] =	ssyncset.done $0x0  }
0x1c0: {  	s30 =	rddreg [dreg:$0x10];
	[sflag:s19] =	ssyncadd.s32 $0xFFFF8000  }
0x1c1: {  	[hbm4b:s30+s2] =	stream.linear.scatter [tilespmem:s28], [sflag:$0x3], $0x8000, $0x38;
	[tilespmem:$0x10100] =	vst v63  }
0x1c2: {  	_ =	swait.ge [sflag:s21], $0x8000  }
0x1c3: {  	[sflag:s21] =	ssyncset.done $0x0  }
0x1c4: {  	s31 =	rddreg [dreg:$0x11];
	[sflag:s21] =	ssyncadd.s32 $0xFFFF8000  }
0x1c5: {  	[hbm4b:s31+s2] =	stream.linear.scatter [tilespmem:s26], [sflag:$0x4], $0x8000, $0x38;
	[tilespmem:$0x10100] =	vst v63  }
0x1c6: {  	p0 =	sne.s32 s7, $0x1;
	_ =	swait.ge [sflag:s20], $0x8000  }
.Ltmp0:
0x1c7: {  	[sflag:s20] =	ssyncset.done $0x0;
	(pc) =	sbr.rel @p0 .LBB2_1-.Ltmp0, $4  }
0x1c8: {  	[sflag:s20] =	ssyncadd.s32 $0xFFFF8000  }
0x1c9: {  	_ =	swait.ge [sflag:s22], $0x8000  }
0x1ca: {  	[sflag:s22] =	ssyncset.done $0x0  }
0x1cb: {  	s7 =	sadd.s32 $0xFFFFFFFF, s7;
	[sflag:s22] =	ssyncadd.s32 $0xFFFF8000  }
0x1cc: {  	_ =	sfence.sel $0x180000  }
0x1cd: {  	[bflag:$0x0] =	sbarrier.arrive $0xFFFF  }
0x1ce: {  	_ =	strace $0x9000004A  }
0x1cf: {  	s0 =	stileid.u32;
	[bflag:$0x2] =	sbarrier.arrive $0xFFFF  }
0x1d0: {  	p0 =	sne.s32 s0, $0x0;
	s0 =	rddreg [dreg:$0x1]  }
0x1d1: {  	s0 =	sadd.s32 @!p0 $0x100000, s0  }
0x1d2: {  	[sflag:s0] =	ssyncadd.tile.s32 @!p0 $0x1;
	_ =	shalt  }
.Lfunc_end2:
_tile_overlayer_lowered:
.L_overlay_start_2:
0x1d3: {  	(tag) =	ssettag $0x2  }
0x1d4: {  	s0 =	rddreg [dreg:$0x0];
	s2 =	stileid.u32  }
0x1d5: {  	s1 =	rddreg [dreg:$0x1];
	p0 =	sne.s32 s2, $0x0  }
0x1d6: {  	s3 =	rddreg [dreg:$0x2];
	[bflag:$0x3] =	sbarrier.arrive $0xFFFF;
	s2 =	simm.s32 @!p0 $0x1C05  }
0x1d7: {  	[timem:s3], [sflag:s2] =	dma.local @!p0 [hbm:s0], s1  }
0x1d8: {  	s0 =	simm.s32 @!p0 $0x5  }
0x1d9: {  	_ =	swait.ge @!p0 [sflag:s0], s1  }
0x1da: {  	s1 =	ssub.s32 @!p0 $0x0, s1;
	[sflag:s0] =	ssyncset.done @!p0 $0x0  }
0x1db: {  	[sflag:s0] =	ssyncadd.s32 @!p0 s1  }
0x1dc: {  	[bflag:$0x3] =	sbarrier.arrive $0xFFFF  }
0x1dd: {  	_ =	shalt  }

// kernel: kernel.7.cloned.1.call-start
scs
__scs_entry_jumppad:
0x0: {  	(pc) =	sbr.rel $0x88, $3  }
0x1: {  	(tag) =	ssettag $0x0;
	lr =	simm.s32 $0x1  }
0x2: {  	[smem:$0x3F98] =	sst lr;
	_ =	strace $0xD0000000  }
0x3: {  	_ = 	snop  }
0x4: {  	_ = 	snop  }
0x5: {  	_ = 	snop  }
0x6: {  	_ = 	snop  }
0x7: {  	_ = 	snop  }
__scs_overlays_trampoline_lowered:
0x8: {  	[smem:$0x3FA7] =	sst s0  }
0x9: {  	[smem:$0x3FA8] =	sst s1  }
0xa: {  	[smem:$0x3FA9] =	sst s2  }
0xb: {  	[smem:$0x3FAA] =	sst s3  }
0xc: {  	[smem:$0x3FAB] =	sst s4  }
0xd: {  	[smem:$0x3FAC] =	sst s5  }
0xe: {  	[smem:$0x3FAD] =	sst s6  }
0xf: {  	[smem:$0x3FAE] =	sst s7  }
0x10: {  	[smem:$0x3FAF] =	sst s8  }
0x11: {  	[smem:$0x3FB0] =	sst s9;
	s0 =	simm.s32 @!p0 $0x0  }
0x12: {  	s1 =	sld [smem:$0x3F96];
	s0 =	simm.s32 @p0 $0x1  }
0x13: {  	[smem:$0x3FB1] =	sst s0;
	s0 =	simm.s32 @!p1 $0x0  }
0x14: {  	s2 =	sld [smem:$0x3F95];
	s0 =	simm.s32 @p1 $0x1  }
0x15: {  	[smem:$0x3FB2] =	sst s0;
	s0 =	simm.s32 @!p2 $0x0  }
0x16: {  	s3 =	sld [smem:$0x3FDB];
	s0 =	simm.s32 @p2 $0x1  }
0x17: {  	s4 =	simm.s32 $0x1BF5;
	[smem:$0x3FB4] =	sst s0  }
0x18: {  	s0 =	sld [smem:$0x3F97];
	_ =	swait.ge [sflag:s4], $0x0  }
0x19: {  	s7 =	sld [smem:$0x3F98]  }
0x1a: {  	s8 =	sadd.s32 $0xFFFFE003, lr  }
0x1b: {  	s9 =	sadd.s32 $0xFFFFFEF7, lr;
	s5 =	simm.s32 $0xFFFFFFFF;
	p2 =	slt.u32 s8, $0xFFFFF086  }
0x1c: {  	p1 =	slt.u32 s9, $0xF7A;
	s5 =	simm.s32 @!p2 $0x0  }
0x1d: {  	s5 =	simm.s32 @p1 $0x1;
	p0 =	seq.s32 s7, s2  }
0x1e: {  	s7 =	smul.u32 @!p0 $0xF7A, s2;
	p2 =	seq.s32 @!p0 s5, $0x0  }
0x1f: {  	s9 =	smul.u32 $0xF7A, s1;
	s8 =	simm.s32 @!p0 $0x1BF5;
	p2 =	por !p2, p0  }
0x20: {  	[sflag:s8] =	ssyncset.s32 @!p0 $0xFFFFF086;
	s6 =	sadd.s32 @!p0 s3, s7;
	s7 =	simm.s32 @!p0 $0x108  }
0x21: {  	s3 =	sadd.s32 s3, s9;
	s6 =	sadd.s32 @!p0 $0x88, s6;
	s7 =	simm.s32 @p2 $0x1082  }
0x22: {  	[simem:s7], [sflag:s8] =	dma.local @!p0 [hbm:s6], $0xF7A  }
0x23: {  	s9 =	sor.u32 $0xD0000000, s2;
	s6 =	simm.s32 $0x108;
	_ =	swait.ge @!p0 [sflag:s8], $0x0  }
0x24: {  	s3 =	sadd.s32 $0x88, s3;
	s6 =	simm.s32 @!p1 $0x1082;
	[sflag:s4] =	ssyncset.s32 $0xFFFFF086  }
0x25: {  	[simem:s6], [sflag:s4] =	dma.local [hbm:s3], $0xF7A  }
0x26: {  	[smem:$0x3F98] =	sst s1;
	(tag) =	ssettag s2;
	_ =	strace s9  }
0x27: {  	s1 =	sld [smem:$0x3FA8]  }
0x28: {  	s2 =	sld [smem:$0x3FA9]  }
0x29: {  	s4 =	sld [smem:$0x3FAB]  }
0x2a: {  	p0 =	seq.s32 s5, $0x0;
	s5 =	sld [smem:$0x3FAC]  }
0x2b: {  	s6 =	sld [smem:$0x3FAD]  }
0x2c: {  	s7 =	sld [smem:$0x3FAE]  }
0x2d: {  	s3 =	simm.s32 $0x108;
	s8 =	sld [smem:$0x3FAF]  }
0x2e: {  	s3 =	simm.s32 @!p0 $0x1082;
	s9 =	sld [smem:$0x3FB0]  }
0x2f: {  	lr =	sadd.s32 s0, s3;
	s0 =	sld [smem:$0x3FA7]  }
0x30: {  	s3 =	sld [smem:$0x3FAA]  }
0x31: {  	[smem:$0x3FB3] =	sst s10  }
0x32: {  	s10 =	sld [smem:$0x3FB1];
	_ =	sdelay $0x3  }
0x33: {  	p0 =	seq.s32 s10, $0x1;
	s10 =	sld [smem:$0x3FB3];
	_ =	sdelay $0x3  }
0x34: {  	[smem:$0x3FB3] =	sst s10  }
0x35: {  	s10 =	sld [smem:$0x3FB2];
	_ =	sdelay $0x3  }
0x36: {  	p1 =	seq.s32 s10, $0x1;
	s10 =	sld [smem:$0x3FB3];
	_ =	sdelay $0x3  }
0x37: {  	[smem:$0x3FB3] =	sst s10  }
0x38: {  	s10 =	sld [smem:$0x3FB4]  }
0x39: {  	_ = 	snop;
	(pc) =	sbr.ind lr, $3  }
0x3a: {  	_ = 	snop  }
0x3b: {  	_ = 	snop  }
0x3c: {  	p2 =	seq.s32 s10, $0x1;
	s10 =	sld [smem:$0x3FB3]  }
0x3d: {  	_ =	shalt  }
0x3e: {  	_ =	shalt  }
0x3f: {  	_ =	shalt  }
0x40: {  	_ =	shalt  }
0x41: {  	_ =	shalt  }
0x42: {  	_ =	shalt  }
0x43: {  	_ =	shalt  }
0x44: {  	_ =	shalt  }
0x45: {  	_ =	shalt  }
0x46: {  	_ =	shalt  }
0x47: {  	_ =	shalt  }
0x48: {  	_ =	shalt  }
0x49: {  	_ =	shalt  }
0x4a: {  	_ =	shalt  }
0x4b: {  	_ =	shalt  }
0x4c: {  	_ =	shalt  }
0x4d: {  	_ =	shalt  }
0x4e: {  	_ =	shalt  }
0x4f: {  	_ =	shalt  }
0x50: {  	_ =	shalt  }
0x51: {  	_ =	shalt  }
0x52: {  	_ =	shalt  }
0x53: {  	_ =	shalt  }
0x54: {  	_ =	shalt  }
0x55: {  	_ =	shalt  }
0x56: {  	_ =	shalt  }
0x57: {  	_ =	shalt  }
0x58: {  	_ =	shalt  }
0x59: {  	_ =	shalt  }
0x5a: {  	_ =	shalt  }
0x5b: {  	_ =	shalt  }
0x5c: {  	_ =	shalt  }
0x5d: {  	_ =	shalt  }
0x5e: {  	_ =	shalt  }
0x5f: {  	_ =	shalt  }
0x60: {  	_ =	shalt  }
0x61: {  	_ =	shalt  }
0x62: {  	_ =	shalt  }
0x63: {  	_ =	shalt  }
0x64: {  	_ =	shalt  }
0x65: {  	_ =	shalt  }
0x66: {  	_ =	shalt  }
0x67: {  	_ =	shalt  }
0x68: {  	_ =	shalt  }
0x69: {  	_ =	shalt  }
0x6a: {  	_ =	shalt  }
0x6b: {  	_ =	shalt  }
0x6c: {  	_ =	shalt  }
0x6d: {  	_ =	shalt  }
0x6e: {  	_ =	shalt  }
0x6f: {  	_ =	shalt  }
0x70: {  	_ =	shalt  }
0x71: {  	_ =	shalt  }
0x72: {  	_ =	shalt  }
0x73: {  	_ =	shalt  }
0x74: {  	_ =	shalt  }
0x75: {  	_ =	shalt  }
0x76: {  	_ =	shalt  }
0x77: {  	_ =	shalt  }
0x78: {  	_ =	shalt  }
0x79: {  	_ =	shalt  }
0x7a: {  	_ =	shalt  }
0x7b: {  	_ =	shalt  }
0x7c: {  	_ =	shalt  }
0x7d: {  	_ =	shalt  }
0x7e: {  	_ =	shalt  }
0x7f: {  	_ =	shalt  }
0x80: {  	_ =	shalt  }
0x81: {  	_ =	shalt  }
0x82: {  	_ =	shalt  }
0x83: {  	_ =	shalt  }
0x84: {  	_ =	shalt  }
0x85: {  	_ =	shalt  }
0x86: {  	_ =	shalt  }
0x87: {  	_ =	shalt  }
.Lfunc_end0:
.L_simem_size_0:
called_computation_lowered:
.L_overlay_start_0:
0x88: {  	s2 =	sld [smem:$0x3FD9]  }
0x89: {  	s3 =	sld [smem:$0x3FFE];
	_ =	sdelay $0x1  }
0x8a: {  	s1 =	srdreg.scid  }
0x8b: {  	s0 =	sand.u32 $0x1, s1  }
0x8c: {  	s17 =	sshll.u32 s0, $0xA;
	s2 =	sadd.s32 s3, s2  }
0x8d: {  	s2 =	sadd.s32 s2, s17  }
0x8e: {  	[smem:$0x3FBF] =	sst s2  }
0x8f: {  	_ = 	snop  }
0x90: {  	s2 =	sld [smem:$0x3FC9];
	(tm) =	ssettm $0x1  }
0x91: {  	s18 =	sld [smem:$0x3FFB];
	_ =	sdelay $0x3  }
0x92: {  	_ =	strace s18  }
0x93: {  	s3 =	sld [smem:$0x3FFC];
	_ =	sdelay $0x3  }
0x94: {  	_ =	strace s3  }
0x95: {  	s3 =	sld [smem:$0x3FFD];
	_ =	sdelay $0x3  }
0x96: {  	_ =	strace s3  }
0x97: {  	_ =	strace $0x8FFFFFFF  }
0x98: {  	s19 =	sld [smem:$0x3FDB];
	_ =	sdelay $0x1  }
0x99: {  	s4 =	simm.s32 $_scs_section_size  }
0x9a: {  	s5 =	simm.s32 $_size__tile_overlayer_lowered;
	s6 =	simm.s32 $_tile_overlayer_lowered  }
0x9b: {  	s22 =	simm.s32 $0x1BFF;
	s21 =	sshll.u32 s6, $0x1;
	s3 =	sadd.s32 s4, s19  }
0x9c: {  	s7 =	simm.s32 $0x0;
	s20 =	sshll.u32 s5, $0x1;
	s5 =	sadd.s32 s21, s3  }
0x9d: {  	[timem:s7], [sflag:s22] =	dma.local [hbm:s5], s20  }
0x9e: {  	_ =	swait.ge [sflag:s22], s20  }
0x9f: {  	s4 =	ssub.s32 $0x0, s20;
	[sflag:s22] =	ssyncset.done $0x0  }
0xa0: {  	[sflag:s22] =	ssyncadd.s32 s4;
	_ =	sdelay $0x1  }
0xa1: {  	s23 =	simm.s32 $0x1B8B  }
0xa2: {  	_ =	swait.ge [sflag:s23], $0x1  }
0xa3: {  	[sflag:s23] =	ssyncset.done $0x0  }
0xa4: {  	s25 =	simm.s32 $0x1B8E;
	s24 =	sld [smem:$0x3FFE];
	[sflag:s23] =	ssyncadd.s32 $0xFFFFFFFF  }
0xa5: {  	s26 =	simm.s32 $execute0_lowered;
	[smem:$0x3FD2] =	sst s25  }
0xa6: {  	s5 =	sshll.u32 s26, $0x1;
	_ =	strace $0x80000046;
	[dreg:$0x1] =	wrdreg $0xFFFFFFFF  }
0xa7: {  	s28 =	simm.s32 $_size_execute0_lowered;
	s3 =	sadd.s32 s3, s5;
	[dreg:$0x0] =	wrdreg $0x0  }
0xa8: {  	s5 =	sshll.u32 s28, $0x1;
	[dreg:$0x2] =	wrdreg s3  }
0xa9: {  	[dreg:$0x3] =	wrdreg s5  }
0xaa: {  	[dreg:$0x4] =	wrdreg $0xC0  }
0xab: {  	_ =	task [dreg:s7], $0x5FFFF  }
0xac: {  	[dreg:$0x1] =	wrdreg $0xFFFFFFFF  }
0xad: {  	[dreg:$0x0] =	wrdreg $0x60  }
0xae: {  	[dreg:$0x2] =	wrdreg s2  }
0xaf: {  	[dreg:$0x3] =	wrdreg s24  }
0xb0: {  	[dreg:$0x4] =	wrdreg $0x9  }
0xb1: {  	_ =	task.clear_ibuf [dreg:s7], $0x5FFFF;
	_ =	strace $0x90000046  }
0xb2: {  	s29 =	simm.s32 $0x9;
	_ =	strace $0x80000048  }
0xb3: {  	_ =	swait.ge [sflag:s29], $0x1  }
0xb4: {  	[sflag:s29] =	ssyncadd.s32 $0xFFFFFFFF  }
0xb5: {  	_ =	strace $0x90000048  }
0xb6: {  	_ =	sfence  }
0xb7: {  	s30 =	sld [smem:$0x0];
	_ =	sdelay $0x2  }
0xb8: {  	s31 =	sshll.u32 s1, $0xD;
	s1 =	sshrl.u32 s1, $0x2  }
0xb9: {  	s3 =	sand.u32 $0x4000, s31;
	s1 =	sadd.s32 s1, s30  }
0xba: {  	s0 =	sor.u32 s3, s0;
	s1 =	sshll.u32 s1, $0x11  }
0xbb: {  	s0 =	sor.u32 s1, s0  }
0xbc: {  	s0 =	sadd.s32 $0x8F2B, s0  }
0xbd: {  	[sflag:s0] =	ssyncadd.remote.s32 $0x1  }
0xbe: {  	_ =	sfence.sel $0xFFFF  }
0xbf: {  	[dreg:$0x0] =	wrdreg $0xFFFFFFFF;
	(pc) =	sbr.abs _section_cstart, $3  }
0xc0: {  	[dreg:$0x1] =	wrdreg $0xFFFFFFFF  }
0xc1: {  	_ =	task.clear_ibuf [dreg:s7], $0x2FFFF;
	_ =	strace $0x9FFFFFFF  }
0xc2: {  	(tm) =	ssettm $0x7FFFFFFF  }
0xc3: {  	_ =	shalt  }
tec
execute0_lowered:
.L_overlay_start_1:
0x0: {  	(tag) =	ssettag $0x1  }
0x1: {  	s0 =	srdreg.scid;
	s1 =	rddreg [dreg:$0x0]  }
0x2: {  	s2 =	stileid.u32;
	s6 =	rddreg [dreg:$0x1];
	s28 =	simm.s32 $0x1  }
0x3: {  	s29 =	simm.s32 $0x200;
	s30 =	simm.s32 $0x2200;
	s31 =	simm.s32 $0x2A00  }
0x4: {  	s0 =	sand.u32 $0x1, s0;
	s3 =	sshll.u32 s2, $0x8;
	s2 =	simm.s32 $0x0  }
0x5: {  	s5 =	sadd.s32 $0x63C00, s6;
	s8 =	sadd.s32 $0x63E00, s6;
	s4 =	sshll.u32 s0, $0x7  }
0x6: {  	[smem:$0x7FF] =	sst s2;
	s0 =	ssub.s32 $0x2, s0;
	s4 =	sor.u32 s4, s3  }
0x7: {  	_ =	strace $0x80000047;
	s11 =	sshrl.u32 s0, $0x1;
	s3 =	sshrl.u32 s4, $0x3  }
0x8: {  	s14 =	sshll.u32 s4, $0x7;
	s9 =	sor.u32 $0x20, s4;
	s20 =	sor.u32 $0x40, s4  }
0x9: {  	s4 =	sor.u32 $0x60, s4;
	s0 =	ssub.s32 s0, s11;
	s7 =	sadd.s32 s5, s3  }
0xa: {  	s3 =	sadd.s32 s8, s3;
	s15 =	sadd.s32 s1, s14;
	[dreg:$0x3] =	wrdreg s7  }
0xb: {  	s16 =	sshrl.u32 s9, $0x3;
	s19 =	sshll.u32 s9, $0x7;
	[dreg:$0x4] =	wrdreg s3  }
0xc: {  	s22 =	sshrl.u32 s20, $0x3;
	[dreg:$0x5] =	wrdreg s15;
	s17 =	sadd.s32 s5, s16  }
0xd: {  	s9 =	sshll.u32 s20, $0x7;
	s18 =	sadd.s32 s8, s16;
	[dreg:$0x6] =	wrdreg s17  }
0xe: {  	s24 =	sshrl.u32 s4, $0x3;
	s21 =	sadd.s32 s1, s19;
	[dreg:$0x7] =	wrdreg s18  }
0xf: {  	s26 =	sshll.u32 s4, $0x7;
	s10 =	sadd.s32 s5, s22;
	[dreg:$0x8] =	wrdreg s21  }
0x10: {  	s4 =	sadd.s32 $0x64100, s6;
	s7 =	sadd.s32 s8, s22;
	[dreg:$0x9] =	wrdreg s10  }
0x11: {  	s20 =	simm.s32 $0x2;
	s23 =	sadd.s32 s1, s9;
	[dreg:$0xa] =	wrdreg s7  }
0x12: {  	s3 =	sadd.s32 $0x64000, s6;
	s5 =	sadd.s32 s5, s24;
	[dreg:$0xb] =	wrdreg s23  }
0x13: {  	s25 =	sadd.s32 s8, s24;
	s1 =	sadd.s32 s1, s26;
	[dreg:$0xc] =	wrdreg s5  }
0x14: {  	v2 =	vlaneseq.u32;
	s8 =	simm.s32 $0x3;
	s24 =	simm.s32 $0xC200;
	[dreg:$0xd] =	wrdreg s25  }
0x15: {  	vm0 =	vmmov $0xffff;
	v1 =	vshrl.u32 v2, $0x3;
	s5 =	sadd.s32 $0x64200, s6;
	s6 =	sadd.s32 $0x64300, s6;
	[dreg:$0xe] =	wrdreg s1  }
0x16: {  	v0 =	vand.u32 $0x7, v2;
	v2 =	vor.u32 $0x8, v2;
	v1 =	vmul.u32 $0x8, v1;
	s7 =	smax.u32 s0, $0x1;
	s23 =	simm.s32 $0xBA00;
	s25 =	simm.s32 $0xCA00  }
.LBB2_1:
0x17: {  	s21 =	rddreg [dreg:$0x3]  }
0x18: {  	[tilespmem:s2], [sflag:$0x3] =	stream.linear.gather [hbm4b:s21+s2], $0x20, $0x38;
	[tilespmem:$0x10200] =	vst v63  }
0x19: {  	_ =	swait.ge [sflag:s8], $0x20  }
0x1a: {  	[sflag:s8] =	ssyncset.done $0x0  }
0x1b: {  	s0 =	simm.s32 $0x100;
	s26 =	rddreg [dreg:$0x4];
	[sflag:s8] =	ssyncadd.s32 $0xFFFFFFE0  }
0x1c: {  	[tilespmem:s0], [sflag:$0x3] =	stream.linear.gather [hbm4b:s26+s2], $0x20, $0x38;
	[tilespmem:$0x10200] =	vst v63  }
0x1d: {  	_ =	swait.ge [sflag:s8], $0x20  }
0x1e: {  	[sflag:s8] =	ssyncset.done $0x0  }
0x1f: {  	s1 =	rddreg [dreg:$0x5];
	[sflag:s8] =	ssyncadd.s32 $0xFFFFFFE0  }
0x20: {  	[tilespmem:s29], [sflag:$0x3] =	stream.linear.gather [hbm4b:s1+s2], $0x8000, $0x38;
	[tilespmem:$0x10200] =	vst v63  }
0x21: {  	_ =	swait.ge [sflag:s8], $0x8000  }
0x22: {  	[sflag:s8] =	ssyncset.done $0x0  }
0x23: {  	[sflag:s8] =	ssyncadd.s32 $0xFFFF8000  }
0x24: {  	v3 =	vld [tilespmem:$0x0];
	_ =	sdelay $0x4  }
0x25: {  	v4 =	vshll.u32 v3, $0x3  }
0x26: {  	v3 =	vand.u32 $0x7, v3;
	v4 =	vand.u32 $0xFFFFFFC0, v4  }
0x27: {  	v3 =	vor.u32 v3, v4  }
0x28: {  	v4 =	vperm.xlane v3, v0;
	_ =	sdelay $0x1  }
0x29: {  	v4 =	vadd.s32 v1, v4;
	_ =	sdelay $0x4  }
0x2a: {  	[hbm4b:s3+s2] =	stream.indirect_vreg.scatter [tilespmem:s29], [sflag:$0x1], $0x80, v4, vm0, $0xb8;
	[tilespmem:$0x10200] =	vst v63  }
0x2b: {  	s9 =	simm.s32 $0xA00;
	v3 =	vperm.xlane v3, v2  }
0x2c: {  	[hbm4b:s4+s2] =	stream.indirect_vreg.scatter [tilespmem:s9], [sflag:$0x1], $0x80, v4, vm0, $0xb8;
	[tilespmem:$0x10200] =	vst v63  }
0x2d: {  	s10 =	simm.s32 $0x1200;
	v3 =	vadd.s32 v1, v3  }
0x2e: {  	[hbm4b:s5+s2] =	stream.indirect_vreg.scatter [tilespmem:s10], [sflag:$0x1], $0x80, v4, vm0, $0xb8;
	[tilespmem:$0x10200] =	vst v63  }
0x2f: {  	s11 =	simm.s32 $0x1A00  }
0x30: {  	[hbm4b:s6+s2] =	stream.indirect_vreg.scatter [tilespmem:s11], [sflag:$0x1], $0x80, v4, vm0, $0xb8;
	[tilespmem:$0x10200] =	vst v63  }
0x31: {  	_ = 	snop  }
0x32: {  	[hbm4b:s3+s2] =	stream.indirect_vreg.scatter [tilespmem:s30], [sflag:$0x1], $0x80, v3, vm0, $0xb8;
	[tilespmem:$0x10200] =	vst v63  }
0x33: {  	_ = 	snop  }
0x34: {  	[hbm4b:s4+s2] =	stream.indirect_vreg.scatter [tilespmem:s31], [sflag:$0x1], $0x80, v3, vm0, $0xb8;
	[tilespmem:$0x10200] =	vst v63  }
0x35: {  	s12 =	simm.s32 $0x3200  }
0x36: {  	[hbm4b:s5+s2] =	stream.indirect_vreg.scatter [tilespmem:s12], [sflag:$0x1], $0x80, v3, vm0, $0xb8;
	[tilespmem:$0x10200] =	vst v63  }
0x37: {  	s10 =	simm.s32 $0x3A00  }
0x38: {  	[hbm4b:s6+s2] =	stream.indirect_vreg.scatter [tilespmem:s10], [sflag:$0x1], $0x80, v3, vm0, $0xb8;
	[tilespmem:$0x10200] =	vst v63  }
0x39: {  	v3 =	vld [tilespmem:$0x10];
	_ =	sdelay $0x4  }
0x3a: {  	v49 =	vshll.u32 v3, $0x3  }
0x3b: {  	v3 =	vand.u32 $0x7, v3;
	v4 =	vand.u32 $0xFFFFFFC0, v49  }
0x3c: {  	v3 =	vor.u32 v3, v4  }
0x3d: {  	v4 =	vperm.xlane v3, v0;
	_ =	sdelay $0x1  }
0x3e: {  	v4 =	vadd.s32 v1, v4;
	_ =	sdelay $0x3  }
0x3f: {  	s13 =	simm.s32 $0x4200  }
0x40: {  	[hbm4b:s3+s2] =	stream.indirect_vreg.scatter [tilespmem:s13], [sflag:$0x1], $0x80, v4, vm0, $0xb8;
	[tilespmem:$0x10200] =	vst v63  }
0x41: {  	s14 =	simm.s32 $0x4A00;
	v3 =	vperm.xlane v3, v2  }
0x42: {  	[hbm4b:s4+s2] =	stream.indirect_vreg.scatter [tilespmem:s14], [sflag:$0x1], $0x80, v4, vm0, $0xb8;
	[tilespmem:$0x10200] =	vst v63  }
0x43: {  	s15 =	simm.s32 $0x5200;
	v3 =	vadd.s32 v1, v3  }
0x44: {  	[hbm4b:s5+s2] =	stream.indirect_vreg.scatter [tilespmem:s15], [sflag:$0x1], $0x80, v4, vm0, $0xb8;
	[tilespmem:$0x10200] =	vst v63  }
0x45: {  	s11 =	simm.s32 $0x5A00  }
0x46: {  	[hbm4b:s6+s2] =	stream.indirect_vreg.scatter [tilespmem:s11], [sflag:$0x1], $0x80, v4, vm0, $0xb8;
	[tilespmem:$0x10200] =	vst v63  }
0x47: {  	s16 =	simm.s32 $0x6200  }
0x48: {  	[hbm4b:s3+s2] =	stream.indirect_vreg.scatter [tilespmem:s16], [sflag:$0x1], $0x80, v3, vm0, $0xb8;
	[tilespmem:$0x10200] =	vst v63  }
0x49: {  	s13 =	simm.s32 $0x6A00  }
0x4a: {  	[hbm4b:s4+s2] =	stream.indirect_vreg.scatter [tilespmem:s13], [sflag:$0x1], $0x80, v3, vm0, $0xb8;
	[tilespmem:$0x10200] =	vst v63  }
0x4b: {  	s21 =	simm.s32 $0x7200  }
0x4c: {  	[hbm4b:s5+s2] =	stream.indirect_vreg.scatter [tilespmem:s21], [sflag:$0x1], $0x80, v3, vm0, $0xb8;
	[tilespmem:$0x10200] =	vst v63  }
0x4d: {  	s22 =	simm.s32 $0x7A00  }
0x4e: {  	[hbm4b:s6+s2] =	stream.indirect_vreg.scatter [tilespmem:s22], [sflag:$0x1], $0x80, v3, vm0, $0xb8;
	[tilespmem:$0x10200] =	vst v63  }
0x4f: {  	v3 =	vld [tilespmem:$0x100];
	_ =	sdelay $0x4  }
0x50: {  	v50 =	vshll.u32 v3, $0x3  }
0x51: {  	v3 =	vand.u32 $0x7, v3;
	v4 =	vand.u32 $0xFFFFFFC0, v50  }
0x52: {  	v3 =	vor.u32 v3, v4  }
0x53: {  	v4 =	vperm.xlane v3, v0;
	_ =	sdelay $0x1  }
0x54: {  	v4 =	vadd.s32 v1, v4;
	_ =	sdelay $0x4  }
0x55: {  	[hbm4b:s3+s2] =	stream.indirect_vreg.scatter [tilespmem:s29], [sflag:$0x1], $0x80, v4, vm0, $0xb8;
	[tilespmem:$0x10200] =	vst v63  }
0x56: {  	s17 =	simm.s32 $0xA00;
	v3 =	vperm.xlane v3, v2  }
0x57: {  	[hbm4b:s4+s2] =	stream.indirect_vreg.scatter [tilespmem:s17], [sflag:$0x1], $0x80, v4, vm0, $0xb8;
	[tilespmem:$0x10200] =	vst v63  }
0x58: {  	s1 =	simm.s32 $0x1200;
	v3 =	vadd.s32 v1, v3  }
0x59: {  	[hbm4b:s5+s2] =	stream.indirect_vreg.scatter [tilespmem:s1], [sflag:$0x1], $0x80, v4, vm0, $0xb8;
	[tilespmem:$0x10200] =	vst v63  }
0x5a: {  	s9 =	simm.s32 $0x1A00  }
0x5b: {  	[hbm4b:s6+s2] =	stream.indirect_vreg.scatter [tilespmem:s9], [sflag:$0x1], $0x80, v4, vm0, $0xb8;
	[tilespmem:$0x10200] =	vst v63  }
0x5c: {  	_ = 	snop  }
0x5d: {  	[hbm4b:s3+s2] =	stream.indirect_vreg.scatter [tilespmem:s30], [sflag:$0x1], $0x80, v3, vm0, $0xb8;
	[tilespmem:$0x10200] =	vst v63  }
0x5e: {  	_ = 	snop  }
0x5f: {  	[hbm4b:s4+s2] =	stream.indirect_vreg.scatter [tilespmem:s31], [sflag:$0x1], $0x80, v3, vm0, $0xb8;
	[tilespmem:$0x10200] =	vst v63  }
0x60: {  	s12 =	simm.s32 $0x3200  }
0x61: {  	[hbm4b:s5+s2] =	stream.indirect_vreg.scatter [tilespmem:s12], [sflag:$0x1], $0x80, v3, vm0, $0xb8;
	[tilespmem:$0x10200] =	vst v63  }
0x62: {  	_ = 	snop  }
0x63: {  	[hbm4b:s6+s2] =	stream.indirect_vreg.scatter [tilespmem:s10], [sflag:$0x1], $0x80, v3, vm0, $0xb8;
	[tilespmem:$0x10200] =	vst v63  }
0x64: {  	v3 =	vld [tilespmem:$0x110];
	_ =	sdelay $0x4  }
0x65: {  	v51 =	vshll.u32 v3, $0x3  }
0x66: {  	v3 =	vand.u32 $0x7, v3;
	v4 =	vand.u32 $0xFFFFFFC0, v51  }
0x67: {  	v3 =	vor.u32 v3, v4  }
0x68: {  	v4 =	vperm.xlane v3, v0;
	_ =	sdelay $0x1  }
0x69: {  	v4 =	vadd.s32 v1, v4;
	_ =	sdelay $0x3  }
0x6a: {  	s18 =	simm.s32 $0x4200  }
0x6b: {  	[hbm4b:s3+s2] =	stream.indirect_vreg.scatter [tilespmem:s18], [sflag:$0x1], $0x80, v4, vm0, $0xb8;
	[tilespmem:$0x10200] =	vst v63  }
0x6c: {  	s19 =	simm.s32 $0x4A00;
	v3 =	vperm.xlane v3, v2  }
0x6d: {  	[hbm4b:s4+s2] =	stream.indirect_vreg.scatter [tilespmem:s19], [sflag:$0x1], $0x80, v4, vm0, $0xb8;
	[tilespmem:$0x10200] =	vst v63  }
0x6e: {  	s14 =	simm.s32 $0x5200;
	v3 =	vadd.s32 v1, v3  }
0x6f: {  	[hbm4b:s5+s2] =	stream.indirect_vreg.scatter [tilespmem:s14], [sflag:$0x1], $0x80, v4, vm0, $0xb8;
	[tilespmem:$0x10200] =	vst v63  }
0x70: {  	_ = 	snop  }
0x71: {  	[hbm4b:s6+s2] =	stream.indirect_vreg.scatter [tilespmem:s11], [sflag:$0x1], $0x80, v4, vm0, $0xb8;
	[tilespmem:$0x10200] =	vst v63  }
0x72: {  	s15 =	simm.s32 $0x6200  }
0x73: {  	[hbm4b:s3+s2] =	stream.indirect_vreg.scatter [tilespmem:s15], [sflag:$0x1], $0x80, v3, vm0, $0xb8;
	[tilespmem:$0x10200] =	vst v63  }
0x74: {  	_ = 	snop  }
0x75: {  	[hbm4b:s4+s2] =	stream.indirect_vreg.scatter [tilespmem:s13], [sflag:$0x1], $0x80, v3, vm0, $0xb8;
	[tilespmem:$0x10200] =	vst v63  }
0x76: {  	s16 =	simm.s32 $0x7200  }
0x77: {  	[hbm4b:s5+s2] =	stream.indirect_vreg.scatter [tilespmem:s16], [sflag:$0x1], $0x80, v3, vm0, $0xb8;
	[tilespmem:$0x10200] =	vst v63  }
0x78: {  	s26 =	simm.s32 $0x7A00  }
0x79: {  	[hbm4b:s6+s2] =	stream.indirect_vreg.scatter [tilespmem:s26], [sflag:$0x1], $0x80, v3, vm0, $0xb8;
	[tilespmem:$0x10200] =	vst v63  }
0x7a: {  	s15 =	rddreg [dreg:$0x6];
	s16 =	simm.s32 $0x80  }
0x7b: {  	[tilespmem:s16], [sflag:$0x3] =	stream.linear.gather [hbm4b:s15+s2], $0x20, $0x38;
	[tilespmem:$0x10200] =	vst v63  }
0x7c: {  	_ =	swait.ge [sflag:s8], $0x20  }
0x7d: {  	[sflag:s8] =	ssyncset.done $0x0  }
0x7e: {  	s18 =	simm.s32 $0x180;
	s17 =	rddreg [dreg:$0x7];
	[sflag:s8] =	ssyncadd.s32 $0xFFFFFFE0  }
0x7f: {  	[tilespmem:s18], [sflag:$0x3] =	stream.linear.gather [hbm4b:s17+s2], $0x20, $0x38;
	[tilespmem:$0x10200] =	vst v63  }
0x80: {  	_ =	swait.ge [sflag:s8], $0x20  }
0x81: {  	[sflag:s8] =	ssyncset.done $0x0  }
0x82: {  	s9 =	simm.s32 $0x8200;
	s19 =	rddreg [dreg:$0x8];
	[sflag:s8] =	ssyncadd.s32 $0xFFFFFFE0  }
0x83: {  	[tilespmem:s9], [sflag:$0x3] =	stream.linear.gather [hbm4b:s19+s2], $0x8000, $0x38;
	[tilespmem:$0x10200] =	vst v63  }
0x84: {  	_ =	swait.ge [sflag:s8], $0x8000  }
0x85: {  	[sflag:s8] =	ssyncset.done $0x0  }
0x86: {  	[sflag:s8] =	ssyncadd.s32 $0xFFFF8000  }
0x87: {  	v3 =	vld [tilespmem:$0x80];
	_ =	sdelay $0x4  }
0x88: {  	v52 =	vshll.u32 v3, $0x3  }
0x89: {  	v3 =	vand.u32 $0x7, v3;
	v4 =	vand.u32 $0xFFFFFFC0, v52  }
0x8a: {  	v3 =	vor.u32 v3, v4  }
0x8b: {  	v4 =	vperm.xlane v3, v0;
	_ =	sdelay $0x1  }
0x8c: {  	v4 =	vadd.s32 v1, v4;
	_ =	sdelay $0x4  }
0x8d: {  	[hbm4b:s3+s2] =	stream.indirect_vreg.scatter [tilespmem:s9], [sflag:$0x2], $0x80, v4, vm0, $0xb8;
	[tilespmem:$0x10200] =	vst v63  }
0x8e: {  	s21 =	simm.s32 $0x8A00;
	v3 =	vperm.xlane v3, v2  }
0x8f: {  	[hbm4b:s4+s2] =	stream.indirect_vreg.scatter [tilespmem:s21], [sflag:$0x2], $0x80, v4, vm0, $0xb8;
	[tilespmem:$0x10200] =	vst v63  }
0x90: {  	s22 =	simm.s32 $0x9200;
	v3 =	vadd.s32 v1, v3  }
0x91: {  	[hbm4b:s5+s2] =	stream.indirect_vreg.scatter [tilespmem:s22], [sflag:$0x2], $0x80, v4, vm0, $0xb8;
	[tilespmem:$0x10200] =	vst v63  }
0x92: {  	s1 =	simm.s32 $0x9A00  }
0x93: {  	[hbm4b:s6+s2] =	stream.indirect_vreg.scatter [tilespmem:s1], [sflag:$0x2], $0x80, v4, vm0, $0xb8;
	[tilespmem:$0x10200] =	vst v63  }
0x94: {  	s12 =	simm.s32 $0xA200  }
0x95: {  	[hbm4b:s3+s2] =	stream.indirect_vreg.scatter [tilespmem:s12], [sflag:$0x2], $0x80, v3, vm0, $0xb8;
	[tilespmem:$0x10200] =	vst v63  }
0x96: {  	s14 =	simm.s32 $0xAA00  }
0x97: {  	[hbm4b:s4+s2] =	stream.indirect_vreg.scatter [tilespmem:s14], [sflag:$0x2], $0x80, v3, vm0, $0xb8;
	[tilespmem:$0x10200] =	vst v63  }
0x98: {  	s18 =	simm.s32 $0xB200  }
0x99: {  	[hbm4b:s5+s2] =	stream.indirect_vreg.scatter [tilespmem:s18], [sflag:$0x2], $0x80, v3, vm0, $0xb8;
	[tilespmem:$0x10200] =	vst v63  }
0x9a: {  	s19 =	simm.s32 $0xBA00  }
0x9b: {  	[hbm4b:s6+s2] =	stream.indirect_vreg.scatter [tilespmem:s19], [sflag:$0x2], $0x80, v3, vm0, $0xb8;
	[tilespmem:$0x10200] =	vst v63  }
0x9c: {  	v3 =	vld [tilespmem:$0x90];
	_ =	sdelay $0x4  }
0x9d: {  	v53 =	vshll.u32 v3, $0x3  }
0x9e: {  	v3 =	vand.u32 $0x7, v3;
	v4 =	vand.u32 $0xFFFFFFC0, v53  }
0x9f: {  	v3 =	vor.u32 v3, v4  }
0xa0: {  	v4 =	vperm.xlane v3, v0;
	_ =	sdelay $0x1  }
0xa1: {  	v4 =	vadd.s32 v1, v4;
	_ =	sdelay $0x3  }
0xa2: {  	s22 =	simm.s32 $0xC200  }
0xa3: {  	[hbm4b:s3+s2] =	stream.indirect_vreg.scatter [tilespmem:s22], [sflag:$0x2], $0x80, v4, vm0, $0xb8;
	[tilespmem:$0x10200] =	vst v63  }
0xa4: {  	s12 =	simm.s32 $0xCA00;
	v3 =	vperm.xlane v3, v2  }
0xa5: {  	[hbm4b:s4+s2] =	stream.indirect_vreg.scatter [tilespmem:s12], [sflag:$0x2], $0x80, v4, vm0, $0xb8;
	[tilespmem:$0x10200] =	vst v63  }
0xa6: {  	s14 =	simm.s32 $0xD200;
	v3 =	vadd.s32 v1, v3  }
0xa7: {  	[hbm4b:s5+s2] =	stream.indirect_vreg.scatter [tilespmem:s14], [sflag:$0x2], $0x80, v4, vm0, $0xb8;
	[tilespmem:$0x10200] =	vst v63  }
0xa8: {  	s18 =	simm.s32 $0xDA00  }
0xa9: {  	[hbm4b:s6+s2] =	stream.indirect_vreg.scatter [tilespmem:s18], [sflag:$0x2], $0x80, v4, vm0, $0xb8;
	[tilespmem:$0x10200] =	vst v63  }
0xaa: {  	s22 =	simm.s32 $0xE200  }
0xab: {  	[hbm4b:s3+s2] =	stream.indirect_vreg.scatter [tilespmem:s22], [sflag:$0x2], $0x80, v3, vm0, $0xb8;
	[tilespmem:$0x10200] =	vst v63  }
0xac: {  	s12 =	simm.s32 $0xEA00  }
0xad: {  	[hbm4b:s4+s2] =	stream.indirect_vreg.scatter [tilespmem:s12], [sflag:$0x2], $0x80, v3, vm0, $0xb8;
	[tilespmem:$0x10200] =	vst v63  }
0xae: {  	s14 =	simm.s32 $0xF200  }
0xaf: {  	[hbm4b:s5+s2] =	stream.indirect_vreg.scatter [tilespmem:s14], [sflag:$0x2], $0x80, v3, vm0, $0xb8;
	[tilespmem:$0x10200] =	vst v63  }
0xb0: {  	s21 =	simm.s32 $0xFA00  }
0xb1: {  	[hbm4b:s6+s2] =	stream.indirect_vreg.scatter [tilespmem:s21], [sflag:$0x2], $0x80, v3, vm0, $0xb8;
	[tilespmem:$0x10200] =	vst v63  }
0xb2: {  	v3 =	vld [tilespmem:$0x180];
	_ =	sdelay $0x4  }
0xb3: {  	v54 =	vshll.u32 v3, $0x3  }
0xb4: {  	v3 =	vand.u32 $0x7, v3;
	v4 =	vand.u32 $0xFFFFFFC0, v54  }
0xb5: {  	v3 =	vor.u32 v3, v4  }
0xb6: {  	v4 =	vperm.xlane v3, v0;
	_ =	sdelay $0x1  }
0xb7: {  	v4 =	vadd.s32 v1, v4;
	_ =	sdelay $0x4  }
0xb8: {  	[hbm4b:s3+s2] =	stream.indirect_vreg.scatter [tilespmem:s9], [sflag:$0x2], $0x80, v4, vm0, $0xb8;
	[tilespmem:$0x10200] =	vst v63  }
0xb9: {  	s26 =	simm.s32 $0x8A00;
	v3 =	vperm.xlane v3, v2  }
0xba: {  	[hbm4b:s4+s2] =	stream.indirect_vreg.scatter [tilespmem:s26], [sflag:$0x2], $0x80, v4, vm0, $0xb8;
	[tilespmem:$0x10200] =	vst v63  }
0xbb: {  	s15 =	simm.s32 $0x9200;
	v3 =	vadd.s32 v1, v3  }
0xbc: {  	[hbm4b:s5+s2] =	stream.indirect_vreg.scatter [tilespmem:s15], [sflag:$0x2], $0x80, v4, vm0, $0xb8;
	[tilespmem:$0x10200] =	vst v63  }
0xbd: {  	s16 =	simm.s32 $0x9A00  }
0xbe: {  	[hbm4b:s6+s2] =	stream.indirect_vreg.scatter [tilespmem:s16], [sflag:$0x2], $0x80, v4, vm0, $0xb8;
	[tilespmem:$0x10200] =	vst v63  }
0xbf: {  	s17 =	simm.s32 $0xA200  }
0xc0: {  	[hbm4b:s3+s2] =	stream.indirect_vreg.scatter [tilespmem:s17], [sflag:$0x2], $0x80, v3, vm0, $0xb8;
	[tilespmem:$0x10200] =	vst v63  }
0xc1: {  	s0 =	simm.s32 $0xAA00  }
0xc2: {  	[hbm4b:s4+s2] =	stream.indirect_vreg.scatter [tilespmem:s0], [sflag:$0x2], $0x80, v3, vm0, $0xb8;
	[tilespmem:$0x10200] =	vst v63  }
0xc3: {  	s1 =	simm.s32 $0xB200  }
0xc4: {  	[hbm4b:s5+s2] =	stream.indirect_vreg.scatter [tilespmem:s1], [sflag:$0x2], $0x80, v3, vm0, $0xb8;
	[tilespmem:$0x10200] =	vst v63  }
0xc5: {  	_ = 	snop  }
0xc6: {  	[hbm4b:s6+s2] =	stream.indirect_vreg.scatter [tilespmem:s23], [sflag:$0x2], $0x80, v3, vm0, $0xb8;
	[tilespmem:$0x10200] =	vst v63  }
0xc7: {  	v3 =	vld [tilespmem:$0x190];
	_ =	sdelay $0x4  }
0xc8: {  	v55 =	vshll.u32 v3, $0x3  }
0xc9: {  	v3 =	vand.u32 $0x7, v3;
	v4 =	vand.u32 $0xFFFFFFC0, v55  }
0xca: {  	v3 =	vor.u32 v3, v4  }
0xcb: {  	v4 =	vperm.xlane v3, v0;
	_ =	sdelay $0x1  }
0xcc: {  	v4 =	vadd.s32 v1, v4;
	_ =	sdelay $0x4  }
0xcd: {  	[hbm4b:s3+s2] =	stream.indirect_vreg.scatter [tilespmem:s24], [sflag:$0x2], $0x80, v4, vm0, $0xb8;
	[tilespmem:$0x10200] =	vst v63  }
0xce: {  	v3 =	vperm.xlane v3, v2  }
0xcf: {  	[hbm4b:s4+s2] =	stream.indirect_vreg.scatter [tilespmem:s25], [sflag:$0x2], $0x80, v4, vm0, $0xb8;
	[tilespmem:$0x10200] =	vst v63  }
0xd0: {  	s19 =	simm.s32 $0xD200;
	v3 =	vadd.s32 v1, v3  }
0xd1: {  	[hbm4b:s5+s2] =	stream.indirect_vreg.scatter [tilespmem:s19], [sflag:$0x2], $0x80, v4, vm0, $0xb8;
	[tilespmem:$0x10200] =	vst v63  }
0xd2: {  	s18 =	simm.s32 $0xDA00  }
0xd3: {  	[hbm4b:s6+s2] =	stream.indirect_vreg.scatter [tilespmem:s18], [sflag:$0x2], $0x80, v4, vm0, $0xb8;
	[tilespmem:$0x10200] =	vst v63  }
0xd4: {  	s22 =	simm.s32 $0xE200  }
0xd5: {  	[hbm4b:s3+s2] =	stream.indirect_vreg.scatter [tilespmem:s22], [sflag:$0x2], $0x80, v3, vm0, $0xb8;
	[tilespmem:$0x10200] =	vst v63  }
0xd6: {  	s12 =	simm.s32 $0xEA00  }
0xd7: {  	[hbm4b:s4+s2] =	stream.indirect_vreg.scatter [tilespmem:s12], [sflag:$0x2], $0x80, v3, vm0, $0xb8;
	[tilespmem:$0x10200] =	vst v63  }
0xd8: {  	s14 =	simm.s32 $0xF200  }
0xd9: {  	[hbm4b:s5+s2] =	stream.indirect_vreg.scatter [tilespmem:s14], [sflag:$0x2], $0x80, v3, vm0, $0xb8;
	[tilespmem:$0x10200] =	vst v63  }
0xda: {  	s21 =	simm.s32 $0xFA00  }
0xdb: {  	[hbm4b:s6+s2] =	stream.indirect_vreg.scatter [tilespmem:s21], [sflag:$0x2], $0x80, v3, vm0, $0xb8;
	[tilespmem:$0x10200] =	vst v63  }
0xdc: {  	_ =	swait.ge [sflag:s28], $0x8000  }
0xdd: {  	[sflag:s28] =	ssyncset.done $0x0  }
0xde: {  	[sflag:s28] =	ssyncadd.s32 $0xFFFF8000  }
0xdf: {  	_ =	swait.ge [sflag:s28], $0x8000  }
0xe0: {  	[sflag:s28] =	ssyncset.done $0x0  }
0xe1: {  	s0 =	rddreg [dreg:$0x9];
	[sflag:s28] =	ssyncadd.s32 $0xFFFF8000  }
0xe2: {  	[tilespmem:s2], [sflag:$0x3] =	stream.linear.gather [hbm4b:s0+s2], $0x20, $0x38;
	[tilespmem:$0x10200] =	vst v63  }
0xe3: {  	_ =	swait.ge [sflag:s8], $0x20  }
0xe4: {  	[sflag:s8] =	ssyncset.done $0x0  }
0xe5: {  	s12 =	simm.s32 $0x100;
	s1 =	rddreg [dreg:$0xa];
	[sflag:s8] =	ssyncadd.s32 $0xFFFFFFE0  }
0xe6: {  	[tilespmem:s12], [sflag:$0x3] =	stream.linear.gather [hbm4b:s1+s2], $0x20, $0x38;
	[tilespmem:$0x10200] =	vst v63  }
0xe7: {  	_ =	swait.ge [sflag:s8], $0x20  }
0xe8: {  	[sflag:s8] =	ssyncset.done $0x0  }
0xe9: {  	s14 =	rddreg [dreg:$0xb];
	[sflag:s8] =	ssyncadd.s32 $0xFFFFFFE0  }
0xea: {  	[tilespmem:s29], [sflag:$0x3] =	stream.linear.gather [hbm4b:s14+s2], $0x8000, $0x38;
	[tilespmem:$0x10200] =	vst v63  }
0xeb: {  	_ =	swait.ge [sflag:s8], $0x8000  }
0xec: {  	[sflag:s8] =	ssyncset.done $0x0  }
0xed: {  	[sflag:s8] =	ssyncadd.s32 $0xFFFF8000  }
0xee: {  	v3 =	vld [tilespmem:$0x0];
	_ =	sdelay $0x4  }
0xef: {  	v56 =	vshll.u32 v3, $0x3  }
0xf0: {  	v3 =	vand.u32 $0x7, v3;
	v4 =	vand.u32 $0xFFFFFFC0, v56  }
0xf1: {  	v3 =	vor.u32 v3, v4  }
0xf2: {  	v4 =	vperm.xlane v3, v0;
	_ =	sdelay $0x1  }
0xf3: {  	v4 =	vadd.s32 v1, v4;
	_ =	sdelay $0x4  }
0xf4: {  	[hbm4b:s3+s2] =	stream.indirect_vreg.scatter [tilespmem:s29], [sflag:$0x1], $0x80, v4, vm0, $0xb8;
	[tilespmem:$0x10200] =	vst v63  }
0xf5: {  	s17 =	simm.s32 $0xA00;
	v3 =	vperm.xlane v3, v2  }
0xf6: {  	[hbm4b:s4+s2] =	stream.indirect_vreg.scatter [tilespmem:s17], [sflag:$0x1], $0x80, v4, vm0, $0xb8;
	[tilespmem:$0x10200] =	vst v63  }
0xf7: {  	s0 =	simm.s32 $0x1200;
	v3 =	vadd.s32 v1, v3  }
0xf8: {  	[hbm4b:s5+s2] =	stream.indirect_vreg.scatter [tilespmem:s0], [sflag:$0x1], $0x80, v4, vm0, $0xb8;
	[tilespmem:$0x10200] =	vst v63  }
0xf9: {  	s1 =	simm.s32 $0x1A00  }
0xfa: {  	[hbm4b:s6+s2] =	stream.indirect_vreg.scatter [tilespmem:s1], [sflag:$0x1], $0x80, v4, vm0, $0xb8;
	[tilespmem:$0x10200] =	vst v63  }
0xfb: {  	_ = 	snop  }
0xfc: {  	[hbm4b:s3+s2] =	stream.indirect_vreg.scatter [tilespmem:s30], [sflag:$0x1], $0x80, v3, vm0, $0xb8;
	[tilespmem:$0x10200] =	vst v63  }
0xfd: {  	_ = 	snop  }
0xfe: {  	[hbm4b:s4+s2] =	stream.indirect_vreg.scatter [tilespmem:s31], [sflag:$0x1], $0x80, v3, vm0, $0xb8;
	[tilespmem:$0x10200] =	vst v63  }
0xff: {  	s12 =	simm.s32 $0x3200  }
0x100: {  	[hbm4b:s5+s2] =	stream.indirect_vreg.scatter [tilespmem:s12], [sflag:$0x1], $0x80, v3, vm0, $0xb8;
	[tilespmem:$0x10200] =	vst v63  }
0x101: {  	_ = 	snop  }
0x102: {  	[hbm4b:s6+s2] =	stream.indirect_vreg.scatter [tilespmem:s10], [sflag:$0x1], $0x80, v3, vm0, $0xb8;
	[tilespmem:$0x10200] =	vst v63  }
0x103: {  	v3 =	vld [tilespmem:$0x10];
	_ =	sdelay $0x4  }
0x104: {  	v57 =	vshll.u32 v3, $0x3  }
0x105: {  	v3 =	vand.u32 $0x7, v3;
	v4 =	vand.u32 $0xFFFFFFC0, v57  }
0x106: {  	v3 =	vor.u32 v3, v4  }
0x107: {  	v4 =	vperm.xlane v3, v0;
	_ =	sdelay $0x1  }
0x108: {  	v4 =	vadd.s32 v1, v4;
	_ =	sdelay $0x3  }
0x109: {  	s18 =	simm.s32 $0x4200  }
0x10a: {  	[hbm4b:s3+s2] =	stream.indirect_vreg.scatter [tilespmem:s18], [sflag:$0x1], $0x80, v4, vm0, $0xb8;
	[tilespmem:$0x10200] =	vst v63  }
0x10b: {  	s19 =	simm.s32 $0x4A00;
	v3 =	vperm.xlane v3, v2  }
0x10c: {  	[hbm4b:s4+s2] =	stream.indirect_vreg.scatter [tilespmem:s19], [sflag:$0x1], $0x80, v4, vm0, $0xb8;
	[tilespmem:$0x10200] =	vst v63  }
0x10d: {  	s14 =	simm.s32 $0x5200;
	v3 =	vadd.s32 v1, v3  }
0x10e: {  	[hbm4b:s5+s2] =	stream.indirect_vreg.scatter [tilespmem:s14], [sflag:$0x1], $0x80, v4, vm0, $0xb8;
	[tilespmem:$0x10200] =	vst v63  }
0x10f: {  	_ = 	snop  }
0x110: {  	[hbm4b:s6+s2] =	stream.indirect_vreg.scatter [tilespmem:s11], [sflag:$0x1], $0x80, v4, vm0, $0xb8;
	[tilespmem:$0x10200] =	vst v63  }
0x111: {  	s15 =	simm.s32 $0x6200  }
0x112: {  	[hbm4b:s3+s2] =	stream.indirect_vreg.scatter [tilespmem:s15], [sflag:$0x1], $0x80, v3, vm0, $0xb8;
	[tilespmem:$0x10200] =	vst v63  }
0x113: {  	_ = 	snop  }
0x114: {  	[hbm4b:s4+s2] =	stream.indirect_vreg.scatter [tilespmem:s13], [sflag:$0x1], $0x80, v3, vm0, $0xb8;
	[tilespmem:$0x10200] =	vst v63  }
0x115: {  	s16 =	simm.s32 $0x7200  }
0x116: {  	[hbm4b:s5+s2] =	stream.indirect_vreg.scatter [tilespmem:s16], [sflag:$0x1], $0x80, v3, vm0, $0xb8;
	[tilespmem:$0x10200] =	vst v63  }
0x117: {  	s21 =	simm.s32 $0x7A00  }
0x118: {  	[hbm4b:s6+s2] =	stream.indirect_vreg.scatter [tilespmem:s21], [sflag:$0x1], $0x80, v3, vm0, $0xb8;
	[tilespmem:$0x10200] =	vst v63  }
0x119: {  	v3 =	vld [tilespmem:$0x100];
	_ =	sdelay $0x4  }
0x11a: {  	v58 =	vshll.u32 v3, $0x3  }
0x11b: {  	v3 =	vand.u32 $0x7, v3;
	v4 =	vand.u32 $0xFFFFFFC0, v58  }
0x11c: {  	v3 =	vor.u32 v3, v4  }
0x11d: {  	v4 =	vperm.xlane v3, v0;
	_ =	sdelay $0x1  }
0x11e: {  	v4 =	vadd.s32 v1, v4;
	_ =	sdelay $0x4  }
0x11f: {  	[hbm4b:s3+s2] =	stream.indirect_vreg.scatter [tilespmem:s29], [sflag:$0x1], $0x80, v4, vm0, $0xb8;
	[tilespmem:$0x10200] =	vst v63  }
0x120: {  	v3 =	vperm.xlane v3, v2  }
0x121: {  	[hbm4b:s4+s2] =	stream.indirect_vreg.scatter [tilespmem:s17], [sflag:$0x1], $0x80, v4, vm0, $0xb8;
	[tilespmem:$0x10200] =	vst v63  }
0x122: {  	v3 =	vadd.s32 v1, v3  }
0x123: {  	[hbm4b:s5+s2] =	stream.indirect_vreg.scatter [tilespmem:s0], [sflag:$0x1], $0x80, v4, vm0, $0xb8;
	[tilespmem:$0x10200] =	vst v63  }
0x124: {  	_ = 	snop  }
0x125: {  	[hbm4b:s6+s2] =	stream.indirect_vreg.scatter [tilespmem:s1], [sflag:$0x1], $0x80, v4, vm0, $0xb8;
	[tilespmem:$0x10200] =	vst v63  }
0x126: {  	_ = 	snop  }
0x127: {  	[hbm4b:s3+s2] =	stream.indirect_vreg.scatter [tilespmem:s30], [sflag:$0x1], $0x80, v3, vm0, $0xb8;
	[tilespmem:$0x10200] =	vst v63  }
0x128: {  	_ = 	snop  }
0x129: {  	[hbm4b:s4+s2] =	stream.indirect_vreg.scatter [tilespmem:s31], [sflag:$0x1], $0x80, v3, vm0, $0xb8;
	[tilespmem:$0x10200] =	vst v63  }
0x12a: {  	_ = 	snop  }
0x12b: {  	[hbm4b:s5+s2] =	stream.indirect_vreg.scatter [tilespmem:s12], [sflag:$0x1], $0x80, v3, vm0, $0xb8;
	[tilespmem:$0x10200] =	vst v63  }
0x12c: {  	_ = 	snop  }
0x12d: {  	[hbm4b:s6+s2] =	stream.indirect_vreg.scatter [tilespmem:s10], [sflag:$0x1], $0x80, v3, vm0, $0xb8;
	[tilespmem:$0x10200] =	vst v63  }
0x12e: {  	v3 =	vld [tilespmem:$0x110];
	_ =	sdelay $0x4  }
0x12f: {  	v59 =	vshll.u32 v3, $0x3  }
0x130: {  	v3 =	vand.u32 $0x7, v3;
	v4 =	vand.u32 $0xFFFFFFC0, v59  }
0x131: {  	v3 =	vor.u32 v3, v4  }
0x132: {  	v4 =	vperm.xlane v3, v0;
	_ =	sdelay $0x1  }
0x133: {  	v4 =	vadd.s32 v1, v4;
	_ =	sdelay $0x4  }
0x134: {  	[hbm4b:s3+s2] =	stream.indirect_vreg.scatter [tilespmem:s18], [sflag:$0x1], $0x80, v4, vm0, $0xb8;
	[tilespmem:$0x10200] =	vst v63  }
0x135: {  	v3 =	vperm.xlane v3, v2  }
0x136: {  	[hbm4b:s4+s2] =	stream.indirect_vreg.scatter [tilespmem:s19], [sflag:$0x1], $0x80, v4, vm0, $0xb8;
	[tilespmem:$0x10200] =	vst v63  }
0x137: {  	v3 =	vadd.s32 v1, v3  }
0x138: {  	[hbm4b:s5+s2] =	stream.indirect_vreg.scatter [tilespmem:s14], [sflag:$0x1], $0x80, v4, vm0, $0xb8;
	[tilespmem:$0x10200] =	vst v63  }
0x139: {  	_ = 	snop  }
0x13a: {  	[hbm4b:s6+s2] =	stream.indirect_vreg.scatter [tilespmem:s11], [sflag:$0x1], $0x80, v4, vm0, $0xb8;
	[tilespmem:$0x10200] =	vst v63  }
0x13b: {  	_ = 	snop  }
0x13c: {  	[hbm4b:s3+s2] =	stream.indirect_vreg.scatter [tilespmem:s15], [sflag:$0x1], $0x80, v3, vm0, $0xb8;
	[tilespmem:$0x10200] =	vst v63  }
0x13d: {  	_ = 	snop  }
0x13e: {  	[hbm4b:s4+s2] =	stream.indirect_vreg.scatter [tilespmem:s13], [sflag:$0x1], $0x80, v3, vm0, $0xb8;
	[tilespmem:$0x10200] =	vst v63  }
0x13f: {  	_ = 	snop  }
0x140: {  	[hbm4b:s5+s2] =	stream.indirect_vreg.scatter [tilespmem:s16], [sflag:$0x1], $0x80, v3, vm0, $0xb8;
	[tilespmem:$0x10200] =	vst v63  }
0x141: {  	_ = 	snop  }
0x142: {  	[hbm4b:s6+s2] =	stream.indirect_vreg.scatter [tilespmem:s21], [sflag:$0x1], $0x80, v3, vm0, $0xb8;
	[tilespmem:$0x10200] =	vst v63  }
0x143: {  	_ =	swait.ge [sflag:s20], $0x8000  }
0x144: {  	[sflag:s20] =	ssyncset.done $0x0  }
0x145: {  	[sflag:s20] =	ssyncadd.s32 $0xFFFF8000  }
0x146: {  	_ =	swait.ge [sflag:s20], $0x8000  }
0x147: {  	[sflag:s20] =	ssyncset.done $0x0  }
0x148: {  	s16 =	simm.s32 $0x80;
	s15 =	rddreg [dreg:$0xc];
	[sflag:s20] =	ssyncadd.s32 $0xFFFF8000  }
0x149: {  	[tilespmem:s16], [sflag:$0x3] =	stream.linear.gather [hbm4b:s15+s2], $0x20, $0x38;
	[tilespmem:$0x10200] =	vst v63  }
0x14a: {  	_ =	swait.ge [sflag:s8], $0x20  }
0x14b: {  	[sflag:s8] =	ssyncset.done $0x0  }
0x14c: {  	s18 =	simm.s32 $0x180;
	s17 =	rddreg [dreg:$0xd];
	[sflag:s8] =	ssyncadd.s32 $0xFFFFFFE0  }
0x14d: {  	[tilespmem:s18], [sflag:$0x3] =	stream.linear.gather [hbm4b:s17+s2], $0x20, $0x38;
	[tilespmem:$0x10200] =	vst v63  }
0x14e: {  	_ =	swait.ge [sflag:s8], $0x20  }
0x14f: {  	[sflag:s8] =	ssyncset.done $0x0  }
0x150: {  	s19 =	rddreg [dreg:$0xe];
	[sflag:s8] =	ssyncadd.s32 $0xFFFFFFE0  }
0x151: {  	[tilespmem:s9], [sflag:$0x3] =	stream.linear.gather [hbm4b:s19+s2], $0x8000, $0x38;
	[tilespmem:$0x10200] =	vst v63  }
0x152: {  	_ =	swait.ge [sflag:s8], $0x8000  }
0x153: {  	[sflag:s8] =	ssyncset.done $0x0  }
0x154: {  	[sflag:s8] =	ssyncadd.s32 $0xFFFF8000  }
0x155: {  	v3 =	vld [tilespmem:$0x80];
	_ =	sdelay $0x4  }
0x156: {  	v60 =	vshll.u32 v3, $0x3  }
0x157: {  	v3 =	vand.u32 $0x7, v3;
	v4 =	vand.u32 $0xFFFFFFC0, v60  }
0x158: {  	v3 =	vor.u32 v3, v4  }
0x159: {  	v4 =	vperm.xlane v3, v0;
	_ =	sdelay $0x1  }
0x15a: {  	v4 =	vadd.s32 v1, v4;
	_ =	sdelay $0x4  }
0x15b: {  	[hbm4b:s3+s2] =	stream.indirect_vreg.scatter [tilespmem:s9], [sflag:$0x2], $0x80, v4, vm0, $0xb8;
	[tilespmem:$0x10200] =	vst v63  }
0x15c: {  	s26 =	simm.s32 $0x8A00;
	v3 =	vperm.xlane v3, v2  }
0x15d: {  	[hbm4b:s4+s2] =	stream.indirect_vreg.scatter [tilespmem:s26], [sflag:$0x2], $0x80, v4, vm0, $0xb8;
	[tilespmem:$0x10200] =	vst v63  }
0x15e: {  	s15 =	simm.s32 $0x9200;
	v3 =	vadd.s32 v1, v3  }
0x15f: {  	[hbm4b:s5+s2] =	stream.indirect_vreg.scatter [tilespmem:s15], [sflag:$0x2], $0x80, v4, vm0, $0xb8;
	[tilespmem:$0x10200] =	vst v63  }
0x160: {  	s16 =	simm.s32 $0x9A00  }
0x161: {  	[hbm4b:s6+s2] =	stream.indirect_vreg.scatter [tilespmem:s16], [sflag:$0x2], $0x80, v4, vm0, $0xb8;
	[tilespmem:$0x10200] =	vst v63  }
0x162: {  	s17 =	simm.s32 $0xA200  }
0x163: {  	[hbm4b:s3+s2] =	stream.indirect_vreg.scatter [tilespmem:s17], [sflag:$0x2], $0x80, v3, vm0, $0xb8;
	[tilespmem:$0x10200] =	vst v63  }
0x164: {  	s0 =	simm.s32 $0xAA00  }
0x165: {  	[hbm4b:s4+s2] =	stream.indirect_vreg.scatter [tilespmem:s0], [sflag:$0x2], $0x80, v3, vm0, $0xb8;
	[tilespmem:$0x10200] =	vst v63  }
0x166: {  	s1 =	simm.s32 $0xB200  }
0x167: {  	[hbm4b:s5+s2] =	stream.indirect_vreg.scatter [tilespmem:s1], [sflag:$0x2], $0x80, v3, vm0, $0xb8;
	[tilespmem:$0x10200] =	vst v63  }
0x168: {  	s18 =	simm.s32 $0xBA00  }
0x169: {  	[hbm4b:s6+s2] =	stream.indirect_vreg.scatter [tilespmem:s18], [sflag:$0x2], $0x80, v3, vm0, $0xb8;
	[tilespmem:$0x10200] =	vst v63  }
0x16a: {  	v3 =	vld [tilespmem:$0x90];
	_ =	sdelay $0x4  }
0x16b: {  	v61 =	vshll.u32 v3, $0x3  }
0x16c: {  	v3 =	vand.u32 $0x7, v3;
	v4 =	vand.u32 $0xFFFFFFC0, v61  }
0x16d: {  	v3 =	vor.u32 v3, v4  }
0x16e: {  	v4 =	vperm.xlane v3, v0;
	_ =	sdelay $0x1  }
0x16f: {  	v4 =	vadd.s32 v1, v4;
	_ =	sdelay $0x3  }
0x170: {  	s19 =	simm.s32 $0xC200  }
0x171: {  	[hbm4b:s3+s2] =	stream.indirect_vreg.scatter [tilespmem:s19], [sflag:$0x2], $0x80, v4, vm0, $0xb8;
	[tilespmem:$0x10200] =	vst v63  }
0x172: {  	s21 =	simm.s32 $0xCA00;
	v3 =	vperm.xlane v3, v2  }
0x173: {  	[hbm4b:s4+s2] =	stream.indirect_vreg.scatter [tilespmem:s21], [sflag:$0x2], $0x80, v4, vm0, $0xb8;
	[tilespmem:$0x10200] =	vst v63  }
0x174: {  	s10 =	simm.s32 $0xD200;
	v3 =	vadd.s32 v1, v3  }
0x175: {  	[hbm4b:s5+s2] =	stream.indirect_vreg.scatter [tilespmem:s10], [sflag:$0x2], $0x80, v4, vm0, $0xb8;
	[tilespmem:$0x10200] =	vst v63  }
0x176: {  	s11 =	simm.s32 $0xDA00  }
0x177: {  	[hbm4b:s6+s2] =	stream.indirect_vreg.scatter [tilespmem:s11], [sflag:$0x2], $0x80, v4, vm0, $0xb8;
	[tilespmem:$0x10200] =	vst v63  }
0x178: {  	s13 =	simm.s32 $0xE200  }
0x179: {  	[hbm4b:s3+s2] =	stream.indirect_vreg.scatter [tilespmem:s13], [sflag:$0x2], $0x80, v3, vm0, $0xb8;
	[tilespmem:$0x10200] =	vst v63  }
0x17a: {  	s12 =	simm.s32 $0xEA00  }
0x17b: {  	[hbm4b:s4+s2] =	stream.indirect_vreg.scatter [tilespmem:s12], [sflag:$0x2], $0x80, v3, vm0, $0xb8;
	[tilespmem:$0x10200] =	vst v63  }
0x17c: {  	s14 =	simm.s32 $0xF200  }
0x17d: {  	[hbm4b:s5+s2] =	stream.indirect_vreg.scatter [tilespmem:s14], [sflag:$0x2], $0x80, v3, vm0, $0xb8;
	[tilespmem:$0x10200] =	vst v63  }
0x17e: {  	s22 =	simm.s32 $0xFA00  }
0x17f: {  	[hbm4b:s6+s2] =	stream.indirect_vreg.scatter [tilespmem:s22], [sflag:$0x2], $0x80, v3, vm0, $0xb8;
	[tilespmem:$0x10200] =	vst v63  }
0x180: {  	v3 =	vld [tilespmem:$0x180];
	_ =	sdelay $0x4  }
0x181: {  	v62 =	vshll.u32 v3, $0x3  }
0x182: {  	v3 =	vand.u32 $0x7, v3;
	v4 =	vand.u32 $0xFFFFFFC0, v62  }
0x183: {  	v3 =	vor.u32 v3, v4  }
0x184: {  	v4 =	vperm.xlane v3, v0;
	_ =	sdelay $0x1  }
0x185: {  	v4 =	vadd.s32 v1, v4;
	_ =	sdelay $0x4  }
0x186: {  	[hbm4b:s3+s2] =	stream.indirect_vreg.scatter [tilespmem:s9], [sflag:$0x2], $0x80, v4, vm0, $0xb8;
	[tilespmem:$0x10200] =	vst v63  }
0x187: {  	v3 =	vperm.xlane v3, v2  }
0x188: {  	[hbm4b:s4+s2] =	stream.indirect_vreg.scatter [tilespmem:s26], [sflag:$0x2], $0x80, v4, vm0, $0xb8;
	[tilespmem:$0x10200] =	vst v63  }
0x189: {  	v3 =	vadd.s32 v1, v3  }
0x18a: {  	[hbm4b:s5+s2] =	stream.indirect_vreg.scatter [tilespmem:s15], [sflag:$0x2], $0x80, v4, vm0, $0xb8;
	[tilespmem:$0x10200] =	vst v63  }
0x18b: {  	_ = 	snop  }
0x18c: {  	[hbm4b:s6+s2] =	stream.indirect_vreg.scatter [tilespmem:s16], [sflag:$0x2], $0x80, v4, vm0, $0xb8;
	[tilespmem:$0x10200] =	vst v63  }
0x18d: {  	_ = 	snop  }
0x18e: {  	[hbm4b:s3+s2] =	stream.indirect_vreg.scatter [tilespmem:s17], [sflag:$0x2], $0x80, v3, vm0, $0xb8;
	[tilespmem:$0x10200] =	vst v63  }
0x18f: {  	_ = 	snop  }
0x190: {  	[hbm4b:s4+s2] =	stream.indirect_vreg.scatter [tilespmem:s0], [sflag:$0x2], $0x80, v3, vm0, $0xb8;
	[tilespmem:$0x10200] =	vst v63  }
0x191: {  	_ = 	snop  }
0x192: {  	[hbm4b:s5+s2] =	stream.indirect_vreg.scatter [tilespmem:s1], [sflag:$0x2], $0x80, v3, vm0, $0xb8;
	[tilespmem:$0x10200] =	vst v63  }
0x193: {  	_ = 	snop  }
0x194: {  	[hbm4b:s6+s2] =	stream.indirect_vreg.scatter [tilespmem:s18], [sflag:$0x2], $0x80, v3, vm0, $0xb8;
	[tilespmem:$0x10200] =	vst v63  }
0x195: {  	v3 =	vld [tilespmem:$0x190];
	_ =	sdelay $0x4  }
0x196: {  	v63 =	vshll.u32 v3, $0x3  }
0x197: {  	v3 =	vand.u32 $0x7, v3;
	v4 =	vand.u32 $0xFFFFFFC0, v63  }
0x198: {  	v3 =	vor.u32 v3, v4  }
0x199: {  	v4 =	vperm.xlane v3, v0;
	_ =	sdelay $0x1  }
0x19a: {  	v4 =	vadd.s32 v1, v4;
	_ =	sdelay $0x4  }
0x19b: {  	[hbm4b:s3+s2] =	stream.indirect_vreg.scatter [tilespmem:s19], [sflag:$0x2], $0x80, v4, vm0, $0xb8;
	[tilespmem:$0x10200] =	vst v63  }
0x19c: {  	v3 =	vperm.xlane v3, v2  }
0x19d: {  	[hbm4b:s4+s2] =	stream.indirect_vreg.scatter [tilespmem:s21], [sflag:$0x2], $0x80, v4, vm0, $0xb8;
	[tilespmem:$0x10200] =	vst v63  }
0x19e: {  	v3 =	vadd.s32 v1, v3  }
0x19f: {  	[hbm4b:s5+s2] =	stream.indirect_vreg.scatter [tilespmem:s10], [sflag:$0x2], $0x80, v4, vm0, $0xb8;
	[tilespmem:$0x10200] =	vst v63  }
0x1a0: {  	_ = 	snop  }
0x1a1: {  	[hbm4b:s6+s2] =	stream.indirect_vreg.scatter [tilespmem:s11], [sflag:$0x2], $0x80, v4, vm0, $0xb8;
	[tilespmem:$0x10200] =	vst v63  }
0x1a2: {  	_ = 	snop  }
0x1a3: {  	[hbm4b:s3+s2] =	stream.indirect_vreg.scatter [tilespmem:s13], [sflag:$0x2], $0x80, v3, vm0, $0xb8;
	[tilespmem:$0x10200] =	vst v63  }
0x1a4: {  	_ = 	snop  }
0x1a5: {  	[hbm4b:s4+s2] =	stream.indirect_vreg.scatter [tilespmem:s12], [sflag:$0x2], $0x80, v3, vm0, $0xb8;
	[tilespmem:$0x10200] =	vst v63  }
0x1a6: {  	_ = 	snop  }
0x1a7: {  	[hbm4b:s5+s2] =	stream.indirect_vreg.scatter [tilespmem:s14], [sflag:$0x2], $0x80, v3, vm0, $0xb8;
	[tilespmem:$0x10200] =	vst v63  }
0x1a8: {  	_ = 	snop  }
0x1a9: {  	[hbm4b:s6+s2] =	stream.indirect_vreg.scatter [tilespmem:s22], [sflag:$0x2], $0x80, v3, vm0, $0xb8;
	[tilespmem:$0x10200] =	vst v63  }
0x1aa: {  	_ =	swait.ge [sflag:s28], $0x8000  }
0x1ab: {  	[sflag:s28] =	ssyncset.done $0x0  }
0x1ac: {  	[sflag:s28] =	ssyncadd.s32 $0xFFFF8000  }
0x1ad: {  	_ =	swait.ge [sflag:s28], $0x8000  }
0x1ae: {  	[sflag:s28] =	ssyncset.done $0x0  }
0x1af: {  	[sflag:s28] =	ssyncadd.s32 $0xFFFF8000  }
0x1b0: {  	p0 =	sne.s32 s7, $0x1;
	_ =	swait.ge [sflag:s20], $0x8000  }
.Ltmp0:
0x1b1: {  	[sflag:s20] =	ssyncset.done $0x0;
	(pc) =	sbr.rel @p0 .LBB2_1-.Ltmp0, $4  }
0x1b2: {  	[sflag:s20] =	ssyncadd.s32 $0xFFFF8000  }
0x1b3: {  	_ =	swait.ge [sflag:s20], $0x8000  }
0x1b4: {  	[sflag:s20] =	ssyncset.done $0x0  }
0x1b5: {  	s7 =	sadd.s32 $0xFFFFFFFF, s7;
	[sflag:s20] =	ssyncadd.s32 $0xFFFF8000  }
0x1b6: {  	_ =	sfence.sel $0x180000  }
0x1b7: {  	[bflag:$0x0] =	sbarrier.arrive $0xFFFF  }
0x1b8: {  	_ =	strace $0x90000047  }
0x1b9: {  	s0 =	stileid.u32;
	[bflag:$0x2] =	sbarrier.arrive $0xFFFF  }
0x1ba: {  	p0 =	sne.s32 s0, $0x0;
	s0 =	rddreg [dreg:$0x2]  }
0x1bb: {  	s0 =	sadd.s32 @!p0 $0x100000, s0  }
0x1bc: {  	[sflag:s0] =	ssyncadd.tile.s32 @!p0 $0x1;
	_ =	shalt  }
.Lfunc_end2:
_tile_overlayer_lowered:
.L_overlay_start_2:
0x1bd: {  	(tag) =	ssettag $0x2  }
0x1be: {  	s0 =	rddreg [dreg:$0x0];
	s2 =	stileid.u32  }
0x1bf: {  	s1 =	rddreg [dreg:$0x1];
	p0 =	sne.s32 s2, $0x0  }
0x1c0: {  	s3 =	rddreg [dreg:$0x2];
	[bflag:$0x3] =	sbarrier.arrive $0xFFFF;
	s2 =	simm.s32 @!p0 $0x1C03  }
0x1c1: {  	[timem:s3], [sflag:s2] =	dma.local @!p0 [hbm:s0], s1  }
0x1c2: {  	s0 =	simm.s32 @!p0 $0x3  }
0x1c3: {  	_ =	swait.ge @!p0 [sflag:s0], s1  }
0x1c4: {  	s1 =	ssub.s32 @!p0 $0x0, s1;
	[sflag:s0] =	ssyncset.done @!p0 $0x0  }
0x1c5: {  	[sflag:s0] =	ssyncadd.s32 @!p0 s1  }
0x1c6: {  	[bflag:$0x3] =	sbarrier.arrive $0xFFFF  }
0x1c7: {  	_ =	shalt  }

</sc_bundles>
